<compile_context>
chip_gen: v7x
topology: tpu7x:2x2x1
jax: 0.10.2.dev20260603
libtpu: 0.0.44.dev20260713+nightly
codegen_flags: <defaults>
</compile_context>

<pallas_src>
import functools

import jax
import jax.numpy as jnp
from jax import lax
from jax.experimental import pallas as pl
from jax.experimental.pallas import tpu as pltpu
from jax.experimental.pallas import tpu_sc as plsc

N_PAD = 10240
NC, NS = 2, 16
NW = NC * NS
CHUNK = 128
E_PAD = 327680
EPT = E_PAD // NW
NCHUNK = EPT // CHUNK
STRIPE = N_PAD // NS
ROWBLK = 1000
NBLK = 10
PMASK = 16383

_SC_PARAMS = pltpu.CompilerParams(needs_layout_passes=False)
_SC_MESH = dict(core_axis_name="c", subcore_axis_name="s")


DEGSZ = 2 * N_PAD
DSTRIPE = DEGSZ // NS


def _deg_body(pk_hbm, zd_hbm, out_hbm, idx_v, deg_v, acc_v, tmp_v, parts_sh):
    cid = lax.axis_index("c")
    sid = lax.axis_index("s")
    wid = cid * NS + sid
    pltpu.sync_copy(zd_hbm, deg_v)

    ones = jnp.full((16,), 1.0, jnp.float32)
    pltpu.sync_copy(pk_hbm.at[wid], idx_v)

    def acc(i, carry):
        v = idx_v[pl.ds(i * 16, 16)]
        plsc.addupdate_scatter(deg_v, [v & PMASK], ones)
        plsc.addupdate_scatter(deg_v, [(v >> 14) + N_PAD], ones)
        return carry

    lax.fori_loop(0, EPT // 16, acc, 0)

    pltpu.sync_copy(deg_v, parts_sh.at[sid])
    plsc.subcore_barrier()

    s0 = sid * DSTRIPE
    pltpu.sync_copy(parts_sh.at[:, pl.ds(s0, DSTRIPE)], tmp_v)

    def red(i, carry):
        sl = pl.ds(i * 16, 16)
        s = tmp_v[0, sl]
        for p in range(1, NS):
            s = s + tmp_v[p, sl]
        acc_v[sl] = s
        return carry

    lax.fori_loop(0, DSTRIPE // 16, red, 0)
    pltpu.sync_copy(acc_v, out_hbm.at[cid, pl.ds(s0, DSTRIPE)])


_deg_kernel = functools.partial(
    pl.kernel,
    out_type=jax.ShapeDtypeStruct((NC, DEGSZ), jnp.float32),
    mesh=plsc.VectorSubcoreMesh(**_SC_MESH),
    compiler_params=_SC_PARAMS,
    scratch_types=[
        pltpu.VMEM((EPT,), jnp.int32),
        pltpu.VMEM((DEGSZ,), jnp.float32),
        pltpu.VMEM((DSTRIPE,), jnp.float32),
        pltpu.VMEM((NS, DSTRIPE), jnp.float32),
        pltpu.VMEM_SHARED((NS, DEGSZ), jnp.float32),
    ],
)(_deg_body)


def _agg_body(h_hbm, pk_hbm, zero_hbm, out_hbm,
              pk_v, si0, si1, di0, di1, buf_v, agg_sh, sem0, sem1):
    cid = lax.axis_index("c")
    sid = lax.axis_index("s")
    wid = cid * NS + sid
    pltpu.sync_copy(pk_hbm.at[wid], pk_v)

    sidx = (si0, si1)
    didx = (di0, di1)

    def unpack(j, slot):
        for k in range(CHUNK // 16):
            sl = pl.ds(k * 16, 16)
            v = pk_v[j, sl]
            sidx[slot][sl] = v & PMASK
            didx[slot][sl] = v >> 14

    r0 = sid * STRIPE
    pltpu.sync_copy(zero_hbm.at[pl.ds(r0, STRIPE)], agg_sh.at[pl.ds(r0, STRIPE)])
    plsc.subcore_barrier()

    unpack(0, 0)
    pltpu.async_copy(h_hbm.at[si0], buf_v.at[0], sem0)

    def step(i, carry):
        j0 = 2 * i
        j1 = 2 * i + 1
        unpack(j1, 1)
        pltpu.async_copy(h_hbm.at[si1], buf_v.at[1], sem1)
        pltpu.make_async_copy(h_hbm.at[si0], buf_v.at[0], sem0).wait()
        pltpu.sync_copy(buf_v.at[0], agg_sh.at[di0], add=True)

        @pl.when(j1 + 1 < NCHUNK)
        def _():
            unpack(j1 + 1, 0)
            pltpu.async_copy(h_hbm.at[si0], buf_v.at[0], sem0)

        pltpu.make_async_copy(h_hbm.at[si1], buf_v.at[1], sem1).wait()
        pltpu.sync_copy(buf_v.at[1], agg_sh.at[di1], add=True)
        return carry

    lax.fori_loop(0, NCHUNK // 2, step, 0)
    plsc.subcore_barrier()
    pltpu.sync_copy(agg_sh.at[pl.ds(r0, STRIPE)],
                    out_hbm.at[cid, pl.ds(r0, STRIPE)])


def _make_agg_kernel(dh, tc_tiling):
    return functools.partial(
        pl.kernel,
        out_type=jax.ShapeDtypeStruct((NC, N_PAD, dh), jnp.float32),
        mesh=plsc.VectorSubcoreMesh(**_SC_MESH),
        compiler_params=pltpu.CompilerParams(
            needs_layout_passes=False, use_tc_tiling_on_sc=tc_tiling),
        scratch_types=[
            pltpu.VMEM((NCHUNK, CHUNK), jnp.int32),
            pltpu.VMEM((CHUNK,), jnp.int32),
            pltpu.VMEM((CHUNK,), jnp.int32),
            pltpu.VMEM((CHUNK,), jnp.int32),
            pltpu.VMEM((CHUNK,), jnp.int32),
            pltpu.VMEM((2, CHUNK, dh), jnp.float32),
            pltpu.VMEM_SHARED((N_PAD, dh), jnp.float32),
            pltpu.SemaphoreType.DMA,
            pltpu.SemaphoreType.DMA,
        ],
    )(_agg_body)


_agg_kernel = _make_agg_kernel(128, False)
_agg_kernel64 = _make_agg_kernel(64, False)


def _norms_from(deg_a, deg_b):
    deg = deg_a + deg_b
    return jnp.where(deg > 0, lax.rsqrt(jnp.maximum(deg, 1.0)), 0.0)


def _mm1_body(x_ref, w_ref, xw_ref):
    xw_ref[...] = jnp.dot(x_ref[...], w_ref[...],
                          preferred_element_type=jnp.float32)


def _mm1(x, w1):
    return pl.pallas_call(
        _mm1_body,
        grid=(NBLK,),
        in_specs=[
            pl.BlockSpec((ROWBLK, 128), lambda i: (i, 0)),
            pl.BlockSpec((128, 128), lambda i: (0, 0)),
        ],
        out_specs=pl.BlockSpec((ROWBLK, 128), lambda i: (i, 0)),
        out_shape=jax.ShapeDtypeStruct((N_PAD, 128), jnp.float32),
    )(x, w1)


def _tc1_body(xw_ref, ds_ref, di_ref, h_ref, no_ref, ni_ref):
    no = _norms_from(ds_ref[0], ds_ref[1])
    ni = _norms_from(di_ref[0], di_ref[1])
    no_ref[...] = no
    ni_ref[...] = ni
    h_ref[...] = xw_ref[...] * no


def _tc1(xw, ds, di):
    vec3 = pl.BlockSpec((NC, ROWBLK, 1), lambda i: (0, i, 0))
    vec = pl.BlockSpec((ROWBLK, 1), lambda i: (i, 0))
    return pl.pallas_call(
        _tc1_body,
        grid=(NBLK,),
        in_specs=[
            pl.BlockSpec((ROWBLK, 128), lambda i: (i, 0)),
            vec3, vec3,
        ],
        out_specs=[pl.BlockSpec((ROWBLK, 128), lambda i: (i, 0)), vec, vec],
        out_shape=[
            jax.ShapeDtypeStruct((N_PAD, 128), jnp.float32),
            jax.ShapeDtypeStruct((N_PAD, 1), jnp.float32),
            jax.ShapeDtypeStruct((N_PAD, 1), jnp.float32),
        ],
    )(xw, ds, di)


def _tc2_body(p_ref, ni, no, b1r, w2, h2_ref):
    agg = p_ref[0] + p_ref[1]
    nic = ni[...]
    noc = no[...]
    t = jnp.maximum(agg * nic + b1r[...], 0.0)
    h2_ref[...] = jnp.dot(t * noc, w2[...], preferred_element_type=jnp.float32)


def _tc2(p, ni, no, b1r, w2):
    vec = pl.BlockSpec((ROWBLK, 1), lambda i: (i, 0))
    return pl.pallas_call(
        _tc2_body,
        grid=(NBLK,),
        in_specs=[
            pl.BlockSpec((NC, ROWBLK, 128), lambda i: (0, i, 0)),
            vec, vec,
            pl.BlockSpec((1, 128), lambda i: (0, 0)),
            pl.BlockSpec((128, 64), lambda i: (0, 0)),
        ],
        out_specs=pl.BlockSpec((ROWBLK, 64), lambda i: (i, 0)),
        out_shape=jax.ShapeDtypeStruct((N_PAD, 64), jnp.float32),
    )(p, ni, no, b1r, w2)


def _tc3_body(p_ref, ni, b2r, out_ref):
    z = p_ref[0] + p_ref[1]
    nic = ni[...]
    z = z * nic + b2r[...]
    z = jnp.maximum(z, 0.0)
    m = jnp.max(z, axis=1, keepdims=True)
    e = jnp.exp(z - m)
    s = jnp.sum(e, axis=1, keepdims=True)
    out_ref[...] = (z - m) - jnp.log(s)


def _tc3(p, ni, b2r):
    vec = pl.BlockSpec((ROWBLK, 1), lambda i: (i, 0))
    return pl.pallas_call(
        _tc3_body,
        grid=(NBLK,),
        in_specs=[
            pl.BlockSpec((NC, ROWBLK, 64), lambda i: (0, i, 0)),
            vec,
            pl.BlockSpec((1, 64), lambda i: (0, 0)),
        ],
        out_specs=pl.BlockSpec((ROWBLK, 64), lambda i: (i, 0)),
        out_shape=jax.ShapeDtypeStruct((10 * ROWBLK, 64), jnp.float32),
    )(p, ni, b2r)


def kernel(features, edge_index, W1, b1, W2, b2):
    n, d_in = features.shape
    e = edge_index.shape[1]
    src = edge_index[0].astype(jnp.int32)
    dst = edge_index[1].astype(jnp.int32)
    pad_e = E_PAD - e
    pad_fill = n + jnp.arange(pad_e, dtype=jnp.int32) % (N_PAD - n)
    src_p = jnp.concatenate([src, pad_fill])
    dst_p = jnp.concatenate([dst, pad_fill])
    packed = src_p | (dst_p << 14)
    pk_deg = packed.reshape(NW, EPT)
    pk_agg = packed.reshape(NW, NCHUNK, CHUNK)
    zeros128 = jnp.zeros((N_PAD, 128), jnp.float32)
    zeros64 = jnp.zeros((N_PAD, 64), jnp.float32)

    zd = jnp.zeros((DEGSZ,), jnp.float32)
    degp = _deg_kernel(pk_deg, zd)
    xw = _mm1(features, W1)
    degc = degp.reshape(NC, 2, N_PAD, 1)
    ds = degc[:, 0]
    di = degc[:, 1]

    h1, no, ni = _tc1(xw, ds, di)
    p1 = _agg_kernel(h1, pk_agg, zeros128)
    h2 = _tc2(p1, ni, no, b1.reshape(1, 128), W2)
    p2 = _agg_kernel64(h2, pk_agg, zeros64)
    out = _tc3(p2, ni, b2.reshape(1, 64))
    return out

# --- scband reference (transcript-rebuilt; emitter-appended) ---
"""Pipeline reference for scband-net-28484223107413 (READ-ONLY COPY).

The authoritative reference and input builder live on the scoring server;
editing this copy changes nothing except your own understanding.
"""

import jax, jax.numpy as jnp
import numpy as np

N_NODES = 10000
N_EDGES = 320000
D_IN = 128
D_HID = 128
D_OUT = 64


def setup_inputs(seed: int = 0) -> dict:
    key = jax.random.key(seed)
    k1, k2, k3, k4 = jax.random.split(key, 4)
    features = jax.random.normal(k1, (N_NODES, D_IN), dtype=jnp.float32)
    edge_index = jax.random.randint(k2, (2, N_EDGES), 0, N_NODES)
    W1 = jax.random.normal(k3, (D_IN, D_HID), dtype=jnp.float32) * 0.05
    b1 = jnp.zeros((D_HID,), dtype=jnp.float32)
    W2 = jax.random.normal(k4, (D_HID, D_OUT), dtype=jnp.float32) * 0.05
    b2 = jnp.zeros((D_OUT,), dtype=jnp.float32)
    return {"features": features, "edge_index": edge_index, "W1": W1, "b1": b1, "W2": W2, "b2": b2}


def _gcn_layer(x, src, dst, W, b, n_nodes):
    # DGL GraphConv with norm='both': D_dst^{-1/2} * A * D_src^{-1/2} * X * W + b
    ones = jnp.ones((src.shape[0],), dtype=x.dtype)
    deg_out = jnp.zeros((n_nodes,), dtype=x.dtype).at[src].add(ones)
    deg_in = jnp.zeros((n_nodes,), dtype=x.dtype).at[dst].add(ones)
    norm_out = jnp.where(deg_out > 0, jax.lax.rsqrt(jnp.maximum(deg_out, 1.0)), 0.0)
    norm_in = jnp.where(deg_in > 0, jax.lax.rsqrt(jnp.maximum(deg_in, 1.0)), 0.0)
    h = x * norm_out[:, None]
    h = h @ W
    msgs = jnp.take(h, src, axis=0)
    agg = jnp.zeros((n_nodes, h.shape[1]), dtype=h.dtype).at[dst].add(msgs)
    return agg * norm_in[:, None] + b


def reference(features, edge_index, W1, b1, W2, b2):
    src = edge_index[0]
    dst = edge_index[1]
    n = features.shape[0]
    h = jax.nn.relu(_gcn_layer(features, src, dst, W1, b1, n))
    h = jax.nn.relu(_gcn_layer(h, src, dst, W2, b2, n))
    return jax.nn.log_softmax(h, axis=1)

if __name__ == "__main__":
    import jax
    _d = setup_inputs()
    print(jax.jit(kernel)(*tuple(_d.values())))

</pallas_src>

<mosaic_0001>
#map = affine_map<(d0, d1) -> (0, 0)>
#map1 = affine_map<(d0, d1) -> (0)>
module attributes {stable_mosaic.version = 14 : i64} {
  func.func @_deg_body(%arg0: i32, %arg1: i32, %arg2: memref<32x10240xi32, #tpu.memory_space<hbm>>, %arg3: memref<20480xf32, #tpu.memory_space<hbm>>, %arg4: memref<2x20480xf32, #tpu.memory_space<hbm>>, %arg5: memref<10240xi32, #tpu.memory_space<vmem>>, %arg6: memref<20480xf32, #tpu.memory_space<vmem>>, %arg7: memref<1280xf32, #tpu.memory_space<vmem>>, %arg8: memref<16x1280xf32, #tpu.memory_space<vmem>>, %arg9: memref<16x20480xf32, #tpu.memory_space<vmem_shared>>) attributes {dimension_semantics = [#tpu.dimension_semantics<core_parallel>, #tpu.dimension_semantics<subcore_parallel>], iteration_bounds = array<i64: 2, 16>, scalar_prefetch = 0 : i64, scratch_operands = 5 : i64, tpu.core_type = #tpu.core_type<sc_vector_subcore>, window_params = [{transform_indices = #map}, {transform_indices = #map1}, {transform_indices = #map}]} {
    %mul3A = arith.constant 16 : i32
    %mul3A_0 = arith.muli %arg0, %mul3A : i32
    %add3A = arith.addi %mul3A_0, %arg1 : i32
    "tpu.region"() ({
      %run_scoped3A = tpu.sem_alloc : memref<!tpu.dma_semaphore, #tpu.memory_space<semaphore_mem>>
      tpu.enqueue_dma source(%arg3 : memref<20480xf32, #tpu.memory_space<hbm>>) target(%arg6 : memref<20480xf32, #tpu.memory_space<vmem>>) target_semaphore(%run_scoped3A : memref<!tpu.dma_semaphore, #tpu.memory_space<semaphore_mem>>)
      tpu.wait_dma2 semaphore(%run_scoped3A : memref<!tpu.dma_semaphore, #tpu.memory_space<semaphore_mem>>) src(%arg3 : memref<20480xf32, #tpu.memory_space<hbm>>) dst(%arg6 : memref<20480xf32, #tpu.memory_space<vmem>>)
      tpu.yield
    }) : () -> ()
    %broadcast_in_dim3A = arith.constant 1.000000e+00 : f32
    %broadcast_in_dim3A_1 = vector.broadcast %broadcast_in_dim3A : f32 to vector<16xf32>
    "tpu.region"() ({
      %run_scoped3A = tpu.sem_alloc : memref<!tpu.dma_semaphore, #tpu.memory_space<semaphore_mem>>
      %dma_start3A = arith.constant 0 : i32
      %dma_start3A_15 = tpu.memref_slice %arg2[%add3A, %dma_start3A] : memref<32x10240xi32, #tpu.memory_space<hbm>> -> memref<1x10240xi32, #tpu.memory_space<hbm>>
      %dma_start3A_16 = tpu.memref_squeeze %dma_start3A_15 : memref<1x10240xi32, #tpu.memory_space<hbm>> -> memref<10240xi32, #tpu.memory_space<hbm>>
      %dma_start3A_17 = arith.constant 0 : i32
      %dma_start3A_18 = tpu.memref_slice %arg2[%add3A, %dma_start3A_17] : memref<32x10240xi32, #tpu.memory_space<hbm>> -> memref<1x10240xi32, #tpu.memory_space<hbm>>
      %dma_start3A_19 = tpu.memref_squeeze %dma_start3A_18 : memref<1x10240xi32, #tpu.memory_space<hbm>> -> memref<10240xi32, #tpu.memory_space<hbm>>
      tpu.enqueue_dma source(%dma_start3A_19 : memref<10240xi32, #tpu.memory_space<hbm>>) target(%arg5 : memref<10240xi32, #tpu.memory_space<vmem>>) target_semaphore(%run_scoped3A : memref<!tpu.dma_semaphore, #tpu.memory_space<semaphore_mem>>)
      %dma_wait3A = arith.constant 0 : i32
      %dma_wait3A_20 = tpu.memref_slice %arg2[%add3A, %dma_wait3A] : memref<32x10240xi32, #tpu.memory_space<hbm>> -> memref<1x10240xi32, #tpu.memory_space<hbm>>
      %dma_wait3A_21 = tpu.memref_squeeze %dma_wait3A_20 : memref<1x10240xi32, #tpu.memory_space<hbm>> -> memref<10240xi32, #tpu.memory_space<hbm>>
      %dma_wait3A_22 = arith.constant 0 : i32
      %dma_wait3A_23 = tpu.memref_slice %arg2[%add3A, %dma_wait3A_22] : memref<32x10240xi32, #tpu.memory_space<hbm>> -> memref<1x10240xi32, #tpu.memory_space<hbm>>
      %dma_wait3A_24 = tpu.memref_squeeze %dma_wait3A_23 : memref<1x10240xi32, #tpu.memory_space<hbm>> -> memref<10240xi32, #tpu.memory_space<hbm>>
      tpu.wait_dma2 semaphore(%run_scoped3A : memref<!tpu.dma_semaphore, #tpu.memory_space<semaphore_mem>>) src(%dma_wait3A_24 : memref<10240xi32, #tpu.memory_space<hbm>>) dst(%arg5 : memref<10240xi32, #tpu.memory_space<vmem>>)
      tpu.yield
    }) : () -> ()
    %scan3A = arith.constant 0 : i32
    %scan3A_2 = arith.constant 0 : i32
    %scan3A_3 = arith.constant 640 : i32
    %scan3A_4 = arith.addi %scan3A_2, %scan3A_3 : i32
    %scan3A_5 = arith.constant 1 : i32
    scf.for %scan3A_15 = %scan3A_2 to %scan3A_4 step %scan3A_5  : i32 {
      %mul3A_16 = arith.constant 16 : i32
      %mul3A_17 = arith.muli %scan3A_15, %mul3A_16 : i32
      %get3A = arith.index_cast %mul3A_17 : i32 to index
      %get3A_18 = tpu.vector_load %arg5[%get3A] {strides = array<i32>} : memref<10240xi32, #tpu.memory_space<vmem>>, vector<16xi32>,
      %and3A = arith.constant 16383 : i32
      %and3A_19 = vector.broadcast %and3A : i32 to vector<16xi32>
      %and3A_20 = arith.andi %get3A_18, %and3A_19 : vector<16xi32>
      tpu.vector_store_idx %arg6[%and3A_20], %broadcast_in_dim3A_1 {add = true} : memref<20480xf32, #tpu.memory_space<vmem>>[vector<16xi32>], vector<16xf32>,
      %shift_right_arithmetic3A = arith.constant 14 : i32
      %shift_right_arithmetic3A_21 = vector.broadcast %shift_right_arithmetic3A : i32 to vector<16xi32>
      %shift_right_arithmetic3A_22 = arith.shrsi %get3A_18, %shift_right_arithmetic3A_21 : vector<16xi32>
      %add3A_23 = arith.constant 10240 : i32
      %add3A_24 = vector.broadcast %add3A_23 : i32 to vector<16xi32>
      %add3A_25 = arith.addi %shift_right_arithmetic3A_22, %add3A_24 : vector<16xi32>
      tpu.vector_store_idx %arg6[%add3A_25], %broadcast_in_dim3A_1 {add = true} : memref<20480xf32, #tpu.memory_space<vmem>>[vector<16xi32>], vector<16xf32>,
    }
    %scan3A_6 = arith.constant 640 : i32
    "tpu.region"() ({
      %run_scoped3A = tpu.sem_alloc : memref<!tpu.dma_semaphore, #tpu.memory_space<semaphore_mem>>
      %dma_start3A = arith.constant 0 : i32
      %dma_start3A_15 = tpu.memref_slice %arg9[%arg1, %dma_start3A] : memref<16x20480xf32, #tpu.memory_space<vmem_shared>> -> memref<1x20480xf32, #tpu.memory_space<vmem_shared>>
      %dma_start3A_16 = tpu.memref_squeeze %dma_start3A_15 : memref<1x20480xf32, #tpu.memory_space<vmem_shared>> -> memref<20480xf32, #tpu.memory_space<vmem_shared>>
      %dma_start3A_17 = arith.constant 0 : i32
      %dma_start3A_18 = tpu.memref_slice %arg9[%arg1, %dma_start3A_17] : memref<16x20480xf32, #tpu.memory_space<vmem_shared>> -> memref<1x20480xf32, #tpu.memory_space<vmem_shared>>
      %dma_start3A_19 = tpu.memref_squeeze %dma_start3A_18 : memref<1x20480xf32, #tpu.memory_space<vmem_shared>> -> memref<20480xf32, #tpu.memory_space<vmem_shared>>
      tpu.enqueue_dma source(%arg6 : memref<20480xf32, #tpu.memory_space<vmem>>) target(%dma_start3A_19 : memref<20480xf32, #tpu.memory_space<vmem_shared>>) target_semaphore(%run_scoped3A : memref<!tpu.dma_semaphore, #tpu.memory_space<semaphore_mem>>)
      %dma_wait3A = arith.constant 0 : i32
      %dma_wait3A_20 = tpu.memref_slice %arg9[%arg1, %dma_wait3A] : memref<16x20480xf32, #tpu.memory_space<vmem_shared>> -> memref<1x20480xf32, #tpu.memory_space<vmem_shared>>
      %dma_wait3A_21 = tpu.memref_squeeze %dma_wait3A_20 : memref<1x20480xf32, #tpu.memory_space<vmem_shared>> -> memref<20480xf32, #tpu.memory_space<vmem_shared>>
      %dma_wait3A_22 = arith.constant 0 : i32
      %dma_wait3A_23 = tpu.memref_slice %arg9[%arg1, %dma_wait3A_22] : memref<16x20480xf32, #tpu.memory_space<vmem_shared>> -> memref<1x20480xf32, #tpu.memory_space<vmem_shared>>
      %dma_wait3A_24 = tpu.memref_squeeze %dma_wait3A_23 : memref<1x20480xf32, #tpu.memory_space<vmem_shared>> -> memref<20480xf32, #tpu.memory_space<vmem_shared>>
      tpu.wait_dma2 semaphore(%run_scoped3A : memref<!tpu.dma_semaphore, #tpu.memory_space<semaphore_mem>>) src(%arg6 : memref<20480xf32, #tpu.memory_space<vmem>>) dst(%dma_wait3A_24 : memref<20480xf32, #tpu.memory_space<vmem_shared>>)
      tpu.yield
    }) : () -> ()
    %barrier3A = arith.constant 0 : index
    tpu.barrier barrier_id(%barrier3A)
    %mul3A_7 = arith.constant 1280 : i32
    %mul3A_8 = arith.muli %arg1, %mul3A_7 : i32
    "tpu.region"() ({
      %run_scoped3A = tpu.sem_alloc : memref<!tpu.dma_semaphore, #tpu.memory_space<semaphore_mem>>
      %dma_start3A = arith.constant 0 : i32
      %dma_start3A_15 = tpu.memref_slice %arg9[%dma_start3A, %mul3A_8] : memref<16x20480xf32, #tpu.memory_space<vmem_shared>> -> memref<16x1280xf32, #tpu.memory_space<vmem_shared>>
      %dma_start3A_16 = arith.constant 0 : i32
      %dma_start3A_17 = tpu.memref_slice %arg9[%dma_start3A_16, %mul3A_8] : memref<16x20480xf32, #tpu.memory_space<vmem_shared>> -> memref<16x1280xf32, #tpu.memory_space<vmem_shared>>
      tpu.enqueue_dma source(%dma_start3A_17 : memref<16x1280xf32, #tpu.memory_space<vmem_shared>>) target(%arg8 : memref<16x1280xf32, #tpu.memory_space<vmem>>) target_semaphore(%run_scoped3A : memref<!tpu.dma_semaphore, #tpu.memory_space<semaphore_mem>>)
      %dma_wait3A = arith.constant 0 : i32
      %dma_wait3A_18 = tpu.memref_slice %arg9[%dma_wait3A, %mul3A_8] : memref<16x20480xf32, #tpu.memory_space<vmem_shared>> -> memref<16x1280xf32, #tpu.memory_space<vmem_shared>>
      %dma_wait3A_19 = arith.constant 0 : i32
      %dma_wait3A_20 = tpu.memref_slice %arg9[%dma_wait3A_19, %mul3A_8] : memref<16x20480xf32, #tpu.memory_space<vmem_shared>> -> memref<16x1280xf32, #tpu.memory_space<vmem_shared>>
      tpu.wait_dma2 semaphore(%run_scoped3A : memref<!tpu.dma_semaphore, #tpu.memory_space<semaphore_mem>>) src(%dma_wait3A_20 : memref<16x1280xf32, #tpu.memory_space<vmem_shared>>) dst(%arg8 : memref<16x1280xf32, #tpu.memory_space<vmem>>)
      tpu.yield
    }) : () -> ()
    %scan3A_9 = arith.constant 0 : i32
    %scan3A_10 = arith.constant 0 : i32
    %scan3A_11 = arith.constant 80 : i32
    %scan3A_12 = arith.addi %scan3A_10, %scan3A_11 : i32
    %scan3A_13 = arith.constant 1 : i32
    scf.for %scan3A_15 = %scan3A_10 to %scan3A_12 step %scan3A_13  : i32 {
      %mul3A_16 = arith.constant 16 : i32
      %mul3A_17 = arith.muli %scan3A_15, %mul3A_16 : i32
      %get3A = arith.constant 0 : i32
      %get3A_18 = arith.index_cast %get3A : i32 to index
      %get3A_19 = arith.index_cast %mul3A_17 : i32 to index
      %get3A_20 = tpu.vector_load %arg8[%get3A_18, %get3A_19] {strides = array<i32>} : memref<16x1280xf32, #tpu.memory_space<vmem>>, vector<16xf32>,
      %get3A_21 = arith.constant 1 : i32
      %get3A_22 = arith.index_cast %get3A_21 : i32 to index
      %get3A_23 = arith.index_cast %mul3A_17 : i32 to index
      %get3A_24 = tpu.vector_load %arg8[%get3A_22, %get3A_23] {strides = array<i32>} : memref<16x1280xf32, #tpu.memory_space<vmem>>, vector<16xf32>,
      %add3A_25 = arith.addf %get3A_20, %get3A_24 : vector<16xf32>
      %get3A_26 = arith.constant 2 : i32
      %get3A_27 = arith.index_cast %get3A_26 : i32 to index
      %get3A_28 = arith.index_cast %mul3A_17 : i32 to index
      %get3A_29 = tpu.vector_load %arg8[%get3A_27, %get3A_28] {strides = array<i32>} : memref<16x1280xf32, #tpu.memory_space<vmem>>, vector<16xf32>,
      %add3A_30 = arith.addf %add3A_25, %get3A_29 : vector<16xf32>
      %get3A_31 = arith.constant 3 : i32
      %get3A_32 = arith.index_cast %get3A_31 : i32 to index
      %get3A_33 = arith.index_cast %mul3A_17 : i32 to index
      %get3A_34 = tpu.vector_load %arg8[%get3A_32, %get3A_33] {strides = array<i32>} : memref<16x1280xf32, #tpu.memory_space<vmem>>, vector<16xf32>,
      %add3A_35 = arith.addf %add3A_30, %get3A_34 : vector<16xf32>
      %get3A_36 = arith.constant 4 : i32
      %get3A_37 = arith.index_cast %get3A_36 : i32 to index
      %get3A_38 = arith.index_cast %mul3A_17 : i32 to index
      %get3A_39 = tpu.vector_load %arg8[%get3A_37, %get3A_38] {strides = array<i32>} : memref<16x1280xf32, #tpu.memory_space<vmem>>, vector<16xf32>,
      %add3A_40 = arith.addf %add3A_35, %get3A_39 : vector<16xf32>
      %get3A_41 = arith.constant 5 : i32
      %get3A_42 = arith.index_cast %get3A_41 : i32 to index
      %get3A_43 = arith.index_cast %mul3A_17 : i32 to index
      %get3A_44 = tpu.vector_load %arg8[%get3A_42, %get3A_43] {strides = array<i32>} : memref<16x1280xf32, #tpu.memory_space<vmem>>, vector<16xf32>,
      %add3A_45 = arith.addf %add3A_40, %get3A_44 : vector<16xf32>
      %get3A_46 = arith.constant 6 : i32
      %get3A_47 = arith.index_cast %get3A_46 : i32 to index
      %get3A_48 = arith.index_cast %mul3A_17 : i32 to index
      %get3A_49 = tpu.vector_load %arg8[%get3A_47, %get3A_48] {strides = array<i32>} : memref<16x1280xf32, #tpu.memory_space<vmem>>, vector<16xf32>,
      %add3A_50 = arith.addf %add3A_45, %get3A_49 : vector<16xf32>
      %get3A_51 = arith.constant 7 : i32
      %get3A_52 = arith.index_cast %get3A_51 : i32 to index
      %get3A_53 = arith.index_cast %mul3A_17 : i32 to index
      %get3A_54 = tpu.vector_load %arg8[%get3A_52, %get3A_53] {strides = array<i32>} : memref<16x1280xf32, #tpu.memory_space<vmem>>, vector<16xf32>,
      %add3A_55 = arith.addf %add3A_50, %get3A_54 : vector<16xf32>
      %get3A_56 = arith.constant 8 : i32
      %get3A_57 = arith.index_cast %get3A_56 : i32 to index
      %get3A_58 = arith.index_cast %mul3A_17 : i32 to index
      %get3A_59 = tpu.vector_load %arg8[%get3A_57, %get3A_58] {strides = array<i32>} : memref<16x1280xf32, #tpu.memory_space<vmem>>, vector<16xf32>,
      %add3A_60 = arith.addf %add3A_55, %get3A_59 : vector<16xf32>
      %get3A_61 = arith.constant 9 : i32
      %get3A_62 = arith.index_cast %get3A_61 : i32 to index
      %get3A_63 = arith.index_cast %mul3A_17 : i32 to index
      %get3A_64 = tpu.vector_load %arg8[%get3A_62, %get3A_63] {strides = array<i32>} : memref<16x1280xf32, #tpu.memory_space<vmem>>, vector<16xf32>,
      %add3A_65 = arith.addf %add3A_60, %get3A_64 : vector<16xf32>
      %get3A_66 = arith.constant 10 : i32
      %get3A_67 = arith.index_cast %get3A_66 : i32 to index
      %get3A_68 = arith.index_cast %mul3A_17 : i32 to index
      %get3A_69 = tpu.vector_load %arg8[%get3A_67, %get3A_68] {strides = array<i32>} : memref<16x1280xf32, #tpu.memory_space<vmem>>, vector<16xf32>,
      %add3A_70 = arith.addf %add3A_65, %get3A_69 : vector<16xf32>
      %get3A_71 = arith.constant 11 : i32
      %get3A_72 = arith.index_cast %get3A_71 : i32 to index
      %get3A_73 = arith.index_cast %mul3A_17 : i32 to index
      %get3A_74 = tpu.vector_load %arg8[%get3A_72, %get3A_73] {strides = array<i32>} : memref<16x1280xf32, #tpu.memory_space<vmem>>, vector<16xf32>,
      %add3A_75 = arith.addf %add3A_70, %get3A_74 : vector<16xf32>
      %get3A_76 = arith.constant 12 : i32
      %get3A_77 = arith.index_cast %get3A_76 : i32 to index
      %get3A_78 = arith.index_cast %mul3A_17 : i32 to index
      %get3A_79 = tpu.vector_load %arg8[%get3A_77, %get3A_78] {strides = array<i32>} : memref<16x1280xf32, #tpu.memory_space<vmem>>, vector<16xf32>,
      %add3A_80 = arith.addf %add3A_75, %get3A_79 : vector<16xf32>
      %get3A_81 = arith.constant 13 : i32
      %get3A_82 = arith.index_cast %get3A_81 : i32 to index
      %get3A_83 = arith.index_cast %mul3A_17 : i32 to index
      %get3A_84 = tpu.vector_load %arg8[%get3A_82, %get3A_83] {strides = array<i32>} : memref<16x1280xf32, #tpu.memory_space<vmem>>, vector<16xf32>,
      %add3A_85 = arith.addf %add3A_80, %get3A_84 : vector<16xf32>
      %get3A_86 = arith.constant 14 : i32
      %get3A_87 = arith.index_cast %get3A_86 : i32 to index
      %get3A_88 = arith.index_cast %mul3A_17 : i32 to index
      %get3A_89 = tpu.vector_load %arg8[%get3A_87, %get3A_88] {strides = array<i32>} : memref<16x1280xf32, #tpu.memory_space<vmem>>, vector<16xf32>,
      %add3A_90 = arith.addf %add3A_85, %get3A_89 : vector<16xf32>
      %get3A_91 = arith.constant 15 : i32
      %get3A_92 = arith.index_cast %get3A_91 : i32 to index
      %get3A_93 = arith.index_cast %mul3A_17 : i32 to index
      %get3A_94 = tpu.vector_load %arg8[%get3A_92, %get3A_93] {strides = array<i32>} : memref<16x1280xf32, #tpu.memory_space<vmem>>, vector<16xf32>,
      %add3A_95 = arith.addf %add3A_90, %get3A_94 : vector<16xf32>
      %swap3A = arith.index_cast %mul3A_17 : i32 to index
      %swap3A_96 = tpu.vector_load %arg7[%swap3A] {strides = array<i32>} : memref<1280xf32, #tpu.memory_space<vmem>>, vector<16xf32>,
      tpu.vector_store %arg7[%swap3A], %add3A_95 {strides = array<i32>} : memref<1280xf32, #tpu.memory_space<vmem>>, vector<16xf32>,
    }
    %scan3A_14 = arith.constant 80 : i32
    "tpu.region"() ({
      %run_scoped3A = tpu.sem_alloc : memref<!tpu.dma_semaphore, #tpu.memory_space<semaphore_mem>>
      %dma_start3A = tpu.memref_slice %arg4[%arg0, %mul3A_8] : memref<2x20480xf32, #tpu.memory_space<hbm>> -> memref<1x1280xf32, #tpu.memory_space<hbm>>
      %dma_start3A_15 = tpu.memref_squeeze %dma_start3A : memref<1x1280xf32, #tpu.memory_space<hbm>> -> memref<1280xf32, #tpu.memory_space<hbm>>
      %dma_start3A_16 = tpu.memref_slice %arg4[%arg0, %mul3A_8] : memref<2x20480xf32, #tpu.memory_space<hbm>> -> memref<1x1280xf32, #tpu.memory_space<hbm>>
      %dma_start3A_17 = tpu.memref_squeeze %dma_start3A_16 : memref<1x1280xf32, #tpu.memory_space<hbm>> -> memref<1280xf32, #tpu.memory_space<hbm>>
      tpu.enqueue_dma source(%arg7 : memref<1280xf32, #tpu.memory_space<vmem>>) target(%dma_start3A_17 : memref<1280xf32, #tpu.memory_space<hbm>>) target_semaphore(%run_scoped3A : memref<!tpu.dma_semaphore, #tpu.memory_space<semaphore_mem>>)
      %dma_wait3A = tpu.memref_slice %arg4[%arg0, %mul3A_8] : memref<2x20480xf32, #tpu.memory_space<hbm>> -> memref<1x1280xf32, #tpu.memory_space<hbm>>
      %dma_wait3A_18 = tpu.memref_squeeze %dma_wait3A : memref<1x1280xf32, #tpu.memory_space<hbm>> -> memref<1280xf32, #tpu.memory_space<hbm>>
      %dma_wait3A_19 = tpu.memref_slice %arg4[%arg0, %mul3A_8] : memref<2x20480xf32, #tpu.memory_space<hbm>> -> memref<1x1280xf32, #tpu.memory_space<hbm>>
      %dma_wait3A_20 = tpu.memref_squeeze %dma_wait3A_19 : memref<1x1280xf32, #tpu.memory_space<hbm>> -> memref<1280xf32, #tpu.memory_space<hbm>>
      tpu.wait_dma2 semaphore(%run_scoped3A : memref<!tpu.dma_semaphore, #tpu.memory_space<semaphore_mem>>) src(%arg7 : memref<1280xf32, #tpu.memory_space<vmem>>) dst(%dma_wait3A_20 : memref<1280xf32, #tpu.memory_space<hbm>>)
      tpu.yield
    }) : () -> ()
    return
  }
}

#map = affine_map<(d0, d1) -> (0, 0)>
#map1 = affine_map<(d0, d1) -> (0, 0, 0)>
module attributes {stable_mosaic.version = 14 : i64} {
  func.func @_agg_body(%arg0: i32, %arg1: i32, %arg2: memref<10240x64xf32, #tpu.memory_space<hbm>>, %arg3: memref<32x80x128xi32, #tpu.memory_space<hbm>>, %arg4: memref<10240x64xf32, #tpu.memory_space<hbm>>, %arg5: memref<2x10240x64xf32, #tpu.memory_space<hbm>>, %arg6: memref<80x128xi32, #tpu.memory_space<vmem>>, %arg7: memref<128xi32, #tpu.memory_space<vmem>>, %arg8: memref<128xi32, #tpu.memory_space<vmem>>, %arg9: memref<128xi32, #tpu.memory_space<vmem>>, %arg10: memref<128xi32, #tpu.memory_space<vmem>>, %arg11: memref<2x128x64xf32, #tpu.memory_space<vmem>>, %arg12: memref<10240x64xf32, #tpu.memory_space<vmem_shared>>, %arg13: memref<!tpu.dma_semaphore, #tpu.memory_space<semaphore_mem>>, %arg14: memref<!tpu.dma_semaphore, #tpu.memory_space<semaphore_mem>>) attributes {dimension_semantics = [#tpu.dimension_semantics<core_parallel>, #tpu.dimension_semantics<subcore_parallel>], iteration_bounds = array<i64: 2, 16>, scalar_prefetch = 0 : i64, scratch_operands = 9 : i64, tpu.core_type = #tpu.core_type<sc_vector_subcore>, window_params = [{transform_indices = #map}, {transform_indices = #map1}, {transform_indices = #map}, {transform_indices = #map1}]} {
    %mul3A = arith.constant 16 : i32
    %mul3A_0 = arith.muli %arg0, %mul3A : i32
    %add3A = arith.addi %mul3A_0, %arg1 : i32
    "tpu.region"() ({
      %run_scoped3A = tpu.sem_alloc : memref<!tpu.dma_semaphore, #tpu.memory_space<semaphore_mem>>
      %dma_start3A_124 = arith.constant 0 : i32
      %dma_start3A_125 = arith.constant 0 : i32
      %dma_start3A_126 = tpu.memref_slice %arg3[%add3A, %dma_start3A_124, %dma_start3A_125] : memref<32x80x128xi32, #tpu.memory_space<hbm>> -> memref<1x80x128xi32, #tpu.memory_space<hbm>>
      %dma_start3A_127 = tpu.memref_squeeze %dma_start3A_126 : memref<1x80x128xi32, #tpu.memory_space<hbm>> -> memref<80x128xi32, #tpu.memory_space<hbm>>
      %dma_start3A_128 = arith.constant 0 : i32
      %dma_start3A_129 = arith.constant 0 : i32
      %dma_start3A_130 = tpu.memref_slice %arg3[%add3A, %dma_start3A_128, %dma_start3A_129] : memref<32x80x128xi32, #tpu.memory_space<hbm>> -> memref<1x80x128xi32, #tpu.memory_space<hbm>>
      %dma_start3A_131 = tpu.memref_squeeze %dma_start3A_130 : memref<1x80x128xi32, #tpu.memory_space<hbm>> -> memref<80x128xi32, #tpu.memory_space<hbm>>
      tpu.enqueue_dma source(%dma_start3A_131 : memref<80x128xi32, #tpu.memory_space<hbm>>) target(%arg6 : memref<80x128xi32, #tpu.memory_space<vmem>>) target_semaphore(%run_scoped3A : memref<!tpu.dma_semaphore, #tpu.memory_space<semaphore_mem>>)
      %dma_wait3A = arith.constant 0 : i32
      %dma_wait3A_132 = arith.constant 0 : i32
      %dma_wait3A_133 = tpu.memref_slice %arg3[%add3A, %dma_wait3A, %dma_wait3A_132] : memref<32x80x128xi32, #tpu.memory_space<hbm>> -> memref<1x80x128xi32, #tpu.memory_space<hbm>>
      %dma_wait3A_134 = tpu.memref_squeeze %dma_wait3A_133 : memref<1x80x128xi32, #tpu.memory_space<hbm>> -> memref<80x128xi32, #tpu.memory_space<hbm>>
      %dma_wait3A_135 = arith.constant 0 : i32
      %dma_wait3A_136 = arith.constant 0 : i32
      %dma_wait3A_137 = tpu.memref_slice %arg3[%add3A, %dma_wait3A_135, %dma_wait3A_136] : memref<32x80x128xi32, #tpu.memory_space<hbm>> -> memref<1x80x128xi32, #tpu.memory_space<hbm>>
      %dma_wait3A_138 = tpu.memref_squeeze %dma_wait3A_137 : memref<1x80x128xi32, #tpu.memory_space<hbm>> -> memref<80x128xi32, #tpu.memory_space<hbm>>
      tpu.wait_dma2 semaphore(%run_scoped3A : memref<!tpu.dma_semaphore, #tpu.memory_space<semaphore_mem>>) src(%dma_wait3A_138 : memref<80x128xi32, #tpu.memory_space<hbm>>) dst(%arg6 : memref<80x128xi32, #tpu.memory_space<vmem>>)
      tpu.yield
    }) : () -> ()
    %mul3A_1 = arith.constant 640 : i32
    %mul3A_2 = arith.muli %arg1, %mul3A_1 : i32
    "tpu.region"() ({
      %run_scoped3A = tpu.sem_alloc : memref<!tpu.dma_semaphore, #tpu.memory_space<semaphore_mem>>
      %dma_start3A_124 = arith.constant 0 : i32
      %dma_start3A_125 = tpu.memref_slice %arg12[%mul3A_2, %dma_start3A_124] : memref<10240x64xf32, #tpu.memory_space<vmem_shared>> -> memref<640x64xf32, #tpu.memory_space<vmem_shared>>
      %dma_start3A_126 = arith.constant 0 : i32
      %dma_start3A_127 = tpu.memref_slice %arg4[%mul3A_2, %dma_start3A_126] : memref<10240x64xf32, #tpu.memory_space<hbm>> -> memref<640x64xf32, #tpu.memory_space<hbm>>
      tpu.enqueue_dma source(%dma_start3A_127 : memref<640x64xf32, #tpu.memory_space<hbm>>) target(%dma_start3A_125 : memref<640x64xf32, #tpu.memory_space<vmem_shared>>) target_semaphore(%run_scoped3A : memref<!tpu.dma_semaphore, #tpu.memory_space<semaphore_mem>>)
      %dma_wait3A = arith.constant 0 : i32
      %dma_wait3A_128 = tpu.memref_slice %arg12[%mul3A_2, %dma_wait3A] : memref<10240x64xf32, #tpu.memory_space<vmem_shared>> -> memref<640x64xf32, #tpu.memory_space<vmem_shared>>
      %dma_wait3A_129 = arith.constant 0 : i32
      %dma_wait3A_130 = tpu.memref_slice %arg4[%mul3A_2, %dma_wait3A_129] : memref<10240x64xf32, #tpu.memory_space<hbm>> -> memref<640x64xf32, #tpu.memory_space<hbm>>
      tpu.wait_dma2 semaphore(%run_scoped3A : memref<!tpu.dma_semaphore, #tpu.memory_space<semaphore_mem>>) src(%dma_wait3A_130 : memref<640x64xf32, #tpu.memory_space<hbm>>) dst(%dma_wait3A_128 : memref<640x64xf32, #tpu.memory_space<vmem_shared>>)
      tpu.yield
    }) : () -> ()
    %barrier3A = arith.constant 0 : index
    tpu.barrier barrier_id(%barrier3A)
    %get3A = arith.constant 0 : i32
    %get3A_3 = arith.index_cast %get3A : i32 to index
    %get3A_4 = arith.constant 0 : index
    %get3A_5 = tpu.vector_load %arg6[%get3A_3, %get3A_4] {strides = array<i32>} : memref<80x128xi32, #tpu.memory_space<vmem>>, vector<16xi32>,
    %and3A = arith.constant 16383 : i32
    %and3A_6 = vector.broadcast %and3A : i32 to vector<16xi32>
    %and3A_7 = arith.andi %get3A_5, %and3A_6 : vector<16xi32>
    %swap3A = arith.constant 0 : index
    %swap3A_8 = tpu.vector_load %arg7[%swap3A] {strides = array<i32>} : memref<128xi32, #tpu.memory_space<vmem>>, vector<16xi32>,
    tpu.vector_store %arg7[%swap3A], %and3A_7 {strides = array<i32>} : memref<128xi32, #tpu.memory_space<vmem>>, vector<16xi32>,
    %shift_right_arithmetic3A = arith.constant 14 : i32
    %shift_right_arithmetic3A_9 = vector.broadcast %shift_right_arithmetic3A : i32 to vector<16xi32>
    %shift_right_arithmetic3A_10 = arith.shrsi %get3A_5, %shift_right_arithmetic3A_9 : vector<16xi32>
    %swap3A_11 = arith.constant 0 : index
    %swap3A_12 = tpu.vector_load %arg9[%swap3A_11] {strides = array<i32>} : memref<128xi32, #tpu.memory_space<vmem>>, vector<16xi32>,
    tpu.vector_store %arg9[%swap3A_11], %shift_right_arithmetic3A_10 {strides = array<i32>} : memref<128xi32, #tpu.memory_space<vmem>>, vector<16xi32>,
    %get3A_13 = arith.constant 0 : i32
    %get3A_14 = arith.index_cast %get3A_13 : i32 to index
    %get3A_15 = arith.constant 16 : index
    %get3A_16 = tpu.vector_load %arg6[%get3A_14, %get3A_15] {strides = array<i32>} : memref<80x128xi32, #tpu.memory_space<vmem>>, vector<16xi32>,
    %and3A_17 = arith.constant 16383 : i32
    %and3A_18 = vector.broadcast %and3A_17 : i32 to vector<16xi32>
    %and3A_19 = arith.andi %get3A_16, %and3A_18 : vector<16xi32>
    %swap3A_20 = arith.constant 16 : index
    %swap3A_21 = tpu.vector_load %arg7[%swap3A_20] {strides = array<i32>} : memref<128xi32, #tpu.memory_space<vmem>>, vector<16xi32>,
    tpu.vector_store %arg7[%swap3A_20], %and3A_19 {strides = array<i32>} : memref<128xi32, #tpu.memory_space<vmem>>, vector<16xi32>,
    %shift_right_arithmetic3A_22 = arith.constant 14 : i32
    %shift_right_arithmetic3A_23 = vector.broadcast %shift_right_arithmetic3A_22 : i32 to vector<16xi32>
    %shift_right_arithmetic3A_24 = arith.shrsi %get3A_16, %shift_right_arithmetic3A_23 : vector<16xi32>
    %swap3A_25 = arith.constant 16 : index
    %swap3A_26 = tpu.vector_load %arg9[%swap3A_25] {strides = array<i32>} : memref<128xi32, #tpu.memory_space<vmem>>, vector<16xi32>,
    tpu.vector_store %arg9[%swap3A_25], %shift_right_arithmetic3A_24 {strides = array<i32>} : memref<128xi32, #tpu.memory_space<vmem>>, vector<16xi32>,
    %get3A_27 = arith.constant 0 : i32
    %get3A_28 = arith.index_cast %get3A_27 : i32 to index
    %get3A_29 = arith.constant 32 : index
    %get3A_30 = tpu.vector_load %arg6[%get3A_28, %get3A_29] {strides = array<i32>} : memref<80x128xi32, #tpu.memory_space<vmem>>, vector<16xi32>,
    %and3A_31 = arith.constant 16383 : i32
    %and3A_32 = vector.broadcast %and3A_31 : i32 to vector<16xi32>
    %and3A_33 = arith.andi %get3A_30, %and3A_32 : vector<16xi32>
    %swap3A_34 = arith.constant 32 : index
    %swap3A_35 = tpu.vector_load %arg7[%swap3A_34] {strides = array<i32>} : memref<128xi32, #tpu.memory_space<vmem>>, vector<16xi32>,
    tpu.vector_store %arg7[%swap3A_34], %and3A_33 {strides = array<i32>} : memref<128xi32, #tpu.memory_space<vmem>>, vector<16xi32>,
    %shift_right_arithmetic3A_36 = arith.constant 14 : i32
    %shift_right_arithmetic3A_37 = vector.broadcast %shift_right_arithmetic3A_36 : i32 to vector<16xi32>
    %shift_right_arithmetic3A_38 = arith.shrsi %get3A_30, %shift_right_arithmetic3A_37 : vector<16xi32>
    %swap3A_39 = arith.constant 32 : index
    %swap3A_40 = tpu.vector_load %arg9[%swap3A_39] {strides = array<i32>} : memref<128xi32, #tpu.memory_space<vmem>>, vector<16xi32>,
    tpu.vector_store %arg9[%swap3A_39], %shift_right_arithmetic3A_38 {strides = array<i32>} : memref<128xi32, #tpu.memory_space<vmem>>, vector<16xi32>,
    %get3A_41 = arith.constant 0 : i32
    %get3A_42 = arith.index_cast %get3A_41 : i32 to index
    %get3A_43 = arith.constant 48 : index
    %get3A_44 = tpu.vector_load %arg6[%get3A_42, %get3A_43] {strides = array<i32>} : memref<80x128xi32, #tpu.memory_space<vmem>>, vector<16xi32>,
    %and3A_45 = arith.constant 16383 : i32
    %and3A_46 = vector.broadcast %and3A_45 : i32 to vector<16xi32>
    %and3A_47 = arith.andi %get3A_44, %and3A_46 : vector<16xi32>
    %swap3A_48 = arith.constant 48 : index
    %swap3A_49 = tpu.vector_load %arg7[%swap3A_48] {strides = array<i32>} : memref<128xi32, #tpu.memory_space<vmem>>, vector<16xi32>,
    tpu.vector_store %arg7[%swap3A_48], %and3A_47 {strides = array<i32>} : memref<128xi32, #tpu.memory_space<vmem>>, vector<16xi32>,
    %shift_right_arithmetic3A_50 = arith.constant 14 : i32
    %shift_right_arithmetic3A_51 = vector.broadcast %shift_right_arithmetic3A_50 : i32 to vector<16xi32>
    %shift_right_arithmetic3A_52 = arith.shrsi %get3A_44, %shift_right_arithmetic3A_51 : vector<16xi32>
    %swap3A_53 = arith.constant 48 : index
    %swap3A_54 = tpu.vector_load %arg9[%swap3A_53] {strides = array<i32>} : memref<128xi32, #tpu.memory_space<vmem>>, vector<16xi32>,
    tpu.vector_store %arg9[%swap3A_53], %shift_right_arithmetic3A_52 {strides = array<i32>} : memref<128xi32, #tpu.memory_space<vmem>>, vector<16xi32>,
    %get3A_55 = arith.constant 0 : i32
    %get3A_56 = arith.index_cast %get3A_55 : i32 to index
    %get3A_57 = arith.constant 64 : index
    %get3A_58 = tpu.vector_load %arg6[%get3A_56, %get3A_57] {strides = array<i32>} : memref<80x128xi32, #tpu.memory_space<vmem>>, vector<16xi32>,
    %and3A_59 = arith.constant 16383 : i32
    %and3A_60 = vector.broadcast %and3A_59 : i32 to vector<16xi32>
    %and3A_61 = arith.andi %get3A_58, %and3A_60 : vector<16xi32>
    %swap3A_62 = arith.constant 64 : index
    %swap3A_63 = tpu.vector_load %arg7[%swap3A_62] {strides = array<i32>} : memref<128xi32, #tpu.memory_space<vmem>>, vector<16xi32>,
    tpu.vector_store %arg7[%swap3A_62], %and3A_61 {strides = array<i32>} : memref<128xi32, #tpu.memory_space<vmem>>, vector<16xi32>,
    %shift_right_arithmetic3A_64 = arith.constant 14 : i32
    %shift_right_arithmetic3A_65 = vector.broadcast %shift_right_arithmetic3A_64 : i32 to vector<16xi32>
    %shift_right_arithmetic3A_66 = arith.shrsi %get3A_58, %shift_right_arithmetic3A_65 : vector<16xi32>
    %swap3A_67 = arith.constant 64 : index
    %swap3A_68 = tpu.vector_load %arg9[%swap3A_67] {strides = array<i32>} : memref<128xi32, #tpu.memory_space<vmem>>, vector<16xi32>,
    tpu.vector_store %arg9[%swap3A_67], %shift_right_arithmetic3A_66 {strides = array<i32>} : memref<128xi32, #tpu.memory_space<vmem>>, vector<16xi32>,
    %get3A_69 = arith.constant 0 : i32
    %get3A_70 = arith.index_cast %get3A_69 : i32 to index
    %get3A_71 = arith.constant 80 : index
    %get3A_72 = tpu.vector_load %arg6[%get3A_70, %get3A_71] {strides = array<i32>} : memref<80x128xi32, #tpu.memory_space<vmem>>, vector<16xi32>,
    %and3A_73 = arith.constant 16383 : i32
    %and3A_74 = vector.broadcast %and3A_73 : i32 to vector<16xi32>
    %and3A_75 = arith.andi %get3A_72, %and3A_74 : vector<16xi32>
    %swap3A_76 = arith.constant 80 : index
    %swap3A_77 = tpu.vector_load %arg7[%swap3A_76] {strides = array<i32>} : memref<128xi32, #tpu.memory_space<vmem>>, vector<16xi32>,
    tpu.vector_store %arg7[%swap3A_76], %and3A_75 {strides = array<i32>} : memref<128xi32, #tpu.memory_space<vmem>>, vector<16xi32>,
    %shift_right_arithmetic3A_78 = arith.constant 14 : i32
    %shift_right_arithmetic3A_79 = vector.broadcast %shift_right_arithmetic3A_78 : i32 to vector<16xi32>
    %shift_right_arithmetic3A_80 = arith.shrsi %get3A_72, %shift_right_arithmetic3A_79 : vector<16xi32>
    %swap3A_81 = arith.constant 80 : index
    %swap3A_82 = tpu.vector_load %arg9[%swap3A_81] {strides = array<i32>} : memref<128xi32, #tpu.memory_space<vmem>>, vector<16xi32>,
    tpu.vector_store %arg9[%swap3A_81], %shift_right_arithmetic3A_80 {strides = array<i32>} : memref<128xi32, #tpu.memory_space<vmem>>, vector<16xi32>,
    %get3A_83 = arith.constant 0 : i32
    %get3A_84 = arith.index_cast %get3A_83 : i32 to index
    %get3A_85 = arith.constant 96 : index
    %get3A_86 = tpu.vector_load %arg6[%get3A_84, %get3A_85] {strides = array<i32>} : memref<80x128xi32, #tpu.memory_space<vmem>>, vector<16xi32>,
    %and3A_87 = arith.constant 16383 : i32
    %and3A_88 = vector.broadcast %and3A_87 : i32 to vector<16xi32>
    %and3A_89 = arith.andi %get3A_86, %and3A_88 : vector<16xi32>
    %swap3A_90 = arith.constant 96 : index
    %swap3A_91 = tpu.vector_load %arg7[%swap3A_90] {strides = array<i32>} : memref<128xi32, #tpu.memory_space<vmem>>, vector<16xi32>,
    tpu.vector_store %arg7[%swap3A_90], %and3A_89 {strides = array<i32>} : memref<128xi32, #tpu.memory_space<vmem>>, vector<16xi32>,
    %shift_right_arithmetic3A_92 = arith.constant 14 : i32
    %shift_right_arithmetic3A_93 = vector.broadcast %shift_right_arithmetic3A_92 : i32 to vector<16xi32>
    %shift_right_arithmetic3A_94 = arith.shrsi %get3A_86, %shift_right_arithmetic3A_93 : vector<16xi32>
    %swap3A_95 = arith.constant 96 : index
    %swap3A_96 = tpu.vector_load %arg9[%swap3A_95] {strides = array<i32>} : memref<128xi32, #tpu.memory_space<vmem>>, vector<16xi32>,
    tpu.vector_store %arg9[%swap3A_95], %shift_right_arithmetic3A_94 {strides = array<i32>} : memref<128xi32, #tpu.memory_space<vmem>>, vector<16xi32>,
    %get3A_97 = arith.constant 0 : i32
    %get3A_98 = arith.index_cast %get3A_97 : i32 to index
    %get3A_99 = arith.constant 112 : index
    %get3A_100 = tpu.vector_load %arg6[%get3A_98, %get3A_99] {strides = array<i32>} : memref<80x128xi32, #tpu.memory_space<vmem>>, vector<16xi32>,
    %and3A_101 = arith.constant 16383 : i32
    %and3A_102 = vector.broadcast %and3A_101 : i32 to vector<16xi32>
    %and3A_103 = arith.andi %get3A_100, %and3A_102 : vector<16xi32>
    %swap3A_104 = arith.constant 112 : index
    %swap3A_105 = tpu.vector_load %arg7[%swap3A_104] {strides = array<i32>} : memref<128xi32, #tpu.memory_space<vmem>>, vector<16xi32>,
    tpu.vector_store %arg7[%swap3A_104], %and3A_103 {strides = array<i32>} : memref<128xi32, #tpu.memory_space<vmem>>, vector<16xi32>,
    %shift_right_arithmetic3A_106 = arith.constant 14 : i32
    %shift_right_arithmetic3A_107 = vector.broadcast %shift_right_arithmetic3A_106 : i32 to vector<16xi32>
    %shift_right_arithmetic3A_108 = arith.shrsi %get3A_100, %shift_right_arithmetic3A_107 : vector<16xi32>
    %swap3A_109 = arith.constant 112 : index
    %swap3A_110 = tpu.vector_load %arg9[%swap3A_109] {strides = array<i32>} : memref<128xi32, #tpu.memory_space<vmem>>, vector<16xi32>,
    tpu.vector_store %arg9[%swap3A_109], %shift_right_arithmetic3A_108 {strides = array<i32>} : memref<128xi32, #tpu.memory_space<vmem>>, vector<16xi32>,
    %dma_start3A = arith.constant 0 : i32
    %dma_start3A_111 = arith.constant 0 : i32
    %dma_start3A_112 = arith.constant 0 : i32
    %dma_start3A_113 = tpu.memref_slice %arg11[%dma_start3A, %dma_start3A_111, %dma_start3A_112] : memref<2x128x64xf32, #tpu.memory_space<vmem>> -> memref<1x128x64xf32, #tpu.memory_space<vmem>>
    %dma_start3A_114 = tpu.memref_squeeze %dma_start3A_113 : memref<1x128x64xf32, #tpu.memory_space<vmem>> -> memref<128x64xf32, #tpu.memory_space<vmem>>
    %dma_start3A_115 = arith.constant 0 : i32
    %dma_start3A_116 = arith.constant 0 : i32
    %dma_start3A_117 = tpu.memref_slice %arg2[%dma_start3A_115, %dma_start3A_116] : memref<10240x64xf32, #tpu.memory_space<hbm>> -> memref<10240x64xf32, #tpu.memory_space<hbm>>
    tpu.enqueue_indirect_dma source(%dma_start3A_117 : memref<10240x64xf32, #tpu.memory_space<hbm>>) target(%dma_start3A_114 : memref<128x64xf32, #tpu.memory_space<vmem>>) offsets(%arg7 : memref<128xi32, #tpu.memory_space<vmem>>) semaphore(%arg13 : memref<!tpu.dma_semaphore, #tpu.memory_space<semaphore_mem>>)
    %scan3A = arith.constant 0 : i32
    %scan3A_118 = arith.constant 0 : i32
    %scan3A_119 = arith.constant 40 : i32
    %scan3A_120 = arith.addi %scan3A_118, %scan3A_119 : i32
    %scan3A_121 = arith.constant 1 : i32
    scf.for %scan3A_124 = %scan3A_118 to %scan3A_120 step %scan3A_121  : i32 {
      %mul3A_125 = arith.constant 2 : i32
      %mul3A_126 = arith.muli %mul3A_125, %scan3A_124 : i32
      %mul3A_127 = arith.constant 2 : i32
      %mul3A_128 = arith.muli %mul3A_127, %scan3A_124 : i32
      %add3A_129 = arith.constant 1 : i32
      %add3A_130 = arith.addi %mul3A_128, %add3A_129 : i32
      %get3A_131 = arith.index_cast %add3A_130 : i32 to index
      %get3A_132 = arith.constant 0 : index
      %get3A_133 = tpu.vector_load %arg6[%get3A_131, %get3A_132] {strides = array<i32>} : memref<80x128xi32, #tpu.memory_space<vmem>>, vector<16xi32>,
      %and3A_134 = arith.constant 16383 : i32
      %and3A_135 = vector.broadcast %and3A_134 : i32 to vector<16xi32>
      %and3A_136 = arith.andi %get3A_133, %and3A_135 : vector<16xi32>
      %swap3A_137 = arith.constant 0 : index
      %swap3A_138 = tpu.vector_load %arg8[%swap3A_137] {strides = array<i32>} : memref<128xi32, #tpu.memory_space<vmem>>, vector<16xi32>,
      tpu.vector_store %arg8[%swap3A_137], %and3A_136 {strides = array<i32>} : memref<128xi32, #tpu.memory_space<vmem>>, vector<16xi32>,
      %shift_right_arithmetic3A_139 = arith.constant 14 : i32
      %shift_right_arithmetic3A_140 = vector.broadcast %shift_right_arithmetic3A_139 : i32 to vector<16xi32>
      %shift_right_arithmetic3A_141 = arith.shrsi %get3A_133, %shift_right_arithmetic3A_140 : vector<16xi32>
      %swap3A_142 = arith.constant 0 : index
      %swap3A_143 = tpu.vector_load %arg10[%swap3A_142] {strides = array<i32>} : memref<128xi32, #tpu.memory_space<vmem>>, vector<16xi32>,
      tpu.vector_store %arg10[%swap3A_142], %shift_right_arithmetic3A_141 {strides = array<i32>} : memref<128xi32, #tpu.memory_space<vmem>>, vector<16xi32>,
      %get3A_144 = arith.index_cast %add3A_130 : i32 to index
      %get3A_145 = arith.constant 16 : index
      %get3A_146 = tpu.vector_load %arg6[%get3A_144, %get3A_145] {strides = array<i32>} : memref<80x128xi32, #tpu.memory_space<vmem>>, vector<16xi32>,
      %and3A_147 = arith.constant 16383 : i32
      %and3A_148 = vector.broadcast %and3A_147 : i32 to vector<16xi32>
      %and3A_149 = arith.andi %get3A_146, %and3A_148 : vector<16xi32>
      %swap3A_150 = arith.constant 16 : index
      %swap3A_151 = tpu.vector_load %arg8[%swap3A_150] {strides = array<i32>} : memref<128xi32, #tpu.memory_space<vmem>>, vector<16xi32>,
      tpu.vector_store %arg8[%swap3A_150], %and3A_149 {strides = array<i32>} : memref<128xi32, #tpu.memory_space<vmem>>, vector<16xi32>,
      %shift_right_arithmetic3A_152 = arith.constant 14 : i32
      %shift_right_arithmetic3A_153 = vector.broadcast %shift_right_arithmetic3A_152 : i32 to vector<16xi32>
      %shift_right_arithmetic3A_154 = arith.shrsi %get3A_146, %shift_right_arithmetic3A_153 : vector<16xi32>
      %swap3A_155 = arith.constant 16 : index
      %swap3A_156 = tpu.vector_load %arg10[%swap3A_155] {strides = array<i32>} : memref<128xi32, #tpu.memory_space<vmem>>, vector<16xi32>,
      tpu.vector_store %arg10[%swap3A_155], %shift_right_arithmetic3A_154 {strides = array<i32>} : memref<128xi32, #tpu.memory_space<vmem>>, vector<16xi32>,
      %get3A_157 = arith.index_cast %add3A_130 : i32 to index
      %get3A_158 = arith.constant 32 : index
      %get3A_159 = tpu.vector_load %arg6[%get3A_157, %get3A_158] {strides = array<i32>} : memref<80x128xi32, #tpu.memory_space<vmem>>, vector<16xi32>,
      %and3A_160 = arith.constant 16383 : i32
      %and3A_161 = vector.broadcast %and3A_160 : i32 to vector<16xi32>
      %and3A_162 = arith.andi %get3A_159, %and3A_161 : vector<16xi32>
      %swap3A_163 = arith.constant 32 : index
      %swap3A_164 = tpu.vector_load %arg8[%swap3A_163] {strides = array<i32>} : memref<128xi32, #tpu.memory_space<vmem>>, vector<16xi32>,
      tpu.vector_store %arg8[%swap3A_163], %and3A_162 {strides = array<i32>} : memref<128xi32, #tpu.memory_space<vmem>>, vector<16xi32>,
      %shift_right_arithmetic3A_165 = arith.constant 14 : i32
      %shift_right_arithmetic3A_166 = vector.broadcast %shift_right_arithmetic3A_165 : i32 to vector<16xi32>
      %shift_right_arithmetic3A_167 = arith.shrsi %get3A_159, %shift_right_arithmetic3A_166 : vector<16xi32>
      %swap3A_168 = arith.constant 32 : index
      %swap3A_169 = tpu.vector_load %arg10[%swap3A_168] {strides = array<i32>} : memref<128xi32, #tpu.memory_space<vmem>>, vector<16xi32>,
      tpu.vector_store %arg10[%swap3A_168], %shift_right_arithmetic3A_167 {strides = array<i32>} : memref<128xi32, #tpu.memory_space<vmem>>, vector<16xi32>,
      %get3A_170 = arith.index_cast %add3A_130 : i32 to index
      %get3A_171 = arith.constant 48 : index
      %get3A_172 = tpu.vector_load %arg6[%get3A_170, %get3A_171] {strides = array<i32>} : memref<80x128xi32, #tpu.memory_space<vmem>>, vector<16xi32>,
      %and3A_173 = arith.constant 16383 : i32
      %and3A_174 = vector.broadcast %and3A_173 : i32 to vector<16xi32>
      %and3A_175 = arith.andi %get3A_172, %and3A_174 : vector<16xi32>
      %swap3A_176 = arith.constant 48 : index
      %swap3A_177 = tpu.vector_load %arg8[%swap3A_176] {strides = array<i32>} : memref<128xi32, #tpu.memory_space<vmem>>, vector<16xi32>,
      tpu.vector_store %arg8[%swap3A_176], %and3A_175 {strides = array<i32>} : memref<128xi32, #tpu.memory_space<vmem>>, vector<16xi32>,
      %shift_right_arithmetic3A_178 = arith.constant 14 : i32
      %shift_right_arithmetic3A_179 = vector.broadcast %shift_right_arithmetic3A_178 : i32 to vector<16xi32>
      %shift_right_arithmetic3A_180 = arith.shrsi %get3A_172, %shift_right_arithmetic3A_179 : vector<16xi32>
      %swap3A_181 = arith.constant 48 : index
      %swap3A_182 = tpu.vector_load %arg10[%swap3A_181] {strides = array<i32>} : memref<128xi32, #tpu.memory_space<vmem>>, vector<16xi32>,
      tpu.vector_store %arg10[%swap3A_181], %shift_right_arithmetic3A_180 {strides = array<i32>} : memref<128xi32, #tpu.memory_space<vmem>>, vector<16xi32>,
      %get3A_183 = arith.index_cast %add3A_130 : i32 to index
      %get3A_184 = arith.constant 64 : index
      %get3A_185 = tpu.vector_load %arg6[%get3A_183, %get3A_184] {strides = array<i32>} : memref<80x128xi32, #tpu.memory_space<vmem>>, vector<16xi32>,
      %and3A_186 = arith.constant 16383 : i32
      %and3A_187 = vector.broadcast %and3A_186 : i32 to vector<16xi32>
      %and3A_188 = arith.andi %get3A_185, %and3A_187 : vector<16xi32>
      %swap3A_189 = arith.constant 64 : index
      %swap3A_190 = tpu.vector_load %arg8[%swap3A_189] {strides = array<i32>} : memref<128xi32, #tpu.memory_space<vmem>>, vector<16xi32>,
      tpu.vector_store %arg8[%swap3A_189], %and3A_188 {strides = array<i32>} : memref<128xi32, #tpu.memory_space<vmem>>, vector<16xi32>,
      %shift_right_arithmetic3A_191 = arith.constant 14 : i32
      %shift_right_arithmetic3A_192 = vector.broadcast %shift_right_arithmetic3A_191 : i32 to vector<16xi32>
      %shift_right_arithmetic3A_193 = arith.shrsi %get3A_185, %shift_right_arithmetic3A_192 : vector<16xi32>
      %swap3A_194 = arith.constant 64 : index
      %swap3A_195 = tpu.vector_load %arg10[%swap3A_194] {strides = array<i32>} : memref<128xi32, #tpu.memory_space<vmem>>, vector<16xi32>,
      tpu.vector_store %arg10[%swap3A_194], %shift_right_arithmetic3A_193 {strides = array<i32>} : memref<128xi32, #tpu.memory_space<vmem>>, vector<16xi32>,
      %get3A_196 = arith.index_cast %add3A_130 : i32 to index
      %get3A_197 = arith.constant 80 : index
      %get3A_198 = tpu.vector_load %arg6[%get3A_196, %get3A_197] {strides = array<i32>} : memref<80x128xi32, #tpu.memory_space<vmem>>, vector<16xi32>,
      %and3A_199 = arith.constant 16383 : i32
      %and3A_200 = vector.broadcast %and3A_199 : i32 to vector<16xi32>
      %and3A_201 = arith.andi %get3A_198, %and3A_200 : vector<16xi32>
      %swap3A_202 = arith.constant 80 : index
      %swap3A_203 = tpu.vector_load %arg8[%swap3A_202] {strides = array<i32>} : memref<128xi32, #tpu.memory_space<vmem>>, vector<16xi32>,
      tpu.vector_store %arg8[%swap3A_202], %and3A_201 {strides = array<i32>} : memref<128xi32, #tpu.memory_space<vmem>>, vector<16xi32>,
      %shift_right_arithmetic3A_204 = arith.constant 14 : i32
      %shift_right_arithmetic3A_205 = vector.broadcast %shift_right_arithmetic3A_204 : i32 to vector<16xi32>
      %shift_right_arithmetic3A_206 = arith.shrsi %get3A_198, %shift_right_arithmetic3A_205 : vector<16xi32>
      %swap3A_207 = arith.constant 80 : index
      %swap3A_208 = tpu.vector_load %arg10[%swap3A_207] {strides = array<i32>} : memref<128xi32, #tpu.memory_space<vmem>>, vector<16xi32>,
      tpu.vector_store %arg10[%swap3A_207], %shift_right_arithmetic3A_206 {strides = array<i32>} : memref<128xi32, #tpu.memory_space<vmem>>, vector<16xi32>,
      %get3A_209 = arith.index_cast %add3A_130 : i32 to index
      %get3A_210 = arith.constant 96 : index
      %get3A_211 = tpu.vector_load %arg6[%get3A_209, %get3A_210] {strides = array<i32>} : memref<80x128xi32, #tpu.memory_space<vmem>>, vector<16xi32>,
      %and3A_212 = arith.constant 16383 : i32
      %and3A_213 = vector.broadcast %and3A_212 : i32 to vector<16xi32>
      %and3A_214 = arith.andi %get3A_211, %and3A_213 : vector<16xi32>
      %swap3A_215 = arith.constant 96 : index
      %swap3A_216 = tpu.vector_load %arg8[%swap3A_215] {strides = array<i32>} : memref<128xi32, #tpu.memory_space<vmem>>, vector<16xi32>,
      tpu.vector_store %arg8[%swap3A_215], %and3A_214 {strides = array<i32>} : memref<128xi32, #tpu.memory_space<vmem>>, vector<16xi32>,
      %shift_right_arithmetic3A_217 = arith.constant 14 : i32
      %shift_right_arithmetic3A_218 = vector.broadcast %shift_right_arithmetic3A_217 : i32 to vector<16xi32>
      %shift_right_arithmetic3A_219 = arith.shrsi %get3A_211, %shift_right_arithmetic3A_218 : vector<16xi32>
      %swap3A_220 = arith.constant 96 : index
      %swap3A_221 = tpu.vector_load %arg10[%swap3A_220] {strides = array<i32>} : memref<128xi32, #tpu.memory_space<vmem>>, vector<16xi32>,
      tpu.vector_store %arg10[%swap3A_220], %shift_right_arithmetic3A_219 {strides = array<i32>} : memref<128xi32, #tpu.memory_space<vmem>>, vector<16xi32>,
      %get3A_222 = arith.index_cast %add3A_130 : i32 to index
      %get3A_223 = arith.constant 112 : index
      %get3A_224 = tpu.vector_load %arg6[%get3A_222, %get3A_223] {strides = array<i32>} : memref<80x128xi32, #tpu.memory_space<vmem>>, vector<16xi32>,
      %and3A_225 = arith.constant 16383 : i32
      %and3A_226 = vector.broadcast %and3A_225 : i32 to vector<16xi32>
      %and3A_227 = arith.andi %get3A_224, %and3A_226 : vector<16xi32>
      %swap3A_228 = arith.constant 112 : index
      %swap3A_229 = tpu.vector_load %arg8[%swap3A_228] {strides = array<i32>} : memref<128xi32, #tpu.memory_space<vmem>>, vector<16xi32>,
      tpu.vector_store %arg8[%swap3A_228], %and3A_227 {strides = array<i32>} : memref<128xi32, #tpu.memory_space<vmem>>, vector<16xi32>,
      %shift_right_arithmetic3A_230 = arith.constant 14 : i32
      %shift_right_arithmetic3A_231 = vector.broadcast %shift_right_arithmetic3A_230 : i32 to vector<16xi32>
      %shift_right_arithmetic3A_232 = arith.shrsi %get3A_224, %shift_right_arithmetic3A_231 : vector<16xi32>
      %swap3A_233 = arith.constant 112 : index
      %swap3A_234 = tpu.vector_load %arg10[%swap3A_233] {strides = array<i32>} : memref<128xi32, #tpu.memory_space<vmem>>, vector<16xi32>,
      tpu.vector_store %arg10[%swap3A_233], %shift_right_arithmetic3A_232 {strides = array<i32>} : memref<128xi32, #tpu.memory_space<vmem>>, vector<16xi32>,
      %dma_start3A_235 = arith.constant 1 : i32
      %dma_start3A_236 = arith.constant 0 : i32
      %dma_start3A_237 = arith.constant 0 : i32
      %dma_start3A_238 = tpu.memref_slice %arg11[%dma_start3A_235, %dma_start3A_236, %dma_start3A_237] : memref<2x128x64xf32, #tpu.memory_space<vmem>> -> memref<1x128x64xf32, #tpu.memory_space<vmem>>
      %dma_start3A_239 = tpu.memref_squeeze %dma_start3A_238 : memref<1x128x64xf32, #tpu.memory_space<vmem>> -> memref<128x64xf32, #tpu.memory_space<vmem>>
      %dma_start3A_240 = arith.constant 0 : i32
      %dma_start3A_241 = arith.constant 0 : i32
      %dma_start3A_242 = tpu.memref_slice %arg2[%dma_start3A_240, %dma_start3A_241] : memref<10240x64xf32, #tpu.memory_space<hbm>> -> memref<10240x64xf32, #tpu.memory_space<hbm>>
      tpu.enqueue_indirect_dma source(%dma_start3A_242 : memref<10240x64xf32, #tpu.memory_space<hbm>>) target(%dma_start3A_239 : memref<128x64xf32, #tpu.memory_space<vmem>>) offsets(%arg8 : memref<128xi32, #tpu.memory_space<vmem>>) semaphore(%arg14 : memref<!tpu.dma_semaphore, #tpu.memory_space<semaphore_mem>>)
      %dma_wait3A = arith.constant 0 : i32
      %dma_wait3A_243 = arith.constant 0 : i32
      %dma_wait3A_244 = arith.constant 0 : i32
      %dma_wait3A_245 = tpu.memref_slice %arg11[%dma_wait3A, %dma_wait3A_243, %dma_wait3A_244] : memref<2x128x64xf32, #tpu.memory_space<vmem>> -> memref<1x128x64xf32, #tpu.memory_space<vmem>>
      %dma_wait3A_246 = tpu.memref_squeeze %dma_wait3A_245 : memref<1x128x64xf32, #tpu.memory_space<vmem>> -> memref<128x64xf32, #tpu.memory_space<vmem>>
      %dma_wait3A_247 = arith.constant 0 : i32
      %dma_wait3A_248 = arith.constant 0 : i32
      %dma_wait3A_249 = tpu.memref_slice %arg2[%dma_wait3A_247, %dma_wait3A_248] : memref<10240x64xf32, #tpu.memory_space<hbm>> -> memref<10240x64xf32, #tpu.memory_space<hbm>>
      tpu.wait_indirect_dma semaphore(%arg13 : memref<!tpu.dma_semaphore, #tpu.memory_space<semaphore_mem>>) src(%dma_wait3A_249 : memref<10240x64xf32, #tpu.memory_space<hbm>>) dst(%dma_wait3A_246 : memref<128x64xf32, #tpu.memory_space<vmem>>)
      %run_scoped3A = arith.constant 0 : i32
      "tpu.region"() ({
        %run_scoped3A_263 = tpu.sem_alloc : memref<!tpu.dma_semaphore, #tpu.memory_space<semaphore_mem>>
        %dma_start3A_264 = arith.constant 0 : i32
        %dma_start3A_265 = arith.constant 0 : i32
        %dma_start3A_266 = tpu.memref_slice %arg11[%run_scoped3A, %dma_start3A_264, %dma_start3A_265] : memref<2x128x64xf32, #tpu.memory_space<vmem>> -> memref<1x128x64xf32, #tpu.memory_space<vmem>>
        %dma_start3A_267 = tpu.memref_squeeze %dma_start3A_266 : memref<1x128x64xf32, #tpu.memory_space<vmem>> -> memref<128x64xf32, #tpu.memory_space<vmem>>
        %dma_start3A_268 = arith.constant 0 : i32
        %dma_start3A_269 = arith.constant 0 : i32
        %dma_start3A_270 = tpu.memref_slice %arg12[%dma_start3A_268, %dma_start3A_269] : memref<10240x64xf32, #tpu.memory_space<vmem_shared>> -> memref<10240x64xf32, #tpu.memory_space<vmem_shared>>
        tpu.enqueue_indirect_dma source(%dma_start3A_267 : memref<128x64xf32, #tpu.memory_space<vmem>>) target(%dma_start3A_270 : memref<10240x64xf32, #tpu.memory_space<vmem_shared>>) offsets(%arg9 : memref<128xi32, #tpu.memory_space<vmem>>) semaphore(%run_scoped3A_263 : memref<!tpu.dma_semaphore, #tpu.memory_space<semaphore_mem>>) {add = true}
        %dma_wait3A_271 = arith.constant 0 : i32
        %dma_wait3A_272 = arith.constant 0 : i32
        %dma_wait3A_273 = tpu.memref_slice %arg11[%run_scoped3A, %dma_wait3A_271, %dma_wait3A_272] : memref<2x128x64xf32, #tpu.memory_space<vmem>> -> memref<1x128x64xf32, #tpu.memory_space<vmem>>
        %dma_wait3A_274 = tpu.memref_squeeze %dma_wait3A_273 : memref<1x128x64xf32, #tpu.memory_space<vmem>> -> memref<128x64xf32, #tpu.memory_space<vmem>>
        %dma_wait3A_275 = arith.constant 0 : i32
        %dma_wait3A_276 = arith.constant 0 : i32
        %dma_wait3A_277 = tpu.memref_slice %arg12[%dma_wait3A_275, %dma_wait3A_276] : memref<10240x64xf32, #tpu.memory_space<vmem_shared>> -> memref<10240x64xf32, #tpu.memory_space<vmem_shared>>
        tpu.wait_indirect_dma semaphore(%run_scoped3A_263 : memref<!tpu.dma_semaphore, #tpu.memory_space<semaphore_mem>>) src(%dma_wait3A_274 : memref<128x64xf32, #tpu.memory_space<vmem>>) dst(%dma_wait3A_277 : memref<10240x64xf32, #tpu.memory_space<vmem_shared>>)
        tpu.yield
      }) : () -> ()
      %add3A_250 = arith.constant 1 : i32
      %add3A_251 = arith.addi %add3A_130, %add3A_250 : i32
      %lt3A = arith.constant 80 : i32
      %lt3A_252 = arith.cmpi slt, %add3A_251, %lt3A : i32
      %convert_element_type3A = arith.extui %lt3A_252 : i1 to i32
      %cond3A = arith.constant 0 : i32
      %cond3A_253 = arith.cmpi ne, %convert_element_type3A, %cond3A : i32
      scf.if %cond3A_253 {
        %add3A_263 = arith.constant 1 : i32
        %add3A_264 = arith.addi %add3A_130, %add3A_263 : i32
        %get3A_265 = arith.index_cast %add3A_264 : i32 to index
        %get3A_266 = arith.constant 0 : index
        %get3A_267 = tpu.vector_load %arg6[%get3A_265, %get3A_266] {strides = array<i32>} : memref<80x128xi32, #tpu.memory_space<vmem>>, vector<16xi32>,
        %and3A_268 = arith.constant 16383 : i32
        %and3A_269 = vector.broadcast %and3A_268 : i32 to vector<16xi32>
        %and3A_270 = arith.andi %get3A_267, %and3A_269 : vector<16xi32>
        %swap3A_271 = arith.constant 0 : index
        %swap3A_272 = tpu.vector_load %arg7[%swap3A_271] {strides = array<i32>} : memref<128xi32, #tpu.memory_space<vmem>>, vector<16xi32>,
        tpu.vector_store %arg7[%swap3A_271], %and3A_270 {strides = array<i32>} : memref<128xi32, #tpu.memory_space<vmem>>, vector<16xi32>,
        %shift_right_arithmetic3A_273 = arith.constant 14 : i32
        %shift_right_arithmetic3A_274 = vector.broadcast %shift_right_arithmetic3A_273 : i32 to vector<16xi32>
        %shift_right_arithmetic3A_275 = arith.shrsi %get3A_267, %shift_right_arithmetic3A_274 : vector<16xi32>
        %swap3A_276 = arith.constant 0 : index
        %swap3A_277 = tpu.vector_load %arg9[%swap3A_276] {strides = array<i32>} : memref<128xi32, #tpu.memory_space<vmem>>, vector<16xi32>,
        tpu.vector_store %arg9[%swap3A_276], %shift_right_arithmetic3A_275 {strides = array<i32>} : memref<128xi32, #tpu.memory_space<vmem>>, vector<16xi32>,
        %get3A_278 = arith.index_cast %add3A_264 : i32 to index
        %get3A_279 = arith.constant 16 : index
        %get3A_280 = tpu.vector_load %arg6[%get3A_278, %get3A_279] {strides = array<i32>} : memref<80x128xi32, #tpu.memory_space<vmem>>, vector<16xi32>,
        %and3A_281 = arith.constant 16383 : i32
        %and3A_282 = vector.broadcast %and3A_281 : i32 to vector<16xi32>
        %and3A_283 = arith.andi %get3A_280, %and3A_282 : vector<16xi32>
        %swap3A_284 = arith.constant 16 : index
        %swap3A_285 = tpu.vector_load %arg7[%swap3A_284] {strides = array<i32>} : memref<128xi32, #tpu.memory_space<vmem>>, vector<16xi32>,
        tpu.vector_store %arg7[%swap3A_284], %and3A_283 {strides = array<i32>} : memref<128xi32, #tpu.memory_space<vmem>>, vector<16xi32>,
        %shift_right_arithmetic3A_286 = arith.constant 14 : i32
        %shift_right_arithmetic3A_287 = vector.broadcast %shift_right_arithmetic3A_286 : i32 to vector<16xi32>
        %shift_right_arithmetic3A_288 = arith.shrsi %get3A_280, %shift_right_arithmetic3A_287 : vector<16xi32>
        %swap3A_289 = arith.constant 16 : index
        %swap3A_290 = tpu.vector_load %arg9[%swap3A_289] {strides = array<i32>} : memref<128xi32, #tpu.memory_space<vmem>>, vector<16xi32>,
        tpu.vector_store %arg9[%swap3A_289], %shift_right_arithmetic3A_288 {strides = array<i32>} : memref<128xi32, #tpu.memory_space<vmem>>, vector<16xi32>,
        %get3A_291 = arith.index_cast %add3A_264 : i32 to index
        %get3A_292 = arith.constant 32 : index
        %get3A_293 = tpu.vector_load %arg6[%get3A_291, %get3A_292] {strides = array<i32>} : memref<80x128xi32, #tpu.memory_space<vmem>>, vector<16xi32>,
        %and3A_294 = arith.constant 16383 : i32
        %and3A_295 = vector.broadcast %and3A_294 : i32 to vector<16xi32>
        %and3A_296 = arith.andi %get3A_293, %and3A_295 : vector<16xi32>
        %swap3A_297 = arith.constant 32 : index
        %swap3A_298 = tpu.vector_load %arg7[%swap3A_297] {strides = array<i32>} : memref<128xi32, #tpu.memory_space<vmem>>, vector<16xi32>,
        tpu.vector_store %arg7[%swap3A_297], %and3A_296 {strides = array<i32>} : memref<128xi32, #tpu.memory_space<vmem>>, vector<16xi32>,
        %shift_right_arithmetic3A_299 = arith.constant 14 : i32
        %shift_right_arithmetic3A_300 = vector.broadcast %shift_right_arithmetic3A_299 : i32 to vector<16xi32>
        %shift_right_arithmetic3A_301 = arith.shrsi %get3A_293, %shift_right_arithmetic3A_300 : vector<16xi32>
        %swap3A_302 = arith.constant 32 : index
        %swap3A_303 = tpu.vector_load %arg9[%swap3A_302] {strides = array<i32>} : memref<128xi32, #tpu.memory_space<vmem>>, vector<16xi32>,
        tpu.vector_store %arg9[%swap3A_302], %shift_right_arithmetic3A_301 {strides = array<i32>} : memref<128xi32, #tpu.memory_space<vmem>>, vector<16xi32>,
        %get3A_304 = arith.index_cast %add3A_264 : i32 to index
        %get3A_305 = arith.constant 48 : index
        %get3A_306 = tpu.vector_load %arg6[%get3A_304, %get3A_305] {strides = array<i32>} : memref<80x128xi32, #tpu.memory_space<vmem>>, vector<16xi32>,
        %and3A_307 = arith.constant 16383 : i32
        %and3A_308 = vector.broadcast %and3A_307 : i32 to vector<16xi32>
        %and3A_309 = arith.andi %get3A_306, %and3A_308 : vector<16xi32>
        %swap3A_310 = arith.constant 48 : index
        %swap3A_311 = tpu.vector_load %arg7[%swap3A_310] {strides = array<i32>} : memref<128xi32, #tpu.memory_space<vmem>>, vector<16xi32>,
        tpu.vector_store %arg7[%swap3A_310], %and3A_309 {strides = array<i32>} : memref<128xi32, #tpu.memory_space<vmem>>, vector<16xi32>,
        %shift_right_arithmetic3A_312 = arith.constant 14 : i32
        %shift_right_arithmetic3A_313 = vector.broadcast %shift_right_arithmetic3A_312 : i32 to vector<16xi32>
        %shift_right_arithmetic3A_314 = arith.shrsi %get3A_306, %shift_right_arithmetic3A_313 : vector<16xi32>
        %swap3A_315 = arith.constant 48 : index
        %swap3A_316 = tpu.vector_load %arg9[%swap3A_315] {strides = array<i32>} : memref<128xi32, #tpu.memory_space<vmem>>, vector<16xi32>,
        tpu.vector_store %arg9[%swap3A_315], %shift_right_arithmetic3A_314 {strides = array<i32>} : memref<128xi32, #tpu.memory_space<vmem>>, vector<16xi32>,
        %get3A_317 = arith.index_cast %add3A_264 : i32 to index
        %get3A_318 = arith.constant 64 : index
        %get3A_319 = tpu.vector_load %arg6[%get3A_317, %get3A_318] {strides = array<i32>} : memref<80x128xi32, #tpu.memory_space<vmem>>, vector<16xi32>,
        %and3A_320 = arith.constant 16383 : i32
        %and3A_321 = vector.broadcast %and3A_320 : i32 to vector<16xi32>
        %and3A_322 = arith.andi %get3A_319, %and3A_321 : vector<16xi32>
        %swap3A_323 = arith.constant 64 : index
        %swap3A_324 = tpu.vector_load %arg7[%swap3A_323] {strides = array<i32>} : memref<128xi32, #tpu.memory_space<vmem>>, vector<16xi32>,
        tpu.vector_store %arg7[%swap3A_323], %and3A_322 {strides = array<i32>} : memref<128xi32, #tpu.memory_space<vmem>>, vector<16xi32>,
        %shift_right_arithmetic3A_325 = arith.constant 14 : i32
        %shift_right_arithmetic3A_326 = vector.broadcast %shift_right_arithmetic3A_325 : i32 to vector<16xi32>
        %shift_right_arithmetic3A_327 = arith.shrsi %get3A_319, %shift_right_arithmetic3A_326 : vector<16xi32>
        %swap3A_328 = arith.constant 64 : index
        %swap3A_329 = tpu.vector_load %arg9[%swap3A_328] {strides = array<i32>} : memref<128xi32, #tpu.memory_space<vmem>>, vector<16xi32>,
        tpu.vector_store %arg9[%swap3A_328], %shift_right_arithmetic3A_327 {strides = array<i32>} : memref<128xi32, #tpu.memory_space<vmem>>, vector<16xi32>,
        %get3A_330 = arith.index_cast %add3A_264 : i32 to index
        %get3A_331 = arith.constant 80 : index
        %get3A_332 = tpu.vector_load %arg6[%get3A_330, %get3A_331] {strides = array<i32>} : memref<80x128xi32, #tpu.memory_space<vmem>>, vector<16xi32>,
        %and3A_333 = arith.constant 16383 : i32
        %and3A_334 = vector.broadcast %and3A_333 : i32 to vector<16xi32>
        %and3A_335 = arith.andi %get3A_332, %and3A_334 : vector<16xi32>
        %swap3A_336 = arith.constant 80 : index
        %swap3A_337 = tpu.vector_load %arg7[%swap3A_336] {strides = array<i32>} : memref<128xi32, #tpu.memory_space<vmem>>, vector<16xi32>,
        tpu.vector_store %arg7[%swap3A_336], %and3A_335 {strides = array<i32>} : memref<128xi32, #tpu.memory_space<vmem>>, vector<16xi32>,
        %shift_right_arithmetic3A_338 = arith.constant 14 : i32
        %shift_right_arithmetic3A_339 = vector.broadcast %shift_right_arithmetic3A_338 : i32 to vector<16xi32>
        %shift_right_arithmetic3A_340 = arith.shrsi %get3A_332, %shift_right_arithmetic3A_339 : vector<16xi32>
        %swap3A_341 = arith.constant 80 : index
        %swap3A_342 = tpu.vector_load %arg9[%swap3A_341] {strides = array<i32>} : memref<128xi32, #tpu.memory_space<vmem>>, vector<16xi32>,
        tpu.vector_store %arg9[%swap3A_341], %shift_right_arithmetic3A_340 {strides = array<i32>} : memref<128xi32, #tpu.memory_space<vmem>>, vector<16xi32>,
        %get3A_343 = arith.index_cast %add3A_264 : i32 to index
        %get3A_344 = arith.constant 96 : index
        %get3A_345 = tpu.vector_load %arg6[%get3A_343, %get3A_344] {strides = array<i32>} : memref<80x128xi32, #tpu.memory_space<vmem>>, vector<16xi32>,
        %and3A_346 = arith.constant 16383 : i32
        %and3A_347 = vector.broadcast %and3A_346 : i32 to vector<16xi32>
        %and3A_348 = arith.andi %get3A_345, %and3A_347 : vector<16xi32>
        %swap3A_349 = arith.constant 96 : index
        %swap3A_350 = tpu.vector_load %arg7[%swap3A_349] {strides = array<i32>} : memref<128xi32, #tpu.memory_space<vmem>>, vector<16xi32>,
        tpu.vector_store %arg7[%swap3A_349], %and3A_348 {strides = array<i32>} : memref<128xi32, #tpu.memory_space<vmem>>, vector<16xi32>,
        %shift_right_arithmetic3A_351 = arith.constant 14 : i32
        %shift_right_arithmetic3A_352 = vector.broadcast %shift_right_arithmetic3A_351 : i32 to vector<16xi32>
        %shift_right_arithmetic3A_353 = arith.shrsi %get3A_345, %shift_right_arithmetic3A_352 : vector<16xi32>
        %swap3A_354 = arith.constant 96 : index
        %swap3A_355 = tpu.vector_load %arg9[%swap3A_354] {strides = array<i32>} : memref<128xi32, #tpu.memory_space<vmem>>, vector<16xi32>,
        tpu.vector_store %arg9[%swap3A_354], %shift_right_arithmetic3A_353 {strides = array<i32>} : memref<128xi32, #tpu.memory_space<vmem>>, vector<16xi32>,
        %get3A_356 = arith.index_cast %add3A_264 : i32 to index
        %get3A_357 = arith.constant 112 : index
        %get3A_358 = tpu.vector_load %arg6[%get3A_356, %get3A_357] {strides = array<i32>} : memref<80x128xi32, #tpu.memory_space<vmem>>, vector<16xi32>,
        %and3A_359 = arith.constant 16383 : i32
        %and3A_360 = vector.broadcast %and3A_359 : i32 to vector<16xi32>
        %and3A_361 = arith.andi %get3A_358, %and3A_360 : vector<16xi32>
        %swap3A_362 = arith.constant 112 : index
        %swap3A_363 = tpu.vector_load %arg7[%swap3A_362] {strides = array<i32>} : memref<128xi32, #tpu.memory_space<vmem>>, vector<16xi32>,
        tpu.vector_store %arg7[%swap3A_362], %and3A_361 {strides = array<i32>} : memref<128xi32, #tpu.memory_space<vmem>>, vector<16xi32>,
        %shift_right_arithmetic3A_364 = arith.constant 14 : i32
        %shift_right_arithmetic3A_365 = vector.broadcast %shift_right_arithmetic3A_364 : i32 to vector<16xi32>
        %shift_right_arithmetic3A_366 = arith.shrsi %get3A_358, %shift_right_arithmetic3A_365 : vector<16xi32>
        %swap3A_367 = arith.constant 112 : index
        %swap3A_368 = tpu.vector_load %arg9[%swap3A_367] {strides = array<i32>} : memref<128xi32, #tpu.memory_space<vmem>>, vector<16xi32>,
        tpu.vector_store %arg9[%swap3A_367], %shift_right_arithmetic3A_366 {strides = array<i32>} : memref<128xi32, #tpu.memory_space<vmem>>, vector<16xi32>,
        %dma_start3A_369 = arith.constant 0 : i32
        %dma_start3A_370 = arith.constant 0 : i32
        %dma_start3A_371 = arith.constant 0 : i32
        %dma_start3A_372 = tpu.memref_slice %arg11[%dma_start3A_369, %dma_start3A_370, %dma_start3A_371] : memref<2x128x64xf32, #tpu.memory_space<vmem>> -> memref<1x128x64xf32, #tpu.memory_space<vmem>>
        %dma_start3A_373 = tpu.memref_squeeze %dma_start3A_372 : memref<1x128x64xf32, #tpu.memory_space<vmem>> -> memref<128x64xf32, #tpu.memory_space<vmem>>
        %dma_start3A_374 = arith.constant 0 : i32
        %dma_start3A_375 = arith.constant 0 : i32
        %dma_start3A_376 = tpu.memref_slice %arg2[%dma_start3A_374, %dma_start3A_375] : memref<10240x64xf32, #tpu.memory_space<hbm>> -> memref<10240x64xf32, #tpu.memory_space<hbm>>
        tpu.enqueue_indirect_dma source(%dma_start3A_376 : memref<10240x64xf32, #tpu.memory_space<hbm>>) target(%dma_start3A_373 : memref<128x64xf32, #tpu.memory_space<vmem>>) offsets(%arg7 : memref<128xi32, #tpu.memory_space<vmem>>) semaphore(%arg13 : memref<!tpu.dma_semaphore, #tpu.memory_space<semaphore_mem>>)
      } else {
      }
      %dma_wait3A_254 = arith.constant 1 : i32
      %dma_wait3A_255 = arith.constant 0 : i32
      %dma_wait3A_256 = arith.constant 0 : i32
      %dma_wait3A_257 = tpu.memref_slice %arg11[%dma_wait3A_254, %dma_wait3A_255, %dma_wait3A_256] : memref<2x128x64xf32, #tpu.memory_space<vmem>> -> memref<1x128x64xf32, #tpu.memory_space<vmem>>
      %dma_wait3A_258 = tpu.memref_squeeze %dma_wait3A_257 : memref<1x128x64xf32, #tpu.memory_space<vmem>> -> memref<128x64xf32, #tpu.memory_space<vmem>>
      %dma_wait3A_259 = arith.constant 0 : i32
      %dma_wait3A_260 = arith.constant 0 : i32
      %dma_wait3A_261 = tpu.memref_slice %arg2[%dma_wait3A_259, %dma_wait3A_260] : memref<10240x64xf32, #tpu.memory_space<hbm>> -> memref<10240x64xf32, #tpu.memory_space<hbm>>
      tpu.wait_indirect_dma semaphore(%arg14 : memref<!tpu.dma_semaphore, #tpu.memory_space<semaphore_mem>>) src(%dma_wait3A_261 : memref<10240x64xf32, #tpu.memory_space<hbm>>) dst(%dma_wait3A_258 : memref<128x64xf32, #tpu.memory_space<vmem>>)
      %run_scoped3A_262 = arith.constant 1 : i32
      "tpu.region"() ({
        %run_scoped3A_263 = tpu.sem_alloc : memref<!tpu.dma_semaphore, #tpu.memory_space<semaphore_mem>>
        %dma_start3A_264 = arith.constant 0 : i32
        %dma_start3A_265 = arith.constant 0 : i32
        %dma_start3A_266 = tpu.memref_slice %arg11[%run_scoped3A_262, %dma_start3A_264, %dma_start3A_265] : memref<2x128x64xf32, #tpu.memory_space<vmem>> -> memref<1x128x64xf32, #tpu.memory_space<vmem>>
        %dma_start3A_267 = tpu.memref_squeeze %dma_start3A_266 : memref<1x128x64xf32, #tpu.memory_space<vmem>> -> memref<128x64xf32, #tpu.memory_space<vmem>>
        %dma_start3A_268 = arith.constant 0 : i32
        %dma_start3A_269 = arith.constant 0 : i32
        %dma_start3A_270 = tpu.memref_slice %arg12[%dma_start3A_268, %dma_start3A_269] : memref<10240x64xf32, #tpu.memory_space<vmem_shared>> -> memref<10240x64xf32, #tpu.memory_space<vmem_shared>>
        tpu.enqueue_indirect_dma source(%dma_start3A_267 : memref<128x64xf32, #tpu.memory_space<vmem>>) target(%dma_start3A_270 : memref<10240x64xf32, #tpu.memory_space<vmem_shared>>) offsets(%arg10 : memref<128xi32, #tpu.memory_space<vmem>>) semaphore(%run_scoped3A_263 : memref<!tpu.dma_semaphore, #tpu.memory_space<semaphore_mem>>) {add = true}
        %dma_wait3A_271 = arith.constant 0 : i32
        %dma_wait3A_272 = arith.constant 0 : i32
        %dma_wait3A_273 = tpu.memref_slice %arg11[%run_scoped3A_262, %dma_wait3A_271, %dma_wait3A_272] : memref<2x128x64xf32, #tpu.memory_space<vmem>> -> memref<1x128x64xf32, #tpu.memory_space<vmem>>
        %dma_wait3A_274 = tpu.memref_squeeze %dma_wait3A_273 : memref<1x128x64xf32, #tpu.memory_space<vmem>> -> memref<128x64xf32, #tpu.memory_space<vmem>>
        %dma_wait3A_275 = arith.constant 0 : i32
        %dma_wait3A_276 = arith.constant 0 : i32
        %dma_wait3A_277 = tpu.memref_slice %arg12[%dma_wait3A_275, %dma_wait3A_276] : memref<10240x64xf32, #tpu.memory_space<vmem_shared>> -> memref<10240x64xf32, #tpu.memory_space<vmem_shared>>
        tpu.wait_indirect_dma semaphore(%run_scoped3A_263 : memref<!tpu.dma_semaphore, #tpu.memory_space<semaphore_mem>>) src(%dma_wait3A_274 : memref<128x64xf32, #tpu.memory_space<vmem>>) dst(%dma_wait3A_277 : memref<10240x64xf32, #tpu.memory_space<vmem_shared>>)
        tpu.yield
      }) : () -> ()
    }
    %scan3A_122 = arith.constant 40 : i32
    %barrier3A_123 = arith.constant 0 : index
    tpu.barrier barrier_id(%barrier3A_123)
    "tpu.region"() ({
      %run_scoped3A = tpu.sem_alloc : memref<!tpu.dma_semaphore, #tpu.memory_space<semaphore_mem>>
      %dma_start3A_124 = arith.constant 0 : i32
      %dma_start3A_125 = tpu.memref_slice %arg5[%arg0, %mul3A_2, %dma_start3A_124] : memref<2x10240x64xf32, #tpu.memory_space<hbm>> -> memref<1x640x64xf32, #tpu.memory_space<hbm>>
      %dma_start3A_126 = tpu.memref_squeeze %dma_start3A_125 : memref<1x640x64xf32, #tpu.memory_space<hbm>> -> memref<640x64xf32, #tpu.memory_space<hbm>>
      %dma_start3A_127 = arith.constant 0 : i32
      %dma_start3A_128 = tpu.memref_slice %arg12[%mul3A_2, %dma_start3A_127] : memref<10240x64xf32, #tpu.memory_space<vmem_shared>> -> memref<640x64xf32, #tpu.memory_space<vmem_shared>>
      tpu.enqueue_dma source(%dma_start3A_128 : memref<640x64xf32, #tpu.memory_space<vmem_shared>>) target(%dma_start3A_126 : memref<640x64xf32, #tpu.memory_space<hbm>>) target_semaphore(%run_scoped3A : memref<!tpu.dma_semaphore, #tpu.memory_space<semaphore_mem>>)
      %dma_wait3A = arith.constant 0 : i32
      %dma_wait3A_129 = tpu.memref_slice %arg5[%arg0, %mul3A_2, %dma_wait3A] : memref<2x10240x64xf32, #tpu.memory_space<hbm>> -> memref<1x640x64xf32, #tpu.memory_space<hbm>>
      %dma_wait3A_130 = tpu.memref_squeeze %dma_wait3A_129 : memref<1x640x64xf32, #tpu.memory_space<hbm>> -> memref<640x64xf32, #tpu.memory_space<hbm>>
      %dma_wait3A_131 = arith.constant 0 : i32
      %dma_wait3A_132 = tpu.memref_slice %arg12[%mul3A_2, %dma_wait3A_131] : memref<10240x64xf32, #tpu.memory_space<vmem_shared>> -> memref<640x64xf32, #tpu.memory_space<vmem_shared>>
      tpu.wait_dma2 semaphore(%run_scoped3A : memref<!tpu.dma_semaphore, #tpu.memory_space<semaphore_mem>>) src(%dma_wait3A_132 : memref<640x64xf32, #tpu.memory_space<vmem_shared>>) dst(%dma_wait3A_130 : memref<640x64xf32, #tpu.memory_space<hbm>>)
      tpu.yield
    }) : () -> ()
    return
  }
}

#map = affine_map<(d0, d1) -> (0, 0)>
#map1 = affine_map<(d0, d1) -> (0, 0, 0)>
module attributes {stable_mosaic.version = 14 : i64} {
  func.func @_agg_body(%arg0: i32, %arg1: i32, %arg2: memref<10240x128xf32, #tpu.memory_space<hbm>>, %arg3: memref<32x80x128xi32, #tpu.memory_space<hbm>>, %arg4: memref<10240x128xf32, #tpu.memory_space<hbm>>, %arg5: memref<2x10240x128xf32, #tpu.memory_space<hbm>>, %arg6: memref<80x128xi32, #tpu.memory_space<vmem>>, %arg7: memref<128xi32, #tpu.memory_space<vmem>>, %arg8: memref<128xi32, #tpu.memory_space<vmem>>, %arg9: memref<128xi32, #tpu.memory_space<vmem>>, %arg10: memref<128xi32, #tpu.memory_space<vmem>>, %arg11: memref<2x128x128xf32, #tpu.memory_space<vmem>>, %arg12: memref<10240x128xf32, #tpu.memory_space<vmem_shared>>, %arg13: memref<!tpu.dma_semaphore, #tpu.memory_space<semaphore_mem>>, %arg14: memref<!tpu.dma_semaphore, #tpu.memory_space<semaphore_mem>>) attributes {dimension_semantics = [#tpu.dimension_semantics<core_parallel>, #tpu.dimension_semantics<subcore_parallel>], iteration_bounds = array<i64: 2, 16>, scalar_prefetch = 0 : i64, scratch_operands = 9 : i64, tpu.core_type = #tpu.core_type<sc_vector_subcore>, window_params = [{transform_indices = #map}, {transform_indices = #map1}, {transform_indices = #map}, {transform_indices = #map1}]} {
    %mul3A = arith.constant 16 : i32
    %mul3A_0 = arith.muli %arg0, %mul3A : i32
    %add3A = arith.addi %mul3A_0, %arg1 : i32
    "tpu.region"() ({
      %run_scoped3A = tpu.sem_alloc : memref<!tpu.dma_semaphore, #tpu.memory_space<semaphore_mem>>
      %dma_start3A_124 = arith.constant 0 : i32
      %dma_start3A_125 = arith.constant 0 : i32
      %dma_start3A_126 = tpu.memref_slice %arg3[%add3A, %dma_start3A_124, %dma_start3A_125] : memref<32x80x128xi32, #tpu.memory_space<hbm>> -> memref<1x80x128xi32, #tpu.memory_space<hbm>>
      %dma_start3A_127 = tpu.memref_squeeze %dma_start3A_126 : memref<1x80x128xi32, #tpu.memory_space<hbm>> -> memref<80x128xi32, #tpu.memory_space<hbm>>
      %dma_start3A_128 = arith.constant 0 : i32
      %dma_start3A_129 = arith.constant 0 : i32
      %dma_start3A_130 = tpu.memref_slice %arg3[%add3A, %dma_start3A_128, %dma_start3A_129] : memref<32x80x128xi32, #tpu.memory_space<hbm>> -> memref<1x80x128xi32, #tpu.memory_space<hbm>>
      %dma_start3A_131 = tpu.memref_squeeze %dma_start3A_130 : memref<1x80x128xi32, #tpu.memory_space<hbm>> -> memref<80x128xi32, #tpu.memory_space<hbm>>
      tpu.enqueue_dma source(%dma_start3A_131 : memref<80x128xi32, #tpu.memory_space<hbm>>) target(%arg6 : memref<80x128xi32, #tpu.memory_space<vmem>>) target_semaphore(%run_scoped3A : memref<!tpu.dma_semaphore, #tpu.memory_space<semaphore_mem>>)
      %dma_wait3A = arith.constant 0 : i32
      %dma_wait3A_132 = arith.constant 0 : i32
      %dma_wait3A_133 = tpu.memref_slice %arg3[%add3A, %dma_wait3A, %dma_wait3A_132] : memref<32x80x128xi32, #tpu.memory_space<hbm>> -> memref<1x80x128xi32, #tpu.memory_space<hbm>>
      %dma_wait3A_134 = tpu.memref_squeeze %dma_wait3A_133 : memref<1x80x128xi32, #tpu.memory_space<hbm>> -> memref<80x128xi32, #tpu.memory_space<hbm>>
      %dma_wait3A_135 = arith.constant 0 : i32
      %dma_wait3A_136 = arith.constant 0 : i32
      %dma_wait3A_137 = tpu.memref_slice %arg3[%add3A, %dma_wait3A_135, %dma_wait3A_136] : memref<32x80x128xi32, #tpu.memory_space<hbm>> -> memref<1x80x128xi32, #tpu.memory_space<hbm>>
      %dma_wait3A_138 = tpu.memref_squeeze %dma_wait3A_137 : memref<1x80x128xi32, #tpu.memory_space<hbm>> -> memref<80x128xi32, #tpu.memory_space<hbm>>
      tpu.wait_dma2 semaphore(%run_scoped3A : memref<!tpu.dma_semaphore, #tpu.memory_space<semaphore_mem>>) src(%dma_wait3A_138 : memref<80x128xi32, #tpu.memory_space<hbm>>) dst(%arg6 : memref<80x128xi32, #tpu.memory_space<vmem>>)
      tpu.yield
    }) : () -> ()
    %mul3A_1 = arith.constant 640 : i32
    %mul3A_2 = arith.muli %arg1, %mul3A_1 : i32
    "tpu.region"() ({
      %run_scoped3A = tpu.sem_alloc : memref<!tpu.dma_semaphore, #tpu.memory_space<semaphore_mem>>
      %dma_start3A_124 = arith.constant 0 : i32
      %dma_start3A_125 = tpu.memref_slice %arg12[%mul3A_2, %dma_start3A_124] : memref<10240x128xf32, #tpu.memory_space<vmem_shared>> -> memref<640x128xf32, #tpu.memory_space<vmem_shared>>
      %dma_start3A_126 = arith.constant 0 : i32
      %dma_start3A_127 = tpu.memref_slice %arg4[%mul3A_2, %dma_start3A_126] : memref<10240x128xf32, #tpu.memory_space<hbm>> -> memref<640x128xf32, #tpu.memory_space<hbm>>
      tpu.enqueue_dma source(%dma_start3A_127 : memref<640x128xf32, #tpu.memory_space<hbm>>) target(%dma_start3A_125 : memref<640x128xf32, #tpu.memory_space<vmem_shared>>) target_semaphore(%run_scoped3A : memref<!tpu.dma_semaphore, #tpu.memory_space<semaphore_mem>>)
      %dma_wait3A = arith.constant 0 : i32
      %dma_wait3A_128 = tpu.memref_slice %arg12[%mul3A_2, %dma_wait3A] : memref<10240x128xf32, #tpu.memory_space<vmem_shared>> -> memref<640x128xf32, #tpu.memory_space<vmem_shared>>
      %dma_wait3A_129 = arith.constant 0 : i32
      %dma_wait3A_130 = tpu.memref_slice %arg4[%mul3A_2, %dma_wait3A_129] : memref<10240x128xf32, #tpu.memory_space<hbm>> -> memref<640x128xf32, #tpu.memory_space<hbm>>
      tpu.wait_dma2 semaphore(%run_scoped3A : memref<!tpu.dma_semaphore, #tpu.memory_space<semaphore_mem>>) src(%dma_wait3A_130 : memref<640x128xf32, #tpu.memory_space<hbm>>) dst(%dma_wait3A_128 : memref<640x128xf32, #tpu.memory_space<vmem_shared>>)
      tpu.yield
    }) : () -> ()
    %barrier3A = arith.constant 0 : index
    tpu.barrier barrier_id(%barrier3A)
    %get3A = arith.constant 0 : i32
    %get3A_3 = arith.index_cast %get3A : i32 to index
    %get3A_4 = arith.constant 0 : index
    %get3A_5 = tpu.vector_load %arg6[%get3A_3, %get3A_4] {strides = array<i32>} : memref<80x128xi32, #tpu.memory_space<vmem>>, vector<16xi32>,
    %and3A = arith.constant 16383 : i32
    %and3A_6 = vector.broadcast %and3A : i32 to vector<16xi32>
    %and3A_7 = arith.andi %get3A_5, %and3A_6 : vector<16xi32>
    %swap3A = arith.constant 0 : index
    %swap3A_8 = tpu.vector_load %arg7[%swap3A] {strides = array<i32>} : memref<128xi32, #tpu.memory_space<vmem>>, vector<16xi32>,
    tpu.vector_store %arg7[%swap3A], %and3A_7 {strides = array<i32>} : memref<128xi32, #tpu.memory_space<vmem>>, vector<16xi32>,
    %shift_right_arithmetic3A = arith.constant 14 : i32
    %shift_right_arithmetic3A_9 = vector.broadcast %shift_right_arithmetic3A : i32 to vector<16xi32>
    %shift_right_arithmetic3A_10 = arith.shrsi %get3A_5, %shift_right_arithmetic3A_9 : vector<16xi32>
    %swap3A_11 = arith.constant 0 : index
    %swap3A_12 = tpu.vector_load %arg9[%swap3A_11] {strides = array<i32>} : memref<128xi32, #tpu.memory_space<vmem>>, vector<16xi32>,
    tpu.vector_store %arg9[%swap3A_11], %shift_right_arithmetic3A_10 {strides = array<i32>} : memref<128xi32, #tpu.memory_space<vmem>>, vector<16xi32>,
    %get3A_13 = arith.constant 0 : i32
    %get3A_14 = arith.index_cast %get3A_13 : i32 to index
    %get3A_15 = arith.constant 16 : index
    %get3A_16 = tpu.vector_load %arg6[%get3A_14, %get3A_15] {strides = array<i32>} : memref<80x128xi32, #tpu.memory_space<vmem>>, vector<16xi32>,
    %and3A_17 = arith.constant 16383 : i32
    %and3A_18 = vector.broadcast %and3A_17 : i32 to vector<16xi32>
    %and3A_19 = arith.andi %get3A_16, %and3A_18 : vector<16xi32>
    %swap3A_20 = arith.constant 16 : index
    %swap3A_21 = tpu.vector_load %arg7[%swap3A_20] {strides = array<i32>} : memref<128xi32, #tpu.memory_space<vmem>>, vector<16xi32>,
    tpu.vector_store %arg7[%swap3A_20], %and3A_19 {strides = array<i32>} : memref<128xi32, #tpu.memory_space<vmem>>, vector<16xi32>,
    %shift_right_arithmetic3A_22 = arith.constant 14 : i32
    %shift_right_arithmetic3A_23 = vector.broadcast %shift_right_arithmetic3A_22 : i32 to vector<16xi32>
    %shift_right_arithmetic3A_24 = arith.shrsi %get3A_16, %shift_right_arithmetic3A_23 : vector<16xi32>
    %swap3A_25 = arith.constant 16 : index
    %swap3A_26 = tpu.vector_load %arg9[%swap3A_25] {strides = array<i32>} : memref<128xi32, #tpu.memory_space<vmem>>, vector<16xi32>,
    tpu.vector_store %arg9[%swap3A_25], %shift_right_arithmetic3A_24 {strides = array<i32>} : memref<128xi32, #tpu.memory_space<vmem>>, vector<16xi32>,
    %get3A_27 = arith.constant 0 : i32
    %get3A_28 = arith.index_cast %get3A_27 : i32 to index
    %get3A_29 = arith.constant 32 : index
    %get3A_30 = tpu.vector_load %arg6[%get3A_28, %get3A_29] {strides = array<i32>} : memref<80x128xi32, #tpu.memory_space<vmem>>, vector<16xi32>,
    %and3A_31 = arith.constant 16383 : i32
    %and3A_32 = vector.broadcast %and3A_31 : i32 to vector<16xi32>
    %and3A_33 = arith.andi %get3A_30, %and3A_32 : vector<16xi32>
    %swap3A_34 = arith.constant 32 : index
    %swap3A_35 = tpu.vector_load %arg7[%swap3A_34] {strides = array<i32>} : memref<128xi32, #tpu.memory_space<vmem>>, vector<16xi32>,
    tpu.vector_store %arg7[%swap3A_34], %and3A_33 {strides = array<i32>} : memref<128xi32, #tpu.memory_space<vmem>>, vector<16xi32>,
    %shift_right_arithmetic3A_36 = arith.constant 14 : i32
    %shift_right_arithmetic3A_37 = vector.broadcast %shift_right_arithmetic3A_36 : i32 to vector<16xi32>
    %shift_right_arithmetic3A_38 = arith.shrsi %get3A_30, %shift_right_arithmetic3A_37 : vector<16xi32>
    %swap3A_39 = arith.constant 32 : index
    %swap3A_40 = tpu.vector_load %arg9[%swap3A_39] {strides = array<i32>} : memref<128xi32, #tpu.memory_space<vmem>>, vector<16xi32>,
    tpu.vector_store %arg9[%swap3A_39], %shift_right_arithmetic3A_38 {strides = array<i32>} : memref<128xi32, #tpu.memory_space<vmem>>, vector<16xi32>,
    %get3A_41 = arith.constant 0 : i32
    %get3A_42 = arith.index_cast %get3A_41 : i32 to index
    %get3A_43 = arith.constant 48 : index
    %get3A_44 = tpu.vector_load %arg6[%get3A_42, %get3A_43] {strides = array<i32>} : memref<80x128xi32, #tpu.memory_space<vmem>>, vector<16xi32>,
    %and3A_45 = arith.constant 16383 : i32
    %and3A_46 = vector.broadcast %and3A_45 : i32 to vector<16xi32>
    %and3A_47 = arith.andi %get3A_44, %and3A_46 : vector<16xi32>
    %swap3A_48 = arith.constant 48 : index
    %swap3A_49 = tpu.vector_load %arg7[%swap3A_48] {strides = array<i32>} : memref<128xi32, #tpu.memory_space<vmem>>, vector<16xi32>,
    tpu.vector_store %arg7[%swap3A_48], %and3A_47 {strides = array<i32>} : memref<128xi32, #tpu.memory_space<vmem>>, vector<16xi32>,
    %shift_right_arithmetic3A_50 = arith.constant 14 : i32
    %shift_right_arithmetic3A_51 = vector.broadcast %shift_right_arithmetic3A_50 : i32 to vector<16xi32>
    %shift_right_arithmetic3A_52 = arith.shrsi %get3A_44, %shift_right_arithmetic3A_51 : vector<16xi32>
    %swap3A_53 = arith.constant 48 : index
    %swap3A_54 = tpu.vector_load %arg9[%swap3A_53] {strides = array<i32>} : memref<128xi32, #tpu.memory_space<vmem>>, vector<16xi32>,
    tpu.vector_store %arg9[%swap3A_53], %shift_right_arithmetic3A_52 {strides = array<i32>} : memref<128xi32, #tpu.memory_space<vmem>>, vector<16xi32>,
    %get3A_55 = arith.constant 0 : i32
    %get3A_56 = arith.index_cast %get3A_55 : i32 to index
    %get3A_57 = arith.constant 64 : index
    %get3A_58 = tpu.vector_load %arg6[%get3A_56, %get3A_57] {strides = array<i32>} : memref<80x128xi32, #tpu.memory_space<vmem>>, vector<16xi32>,
    %and3A_59 = arith.constant 16383 : i32
    %and3A_60 = vector.broadcast %and3A_59 : i32 to vector<16xi32>
    %and3A_61 = arith.andi %get3A_58, %and3A_60 : vector<16xi32>
    %swap3A_62 = arith.constant 64 : index
    %swap3A_63 = tpu.vector_load %arg7[%swap3A_62] {strides = array<i32>} : memref<128xi32, #tpu.memory_space<vmem>>, vector<16xi32>,
    tpu.vector_store %arg7[%swap3A_62], %and3A_61 {strides = array<i32>} : memref<128xi32, #tpu.memory_space<vmem>>, vector<16xi32>,
    %shift_right_arithmetic3A_64 = arith.constant 14 : i32
    %shift_right_arithmetic3A_65 = vector.broadcast %shift_right_arithmetic3A_64 : i32 to vector<16xi32>
    %shift_right_arithmetic3A_66 = arith.shrsi %get3A_58, %shift_right_arithmetic3A_65 : vector<16xi32>
    %swap3A_67 = arith.constant 64 : index
    %swap3A_68 = tpu.vector_load %arg9[%swap3A_67] {strides = array<i32>} : memref<128xi32, #tpu.memory_space<vmem>>, vector<16xi32>,
    tpu.vector_store %arg9[%swap3A_67], %shift_right_arithmetic3A_66 {strides = array<i32>} : memref<128xi32, #tpu.memory_space<vmem>>, vector<16xi32>,
    %get3A_69 = arith.constant 0 : i32
    %get3A_70 = arith.index_cast %get3A_69 : i32 to index
    %get3A_71 = arith.constant 80 : index
    %get3A_72 = tpu.vector_load %arg6[%get3A_70, %get3A_71] {strides = array<i32>} : memref<80x128xi32, #tpu.memory_space<vmem>>, vector<16xi32>,
    %and3A_73 = arith.constant 16383 : i32
    %and3A_74 = vector.broadcast %and3A_73 : i32 to vector<16xi32>
    %and3A_75 = arith.andi %get3A_72, %and3A_74 : vector<16xi32>
    %swap3A_76 = arith.constant 80 : index
    %swap3A_77 = tpu.vector_load %arg7[%swap3A_76] {strides = array<i32>} : memref<128xi32, #tpu.memory_space<vmem>>, vector<16xi32>,
    tpu.vector_store %arg7[%swap3A_76], %and3A_75 {strides = array<i32>} : memref<128xi32, #tpu.memory_space<vmem>>, vector<16xi32>,
    %shift_right_arithmetic3A_78 = arith.constant 14 : i32
    %shift_right_arithmetic3A_79 = vector.broadcast %shift_right_arithmetic3A_78 : i32 to vector<16xi32>
    %shift_right_arithmetic3A_80 = arith.shrsi %get3A_72, %shift_right_arithmetic3A_79 : vector<16xi32>
    %swap3A_81 = arith.constant 80 : index
    %swap3A_82 = tpu.vector_load %arg9[%swap3A_81] {strides = array<i32>} : memref<128xi32, #tpu.memory_space<vmem>>, vector<16xi32>,
    tpu.vector_store %arg9[%swap3A_81], %shift_right_arithmetic3A_80 {strides = array<i32>} : memref<128xi32, #tpu.memory_space<vmem>>, vector<16xi32>,
    %get3A_83 = arith.constant 0 : i32
    %get3A_84 = arith.index_cast %get3A_83 : i32 to index
    %get3A_85 = arith.constant 96 : index
    %get3A_86 = tpu.vector_load %arg6[%get3A_84, %get3A_85] {strides = array<i32>} : memref<80x128xi32, #tpu.memory_space<vmem>>, vector<16xi32>,
    %and3A_87 = arith.constant 16383 : i32
    %and3A_88 = vector.broadcast %and3A_87 : i32 to vector<16xi32>
    %and3A_89 = arith.andi %get3A_86, %and3A_88 : vector<16xi32>
    %swap3A_90 = arith.constant 96 : index
    %swap3A_91 = tpu.vector_load %arg7[%swap3A_90] {strides = array<i32>} : memref<128xi32, #tpu.memory_space<vmem>>, vector<16xi32>,
    tpu.vector_store %arg7[%swap3A_90], %and3A_89 {strides = array<i32>} : memref<128xi32, #tpu.memory_space<vmem>>, vector<16xi32>,
    %shift_right_arithmetic3A_92 = arith.constant 14 : i32
    %shift_right_arithmetic3A_93 = vector.broadcast %shift_right_arithmetic3A_92 : i32 to vector<16xi32>
    %shift_right_arithmetic3A_94 = arith.shrsi %get3A_86, %shift_right_arithmetic3A_93 : vector<16xi32>
    %swap3A_95 = arith.constant 96 : index
    %swap3A_96 = tpu.vector_load %arg9[%swap3A_95] {strides = array<i32>} : memref<128xi32, #tpu.memory_space<vmem>>, vector<16xi32>,
    tpu.vector_store %arg9[%swap3A_95], %shift_right_arithmetic3A_94 {strides = array<i32>} : memref<128xi32, #tpu.memory_space<vmem>>, vector<16xi32>,
    %get3A_97 = arith.constant 0 : i32
    %get3A_98 = arith.index_cast %get3A_97 : i32 to index
    %get3A_99 = arith.constant 112 : index
    %get3A_100 = tpu.vector_load %arg6[%get3A_98, %get3A_99] {strides = array<i32>} : memref<80x128xi32, #tpu.memory_space<vmem>>, vector<16xi32>,
    %and3A_101 = arith.constant 16383 : i32
    %and3A_102 = vector.broadcast %and3A_101 : i32 to vector<16xi32>
    %and3A_103 = arith.andi %get3A_100, %and3A_102 : vector<16xi32>
    %swap3A_104 = arith.constant 112 : index
    %swap3A_105 = tpu.vector_load %arg7[%swap3A_104] {strides = array<i32>} : memref<128xi32, #tpu.memory_space<vmem>>, vector<16xi32>,
    tpu.vector_store %arg7[%swap3A_104], %and3A_103 {strides = array<i32>} : memref<128xi32, #tpu.memory_space<vmem>>, vector<16xi32>,
    %shift_right_arithmetic3A_106 = arith.constant 14 : i32
    %shift_right_arithmetic3A_107 = vector.broadcast %shift_right_arithmetic3A_106 : i32 to vector<16xi32>
    %shift_right_arithmetic3A_108 = arith.shrsi %get3A_100, %shift_right_arithmetic3A_107 : vector<16xi32>
    %swap3A_109 = arith.constant 112 : index
    %swap3A_110 = tpu.vector_load %arg9[%swap3A_109] {strides = array<i32>} : memref<128xi32, #tpu.memory_space<vmem>>, vector<16xi32>,
    tpu.vector_store %arg9[%swap3A_109], %shift_right_arithmetic3A_108 {strides = array<i32>} : memref<128xi32, #tpu.memory_space<vmem>>, vector<16xi32>,
    %dma_start3A = arith.constant 0 : i32
    %dma_start3A_111 = arith.constant 0 : i32
    %dma_start3A_112 = arith.constant 0 : i32
    %dma_start3A_113 = tpu.memref_slice %arg11[%dma_start3A, %dma_start3A_111, %dma_start3A_112] : memref<2x128x128xf32, #tpu.memory_space<vmem>> -> memref<1x128x128xf32, #tpu.memory_space<vmem>>
    %dma_start3A_114 = tpu.memref_squeeze %dma_start3A_113 : memref<1x128x128xf32, #tpu.memory_space<vmem>> -> memref<128x128xf32, #tpu.memory_space<vmem>>
    %dma_start3A_115 = arith.constant 0 : i32
    %dma_start3A_116 = arith.constant 0 : i32
    %dma_start3A_117 = tpu.memref_slice %arg2[%dma_start3A_115, %dma_start3A_116] : memref<10240x128xf32, #tpu.memory_space<hbm>> -> memref<10240x128xf32, #tpu.memory_space<hbm>>
    tpu.enqueue_indirect_dma source(%dma_start3A_117 : memref<10240x128xf32, #tpu.memory_space<hbm>>) target(%dma_start3A_114 : memref<128x128xf32, #tpu.memory_space<vmem>>) offsets(%arg7 : memref<128xi32, #tpu.memory_space<vmem>>) semaphore(%arg13 : memref<!tpu.dma_semaphore, #tpu.memory_space<semaphore_mem>>)
    %scan3A = arith.constant 0 : i32
    %scan3A_118 = arith.constant 0 : i32
    %scan3A_119 = arith.constant 40 : i32
    %scan3A_120 = arith.addi %scan3A_118, %scan3A_119 : i32
    %scan3A_121 = arith.constant 1 : i32
    scf.for %scan3A_124 = %scan3A_118 to %scan3A_120 step %scan3A_121  : i32 {
      %mul3A_125 = arith.constant 2 : i32
      %mul3A_126 = arith.muli %mul3A_125, %scan3A_124 : i32
      %mul3A_127 = arith.constant 2 : i32
      %mul3A_128 = arith.muli %mul3A_127, %scan3A_124 : i32
      %add3A_129 = arith.constant 1 : i32
      %add3A_130 = arith.addi %mul3A_128, %add3A_129 : i32
      %get3A_131 = arith.index_cast %add3A_130 : i32 to index
      %get3A_132 = arith.constant 0 : index
      %get3A_133 = tpu.vector_load %arg6[%get3A_131, %get3A_132] {strides = array<i32>} : memref<80x128xi32, #tpu.memory_space<vmem>>, vector<16xi32>,
      %and3A_134 = arith.constant 16383 : i32
      %and3A_135 = vector.broadcast %and3A_134 : i32 to vector<16xi32>
      %and3A_136 = arith.andi %get3A_133, %and3A_135 : vector<16xi32>
      %swap3A_137 = arith.constant 0 : index
      %swap3A_138 = tpu.vector_load %arg8[%swap3A_137] {strides = array<i32>} : memref<128xi32, #tpu.memory_space<vmem>>, vector<16xi32>,
      tpu.vector_store %arg8[%swap3A_137], %and3A_136 {strides = array<i32>} : memref<128xi32, #tpu.memory_space<vmem>>, vector<16xi32>,
      %shift_right_arithmetic3A_139 = arith.constant 14 : i32
      %shift_right_arithmetic3A_140 = vector.broadcast %shift_right_arithmetic3A_139 : i32 to vector<16xi32>
      %shift_right_arithmetic3A_141 = arith.shrsi %get3A_133, %shift_right_arithmetic3A_140 : vector<16xi32>
      %swap3A_142 = arith.constant 0 : index
      %swap3A_143 = tpu.vector_load %arg10[%swap3A_142] {strides = array<i32>} : memref<128xi32, #tpu.memory_space<vmem>>, vector<16xi32>,
      tpu.vector_store %arg10[%swap3A_142], %shift_right_arithmetic3A_141 {strides = array<i32>} : memref<128xi32, #tpu.memory_space<vmem>>, vector<16xi32>,
      %get3A_144 = arith.index_cast %add3A_130 : i32 to index
      %get3A_145 = arith.constant 16 : index
      %get3A_146 = tpu.vector_load %arg6[%get3A_144, %get3A_145] {strides = array<i32>} : memref<80x128xi32, #tpu.memory_space<vmem>>, vector<16xi32>,
      %and3A_147 = arith.constant 16383 : i32
      %and3A_148 = vector.broadcast %and3A_147 : i32 to vector<16xi32>
      %and3A_149 = arith.andi %get3A_146, %and3A_148 : vector<16xi32>
      %swap3A_150 = arith.constant 16 : index
      %swap3A_151 = tpu.vector_load %arg8[%swap3A_150] {strides = array<i32>} : memref<128xi32, #tpu.memory_space<vmem>>, vector<16xi32>,
      tpu.vector_store %arg8[%swap3A_150], %and3A_149 {strides = array<i32>} : memref<128xi32, #tpu.memory_space<vmem>>, vector<16xi32>,
      %shift_right_arithmetic3A_152 = arith.constant 14 : i32
      %shift_right_arithmetic3A_153 = vector.broadcast %shift_right_arithmetic3A_152 : i32 to vector<16xi32>
      %shift_right_arithmetic3A_154 = arith.shrsi %get3A_146, %shift_right_arithmetic3A_153 : vector<16xi32>
      %swap3A_155 = arith.constant 16 : index
      %swap3A_156 = tpu.vector_load %arg10[%swap3A_155] {strides = array<i32>} : memref<128xi32, #tpu.memory_space<vmem>>, vector<16xi32>,
      tpu.vector_store %arg10[%swap3A_155], %shift_right_arithmetic3A_154 {strides = array<i32>} : memref<128xi32, #tpu.memory_space<vmem>>, vector<16xi32>,
      %get3A_157 = arith.index_cast %add3A_130 : i32 to index
      %get3A_158 = arith.constant 32 : index
      %get3A_159 = tpu.vector_load %arg6[%get3A_157, %get3A_158] {strides = array<i32>} : memref<80x128xi32, #tpu.memory_space<vmem>>, vector<16xi32>,
      %and3A_160 = arith.constant 16383 : i32
      %and3A_161 = vector.broadcast %and3A_160 : i32 to vector<16xi32>
      %and3A_162 = arith.andi %get3A_159, %and3A_161 : vector<16xi32>
      %swap3A_163 = arith.constant 32 : index
      %swap3A_164 = tpu.vector_load %arg8[%swap3A_163] {strides = array<i32>} : memref<128xi32, #tpu.memory_space<vmem>>, vector<16xi32>,
      tpu.vector_store %arg8[%swap3A_163], %and3A_162 {strides = array<i32>} : memref<128xi32, #tpu.memory_space<vmem>>, vector<16xi32>,
      %shift_right_arithmetic3A_165 = arith.constant 14 : i32
      %shift_right_arithmetic3A_166 = vector.broadcast %shift_right_arithmetic3A_165 : i32 to vector<16xi32>
      %shift_right_arithmetic3A_167 = arith.shrsi %get3A_159, %shift_right_arithmetic3A_166 : vector<16xi32>
      %swap3A_168 = arith.constant 32 : index
      %swap3A_169 = tpu.vector_load %arg10[%swap3A_168] {strides = array<i32>} : memref<128xi32, #tpu.memory_space<vmem>>, vector<16xi32>,
      tpu.vector_store %arg10[%swap3A_168], %shift_right_arithmetic3A_167 {strides = array<i32>} : memref<128xi32, #tpu.memory_space<vmem>>, vector<16xi32>,
      %get3A_170 = arith.index_cast %add3A_130 : i32 to index
      %get3A_171 = arith.constant 48 : index
      %get3A_172 = tpu.vector_load %arg6[%get3A_170, %get3A_171] {strides = array<i32>} : memref<80x128xi32, #tpu.memory_space<vmem>>, vector<16xi32>,
      %and3A_173 = arith.constant 16383 : i32
      %and3A_174 = vector.broadcast %and3A_173 : i32 to vector<16xi32>
      %and3A_175 = arith.andi %get3A_172, %and3A_174 : vector<16xi32>
      %swap3A_176 = arith.constant 48 : index
      %swap3A_177 = tpu.vector_load %arg8[%swap3A_176] {strides = array<i32>} : memref<128xi32, #tpu.memory_space<vmem>>, vector<16xi32>,
      tpu.vector_store %arg8[%swap3A_176], %and3A_175 {strides = array<i32>} : memref<128xi32, #tpu.memory_space<vmem>>, vector<16xi32>,
      %shift_right_arithmetic3A_178 = arith.constant 14 : i32
      %shift_right_arithmetic3A_179 = vector.broadcast %shift_right_arithmetic3A_178 : i32 to vector<16xi32>
      %shift_right_arithmetic3A_180 = arith.shrsi %get3A_172, %shift_right_arithmetic3A_179 : vector<16xi32>
      %swap3A_181 = arith.constant 48 : index
      %swap3A_182 = tpu.vector_load %arg10[%swap3A_181] {strides = array<i32>} : memref<128xi32, #tpu.memory_space<vmem>>, vector<16xi32>,
      tpu.vector_store %arg10[%swap3A_181], %shift_right_arithmetic3A_180 {strides = array<i32>} : memref<128xi32, #tpu.memory_space<vmem>>, vector<16xi32>,
      %get3A_183 = arith.index_cast %add3A_130 : i32 to index
      %get3A_184 = arith.constant 64 : index
      %get3A_185 = tpu.vector_load %arg6[%get3A_183, %get3A_184] {strides = array<i32>} : memref<80x128xi32, #tpu.memory_space<vmem>>, vector<16xi32>,
      %and3A_186 = arith.constant 16383 : i32
      %and3A_187 = vector.broadcast %and3A_186 : i32 to vector<16xi32>
      %and3A_188 = arith.andi %get3A_185, %and3A_187 : vector<16xi32>
      %swap3A_189 = arith.constant 64 : index
      %swap3A_190 = tpu.vector_load %arg8[%swap3A_189] {strides = array<i32>} : memref<128xi32, #tpu.memory_space<vmem>>, vector<16xi32>,
      tpu.vector_store %arg8[%swap3A_189], %and3A_188 {strides = array<i32>} : memref<128xi32, #tpu.memory_space<vmem>>, vector<16xi32>,
      %shift_right_arithmetic3A_191 = arith.constant 14 : i32
      %shift_right_arithmetic3A_192 = vector.broadcast %shift_right_arithmetic3A_191 : i32 to vector<16xi32>
      %shift_right_arithmetic3A_193 = arith.shrsi %get3A_185, %shift_right_arithmetic3A_192 : vector<16xi32>
      %swap3A_194 = arith.constant 64 : index
      %swap3A_195 = tpu.vector_load %arg10[%swap3A_194] {strides = array<i32>} : memref<128xi32, #tpu.memory_space<vmem>>, vector<16xi32>,
      tpu.vector_store %arg10[%swap3A_194], %shift_right_arithmetic3A_193 {strides = array<i32>} : memref<128xi32, #tpu.memory_space<vmem>>, vector<16xi32>,
      %get3A_196 = arith.index_cast %add3A_130 : i32 to index
      %get3A_197 = arith.constant 80 : index
      %get3A_198 = tpu.vector_load %arg6[%get3A_196, %get3A_197] {strides = array<i32>} : memref<80x128xi32, #tpu.memory_space<vmem>>, vector<16xi32>,
      %and3A_199 = arith.constant 16383 : i32
      %and3A_200 = vector.broadcast %and3A_199 : i32 to vector<16xi32>
      %and3A_201 = arith.andi %get3A_198, %and3A_200 : vector<16xi32>
      %swap3A_202 = arith.constant 80 : index
      %swap3A_203 = tpu.vector_load %arg8[%swap3A_202] {strides = array<i32>} : memref<128xi32, #tpu.memory_space<vmem>>, vector<16xi32>,
      tpu.vector_store %arg8[%swap3A_202], %and3A_201 {strides = array<i32>} : memref<128xi32, #tpu.memory_space<vmem>>, vector<16xi32>,
      %shift_right_arithmetic3A_204 = arith.constant 14 : i32
      %shift_right_arithmetic3A_205 = vector.broadcast %shift_right_arithmetic3A_204 : i32 to vector<16xi32>
      %shift_right_arithmetic3A_206 = arith.shrsi %get3A_198, %shift_right_arithmetic3A_205 : vector<16xi32>
      %swap3A_207 = arith.constant 80 : index
      %swap3A_208 = tpu.vector_load %arg10[%swap3A_207] {strides = array<i32>} : memref<128xi32, #tpu.memory_space<vmem>>, vector<16xi32>,
      tpu.vector_store %arg10[%swap3A_207], %shift_right_arithmetic3A_206 {strides = array<i32>} : memref<128xi32, #tpu.memory_space<vmem>>, vector<16xi32>,
      %get3A_209 = arith.index_cast %add3A_130 : i32 to index
      %get3A_210 = arith.constant 96 : index
      %get3A_211 = tpu.vector_load %arg6[%get3A_209, %get3A_210] {strides = array<i32>} : memref<80x128xi32, #tpu.memory_space<vmem>>, vector<16xi32>,
      %and3A_212 = arith.constant 16383 : i32
      %and3A_213 = vector.broadcast %and3A_212 : i32 to vector<16xi32>
      %and3A_214 = arith.andi %get3A_211, %and3A_213 : vector<16xi32>
      %swap3A_215 = arith.constant 96 : index
      %swap3A_216 = tpu.vector_load %arg8[%swap3A_215] {strides = array<i32>} : memref<128xi32, #tpu.memory_space<vmem>>, vector<16xi32>,
      tpu.vector_store %arg8[%swap3A_215], %and3A_214 {strides = array<i32>} : memref<128xi32, #tpu.memory_space<vmem>>, vector<16xi32>,
      %shift_right_arithmetic3A_217 = arith.constant 14 : i32
      %shift_right_arithmetic3A_218 = vector.broadcast %shift_right_arithmetic3A_217 : i32 to vector<16xi32>
      %shift_right_arithmetic3A_219 = arith.shrsi %get3A_211, %shift_right_arithmetic3A_218 : vector<16xi32>
      %swap3A_220 = arith.constant 96 : index
      %swap3A_221 = tpu.vector_load %arg10[%swap3A_220] {strides = array<i32>} : memref<128xi32, #tpu.memory_space<vmem>>, vector<16xi32>,
      tpu.vector_store %arg10[%swap3A_220], %shift_right_arithmetic3A_219 {strides = array<i32>} : memref<128xi32, #tpu.memory_space<vmem>>, vector<16xi32>,
      %get3A_222 = arith.index_cast %add3A_130 : i32 to index
      %get3A_223 = arith.constant 112 : index
      %get3A_224 = tpu.vector_load %arg6[%get3A_222, %get3A_223] {strides = array<i32>} : memref<80x128xi32, #tpu.memory_space<vmem>>, vector<16xi32>,
      %and3A_225 = arith.constant 16383 : i32
      %and3A_226 = vector.broadcast %and3A_225 : i32 to vector<16xi32>
      %and3A_227 = arith.andi %get3A_224, %and3A_226 : vector<16xi32>
      %swap3A_228 = arith.constant 112 : index
      %swap3A_229 = tpu.vector_load %arg8[%swap3A_228] {strides = array<i32>} : memref<128xi32, #tpu.memory_space<vmem>>, vector<16xi32>,
      tpu.vector_store %arg8[%swap3A_228], %and3A_227 {strides = array<i32>} : memref<128xi32, #tpu.memory_space<vmem>>, vector<16xi32>,
      %shift_right_arithmetic3A_230 = arith.constant 14 : i32
      %shift_right_arithmetic3A_231 = vector.broadcast %shift_right_arithmetic3A_230 : i32 to vector<16xi32>
      %shift_right_arithmetic3A_232 = arith.shrsi %get3A_224, %shift_right_arithmetic3A_231 : vector<16xi32>
      %swap3A_233 = arith.constant 112 : index
      %swap3A_234 = tpu.vector_load %arg10[%swap3A_233] {strides = array<i32>} : memref<128xi32, #tpu.memory_space<vmem>>, vector<16xi32>,
      tpu.vector_store %arg10[%swap3A_233], %shift_right_arithmetic3A_232 {strides = array<i32>} : memref<128xi32, #tpu.memory_space<vmem>>, vector<16xi32>,
      %dma_start3A_235 = arith.constant 1 : i32
      %dma_start3A_236 = arith.constant 0 : i32
      %dma_start3A_237 = arith.constant 0 : i32
      %dma_start3A_238 = tpu.memref_slice %arg11[%dma_start3A_235, %dma_start3A_236, %dma_start3A_237] : memref<2x128x128xf32, #tpu.memory_space<vmem>> -> memref<1x128x128xf32, #tpu.memory_space<vmem>>
      %dma_start3A_239 = tpu.memref_squeeze %dma_start3A_238 : memref<1x128x128xf32, #tpu.memory_space<vmem>> -> memref<128x128xf32, #tpu.memory_space<vmem>>
      %dma_start3A_240 = arith.constant 0 : i32
      %dma_start3A_241 = arith.constant 0 : i32
      %dma_start3A_242 = tpu.memref_slice %arg2[%dma_start3A_240, %dma_start3A_241] : memref<10240x128xf32, #tpu.memory_space<hbm>> -> memref<10240x128xf32, #tpu.memory_space<hbm>>
      tpu.enqueue_indirect_dma source(%dma_start3A_242 : memref<10240x128xf32, #tpu.memory_space<hbm>>) target(%dma_start3A_239 : memref<128x128xf32, #tpu.memory_space<vmem>>) offsets(%arg8 : memref<128xi32, #tpu.memory_space<vmem>>) semaphore(%arg14 : memref<!tpu.dma_semaphore, #tpu.memory_space<semaphore_mem>>)
      %dma_wait3A = arith.constant 0 : i32
      %dma_wait3A_243 = arith.constant 0 : i32
      %dma_wait3A_244 = arith.constant 0 : i32
      %dma_wait3A_245 = tpu.memref_slice %arg11[%dma_wait3A, %dma_wait3A_243, %dma_wait3A_244] : memref<2x128x128xf32, #tpu.memory_space<vmem>> -> memref<1x128x128xf32, #tpu.memory_space<vmem>>
      %dma_wait3A_246 = tpu.memref_squeeze %dma_wait3A_245 : memref<1x128x128xf32, #tpu.memory_space<vmem>> -> memref<128x128xf32, #tpu.memory_space<vmem>>
      %dma_wait3A_247 = arith.constant 0 : i32
      %dma_wait3A_248 = arith.constant 0 : i32
      %dma_wait3A_249 = tpu.memref_slice %arg2[%dma_wait3A_247, %dma_wait3A_248] : memref<10240x128xf32, #tpu.memory_space<hbm>> -> memref<10240x128xf32, #tpu.memory_space<hbm>>
      tpu.wait_indirect_dma semaphore(%arg13 : memref<!tpu.dma_semaphore, #tpu.memory_space<semaphore_mem>>) src(%dma_wait3A_249 : memref<10240x128xf32, #tpu.memory_space<hbm>>) dst(%dma_wait3A_246 : memref<128x128xf32, #tpu.memory_space<vmem>>)
      %run_scoped3A = arith.constant 0 : i32
      "tpu.region"() ({
        %run_scoped3A_263 = tpu.sem_alloc : memref<!tpu.dma_semaphore, #tpu.memory_space<semaphore_mem>>
        %dma_start3A_264 = arith.constant 0 : i32
        %dma_start3A_265 = arith.constant 0 : i32
        %dma_start3A_266 = tpu.memref_slice %arg11[%run_scoped3A, %dma_start3A_264, %dma_start3A_265] : memref<2x128x128xf32, #tpu.memory_space<vmem>> -> memref<1x128x128xf32, #tpu.memory_space<vmem>>
        %dma_start3A_267 = tpu.memref_squeeze %dma_start3A_266 : memref<1x128x128xf32, #tpu.memory_space<vmem>> -> memref<128x128xf32, #tpu.memory_space<vmem>>
        %dma_start3A_268 = arith.constant 0 : i32
        %dma_start3A_269 = arith.constant 0 : i32
        %dma_start3A_270 = tpu.memref_slice %arg12[%dma_start3A_268, %dma_start3A_269] : memref<10240x128xf32, #tpu.memory_space<vmem_shared>> -> memref<10240x128xf32, #tpu.memory_space<vmem_shared>>
        tpu.enqueue_indirect_dma source(%dma_start3A_267 : memref<128x128xf32, #tpu.memory_space<vmem>>) target(%dma_start3A_270 : memref<10240x128xf32, #tpu.memory_space<vmem_shared>>) offsets(%arg9 : memref<128xi32, #tpu.memory_space<vmem>>) semaphore(%run_scoped3A_263 : memref<!tpu.dma_semaphore, #tpu.memory_space<semaphore_mem>>) {add = true}
        %dma_wait3A_271 = arith.constant 0 : i32
        %dma_wait3A_272 = arith.constant 0 : i32
        %dma_wait3A_273 = tpu.memref_slice %arg11[%run_scoped3A, %dma_wait3A_271, %dma_wait3A_272] : memref<2x128x128xf32, #tpu.memory_space<vmem>> -> memref<1x128x128xf32, #tpu.memory_space<vmem>>
        %dma_wait3A_274 = tpu.memref_squeeze %dma_wait3A_273 : memref<1x128x128xf32, #tpu.memory_space<vmem>> -> memref<128x128xf32, #tpu.memory_space<vmem>>
        %dma_wait3A_275 = arith.constant 0 : i32
        %dma_wait3A_276 = arith.constant 0 : i32
        %dma_wait3A_277 = tpu.memref_slice %arg12[%dma_wait3A_275, %dma_wait3A_276] : memref<10240x128xf32, #tpu.memory_space<vmem_shared>> -> memref<10240x128xf32, #tpu.memory_space<vmem_shared>>
        tpu.wait_indirect_dma semaphore(%run_scoped3A_263 : memref<!tpu.dma_semaphore, #tpu.memory_space<semaphore_mem>>) src(%dma_wait3A_274 : memref<128x128xf32, #tpu.memory_space<vmem>>) dst(%dma_wait3A_277 : memref<10240x128xf32, #tpu.memory_space<vmem_shared>>)
        tpu.yield
      }) : () -> ()
      %add3A_250 = arith.constant 1 : i32
      %add3A_251 = arith.addi %add3A_130, %add3A_250 : i32
      %lt3A = arith.constant 80 : i32
      %lt3A_252 = arith.cmpi slt, %add3A_251, %lt3A : i32
      %convert_element_type3A = arith.extui %lt3A_252 : i1 to i32
      %cond3A = arith.constant 0 : i32
      %cond3A_253 = arith.cmpi ne, %convert_element_type3A, %cond3A : i32
      scf.if %cond3A_253 {
        %add3A_263 = arith.constant 1 : i32
        %add3A_264 = arith.addi %add3A_130, %add3A_263 : i32
        %get3A_265 = arith.index_cast %add3A_264 : i32 to index
        %get3A_266 = arith.constant 0 : index
        %get3A_267 = tpu.vector_load %arg6[%get3A_265, %get3A_266] {strides = array<i32>} : memref<80x128xi32, #tpu.memory_space<vmem>>, vector<16xi32>,
        %and3A_268 = arith.constant 16383 : i32
        %and3A_269 = vector.broadcast %and3A_268 : i32 to vector<16xi32>
        %and3A_270 = arith.andi %get3A_267, %and3A_269 : vector<16xi32>
        %swap3A_271 = arith.constant 0 : index
        %swap3A_272 = tpu.vector_load %arg7[%swap3A_271] {strides = array<i32>} : memref<128xi32, #tpu.memory_space<vmem>>, vector<16xi32>,
        tpu.vector_store %arg7[%swap3A_271], %and3A_270 {strides = array<i32>} : memref<128xi32, #tpu.memory_space<vmem>>, vector<16xi32>,
        %shift_right_arithmetic3A_273 = arith.constant 14 : i32
        %shift_right_arithmetic3A_274 = vector.broadcast %shift_right_arithmetic3A_273 : i32 to vector<16xi32>
        %shift_right_arithmetic3A_275 = arith.shrsi %get3A_267, %shift_right_arithmetic3A_274 : vector<16xi32>
        %swap3A_276 = arith.constant 0 : index
        %swap3A_277 = tpu.vector_load %arg9[%swap3A_276] {strides = array<i32>} : memref<128xi32, #tpu.memory_space<vmem>>, vector<16xi32>,
        tpu.vector_store %arg9[%swap3A_276], %shift_right_arithmetic3A_275 {strides = array<i32>} : memref<128xi32, #tpu.memory_space<vmem>>, vector<16xi32>,
        %get3A_278 = arith.index_cast %add3A_264 : i32 to index
        %get3A_279 = arith.constant 16 : index
        %get3A_280 = tpu.vector_load %arg6[%get3A_278, %get3A_279] {strides = array<i32>} : memref<80x128xi32, #tpu.memory_space<vmem>>, vector<16xi32>,
        %and3A_281 = arith.constant 16383 : i32
        %and3A_282 = vector.broadcast %and3A_281 : i32 to vector<16xi32>
        %and3A_283 = arith.andi %get3A_280, %and3A_282 : vector<16xi32>
        %swap3A_284 = arith.constant 16 : index
        %swap3A_285 = tpu.vector_load %arg7[%swap3A_284] {strides = array<i32>} : memref<128xi32, #tpu.memory_space<vmem>>, vector<16xi32>,
        tpu.vector_store %arg7[%swap3A_284], %and3A_283 {strides = array<i32>} : memref<128xi32, #tpu.memory_space<vmem>>, vector<16xi32>,
        %shift_right_arithmetic3A_286 = arith.constant 14 : i32
        %shift_right_arithmetic3A_287 = vector.broadcast %shift_right_arithmetic3A_286 : i32 to vector<16xi32>
        %shift_right_arithmetic3A_288 = arith.shrsi %get3A_280, %shift_right_arithmetic3A_287 : vector<16xi32>
        %swap3A_289 = arith.constant 16 : index
        %swap3A_290 = tpu.vector_load %arg9[%swap3A_289] {strides = array<i32>} : memref<128xi32, #tpu.memory_space<vmem>>, vector<16xi32>,
        tpu.vector_store %arg9[%swap3A_289], %shift_right_arithmetic3A_288 {strides = array<i32>} : memref<128xi32, #tpu.memory_space<vmem>>, vector<16xi32>,
        %get3A_291 = arith.index_cast %add3A_264 : i32 to index
        %get3A_292 = arith.constant 32 : index
        %get3A_293 = tpu.vector_load %arg6[%get3A_291, %get3A_292] {strides = array<i32>} : memref<80x128xi32, #tpu.memory_space<vmem>>, vector<16xi32>,
        %and3A_294 = arith.constant 16383 : i32
        %and3A_295 = vector.broadcast %and3A_294 : i32 to vector<16xi32>
        %and3A_296 = arith.andi %get3A_293, %and3A_295 : vector<16xi32>
        %swap3A_297 = arith.constant 32 : index
        %swap3A_298 = tpu.vector_load %arg7[%swap3A_297] {strides = array<i32>} : memref<128xi32, #tpu.memory_space<vmem>>, vector<16xi32>,
        tpu.vector_store %arg7[%swap3A_297], %and3A_296 {strides = array<i32>} : memref<128xi32, #tpu.memory_space<vmem>>, vector<16xi32>,
        %shift_right_arithmetic3A_299 = arith.constant 14 : i32
        %shift_right_arithmetic3A_300 = vector.broadcast %shift_right_arithmetic3A_299 : i32 to vector<16xi32>
        %shift_right_arithmetic3A_301 = arith.shrsi %get3A_293, %shift_right_arithmetic3A_300 : vector<16xi32>
        %swap3A_302 = arith.constant 32 : index
        %swap3A_303 = tpu.vector_load %arg9[%swap3A_302] {strides = array<i32>} : memref<128xi32, #tpu.memory_space<vmem>>, vector<16xi32>,
        tpu.vector_store %arg9[%swap3A_302], %shift_right_arithmetic3A_301 {strides = array<i32>} : memref<128xi32, #tpu.memory_space<vmem>>, vector<16xi32>,
        %get3A_304 = arith.index_cast %add3A_264 : i32 to index
        %get3A_305 = arith.constant 48 : index
        %get3A_306 = tpu.vector_load %arg6[%get3A_304, %get3A_305] {strides = array<i32>} : memref<80x128xi32, #tpu.memory_space<vmem>>, vector<16xi32>,
        %and3A_307 = arith.constant 16383 : i32
        %and3A_308 = vector.broadcast %and3A_307 : i32 to vector<16xi32>
        %and3A_309 = arith.andi %get3A_306, %and3A_308 : vector<16xi32>
        %swap3A_310 = arith.constant 48 : index
        %swap3A_311 = tpu.vector_load %arg7[%swap3A_310] {strides = array<i32>} : memref<128xi32, #tpu.memory_space<vmem>>, vector<16xi32>,
        tpu.vector_store %arg7[%swap3A_310], %and3A_309 {strides = array<i32>} : memref<128xi32, #tpu.memory_space<vmem>>, vector<16xi32>,
        %shift_right_arithmetic3A_312 = arith.constant 14 : i32
        %shift_right_arithmetic3A_313 = vector.broadcast %shift_right_arithmetic3A_312 : i32 to vector<16xi32>
        %shift_right_arithmetic3A_314 = arith.shrsi %get3A_306, %shift_right_arithmetic3A_313 : vector<16xi32>
        %swap3A_315 = arith.constant 48 : index
        %swap3A_316 = tpu.vector_load %arg9[%swap3A_315] {strides = array<i32>} : memref<128xi32, #tpu.memory_space<vmem>>, vector<16xi32>,
        tpu.vector_store %arg9[%swap3A_315], %shift_right_arithmetic3A_314 {strides = array<i32>} : memref<128xi32, #tpu.memory_space<vmem>>, vector<16xi32>,
        %get3A_317 = arith.index_cast %add3A_264 : i32 to index
        %get3A_318 = arith.constant 64 : index
        %get3A_319 = tpu.vector_load %arg6[%get3A_317, %get3A_318] {strides = array<i32>} : memref<80x128xi32, #tpu.memory_space<vmem>>, vector<16xi32>,
        %and3A_320 = arith.constant 16383 : i32
        %and3A_321 = vector.broadcast %and3A_320 : i32 to vector<16xi32>
        %and3A_322 = arith.andi %get3A_319, %and3A_321 : vector<16xi32>
        %swap3A_323 = arith.constant 64 : index
        %swap3A_324 = tpu.vector_load %arg7[%swap3A_323] {strides = array<i32>} : memref<128xi32, #tpu.memory_space<vmem>>, vector<16xi32>,
        tpu.vector_store %arg7[%swap3A_323], %and3A_322 {strides = array<i32>} : memref<128xi32, #tpu.memory_space<vmem>>, vector<16xi32>,
        %shift_right_arithmetic3A_325 = arith.constant 14 : i32
        %shift_right_arithmetic3A_326 = vector.broadcast %shift_right_arithmetic3A_325 : i32 to vector<16xi32>
        %shift_right_arithmetic3A_327 = arith.shrsi %get3A_319, %shift_right_arithmetic3A_326 : vector<16xi32>
        %swap3A_328 = arith.constant 64 : index
        %swap3A_329 = tpu.vector_load %arg9[%swap3A_328] {strides = array<i32>} : memref<128xi32, #tpu.memory_space<vmem>>, vector<16xi32>,
        tpu.vector_store %arg9[%swap3A_328], %shift_right_arithmetic3A_327 {strides = array<i32>} : memref<128xi32, #tpu.memory_space<vmem>>, vector<16xi32>,
        %get3A_330 = arith.index_cast %add3A_264 : i32 to index
        %get3A_331 = arith.constant 80 : index
        %get3A_332 = tpu.vector_load %arg6[%get3A_330, %get3A_331] {strides = array<i32>} : memref<80x128xi32, #tpu.memory_space<vmem>>, vector<16xi32>,
        %and3A_333 = arith.constant 16383 : i32
        %and3A_334 = vector.broadcast %and3A_333 : i32 to vector<16xi32>
        %and3A_335 = arith.andi %get3A_332, %and3A_334 : vector<16xi32>
        %swap3A_336 = arith.constant 80 : index
        %swap3A_337 = tpu.vector_load %arg7[%swap3A_336] {strides = array<i32>} : memref<128xi32, #tpu.memory_space<vmem>>, vector<16xi32>,
        tpu.vector_store %arg7[%swap3A_336], %and3A_335 {strides = array<i32>} : memref<128xi32, #tpu.memory_space<vmem>>, vector<16xi32>,
        %shift_right_arithmetic3A_338 = arith.constant 14 : i32
        %shift_right_arithmetic3A_339 = vector.broadcast %shift_right_arithmetic3A_338 : i32 to vector<16xi32>
        %shift_right_arithmetic3A_340 = arith.shrsi %get3A_332, %shift_right_arithmetic3A_339 : vector<16xi32>
        %swap3A_341 = arith.constant 80 : index
        %swap3A_342 = tpu.vector_load %arg9[%swap3A_341] {strides = array<i32>} : memref<128xi32, #tpu.memory_space<vmem>>, vector<16xi32>,
        tpu.vector_store %arg9[%swap3A_341], %shift_right_arithmetic3A_340 {strides = array<i32>} : memref<128xi32, #tpu.memory_space<vmem>>, vector<16xi32>,
        %get3A_343 = arith.index_cast %add3A_264 : i32 to index
        %get3A_344 = arith.constant 96 : index
        %get3A_345 = tpu.vector_load %arg6[%get3A_343, %get3A_344] {strides = array<i32>} : memref<80x128xi32, #tpu.memory_space<vmem>>, vector<16xi32>,
        %and3A_346 = arith.constant 16383 : i32
        %and3A_347 = vector.broadcast %and3A_346 : i32 to vector<16xi32>
        %and3A_348 = arith.andi %get3A_345, %and3A_347 : vector<16xi32>
        %swap3A_349 = arith.constant 96 : index
        %swap3A_350 = tpu.vector_load %arg7[%swap3A_349] {strides = array<i32>} : memref<128xi32, #tpu.memory_space<vmem>>, vector<16xi32>,
        tpu.vector_store %arg7[%swap3A_349], %and3A_348 {strides = array<i32>} : memref<128xi32, #tpu.memory_space<vmem>>, vector<16xi32>,
        %shift_right_arithmetic3A_351 = arith.constant 14 : i32
        %shift_right_arithmetic3A_352 = vector.broadcast %shift_right_arithmetic3A_351 : i32 to vector<16xi32>
        %shift_right_arithmetic3A_353 = arith.shrsi %get3A_345, %shift_right_arithmetic3A_352 : vector<16xi32>
        %swap3A_354 = arith.constant 96 : index
        %swap3A_355 = tpu.vector_load %arg9[%swap3A_354] {strides = array<i32>} : memref<128xi32, #tpu.memory_space<vmem>>, vector<16xi32>,
        tpu.vector_store %arg9[%swap3A_354], %shift_right_arithmetic3A_353 {strides = array<i32>} : memref<128xi32, #tpu.memory_space<vmem>>, vector<16xi32>,
        %get3A_356 = arith.index_cast %add3A_264 : i32 to index
        %get3A_357 = arith.constant 112 : index
        %get3A_358 = tpu.vector_load %arg6[%get3A_356, %get3A_357] {strides = array<i32>} : memref<80x128xi32, #tpu.memory_space<vmem>>, vector<16xi32>,
        %and3A_359 = arith.constant 16383 : i32
        %and3A_360 = vector.broadcast %and3A_359 : i32 to vector<16xi32>
        %and3A_361 = arith.andi %get3A_358, %and3A_360 : vector<16xi32>
        %swap3A_362 = arith.constant 112 : index
        %swap3A_363 = tpu.vector_load %arg7[%swap3A_362] {strides = array<i32>} : memref<128xi32, #tpu.memory_space<vmem>>, vector<16xi32>,
        tpu.vector_store %arg7[%swap3A_362], %and3A_361 {strides = array<i32>} : memref<128xi32, #tpu.memory_space<vmem>>, vector<16xi32>,
        %shift_right_arithmetic3A_364 = arith.constant 14 : i32
        %shift_right_arithmetic3A_365 = vector.broadcast %shift_right_arithmetic3A_364 : i32 to vector<16xi32>
        %shift_right_arithmetic3A_366 = arith.shrsi %get3A_358, %shift_right_arithmetic3A_365 : vector<16xi32>
        %swap3A_367 = arith.constant 112 : index
        %swap3A_368 = tpu.vector_load %arg9[%swap3A_367] {strides = array<i32>} : memref<128xi32, #tpu.memory_space<vmem>>, vector<16xi32>,
        tpu.vector_store %arg9[%swap3A_367], %shift_right_arithmetic3A_366 {strides = array<i32>} : memref<128xi32, #tpu.memory_space<vmem>>, vector<16xi32>,
        %dma_start3A_369 = arith.constant 0 : i32
        %dma_start3A_370 = arith.constant 0 : i32
        %dma_start3A_371 = arith.constant 0 : i32
        %dma_start3A_372 = tpu.memref_slice %arg11[%dma_start3A_369, %dma_start3A_370, %dma_start3A_371] : memref<2x128x128xf32, #tpu.memory_space<vmem>> -> memref<1x128x128xf32, #tpu.memory_space<vmem>>
        %dma_start3A_373 = tpu.memref_squeeze %dma_start3A_372 : memref<1x128x128xf32, #tpu.memory_space<vmem>> -> memref<128x128xf32, #tpu.memory_space<vmem>>
        %dma_start3A_374 = arith.constant 0 : i32
        %dma_start3A_375 = arith.constant 0 : i32
        %dma_start3A_376 = tpu.memref_slice %arg2[%dma_start3A_374, %dma_start3A_375] : memref<10240x128xf32, #tpu.memory_space<hbm>> -> memref<10240x128xf32, #tpu.memory_space<hbm>>
        tpu.enqueue_indirect_dma source(%dma_start3A_376 : memref<10240x128xf32, #tpu.memory_space<hbm>>) target(%dma_start3A_373 : memref<128x128xf32, #tpu.memory_space<vmem>>) offsets(%arg7 : memref<128xi32, #tpu.memory_space<vmem>>) semaphore(%arg13 : memref<!tpu.dma_semaphore, #tpu.memory_space<semaphore_mem>>)
      } else {
      }
      %dma_wait3A_254 = arith.constant 1 : i32
      %dma_wait3A_255 = arith.constant 0 : i32
      %dma_wait3A_256 = arith.constant 0 : i32
      %dma_wait3A_257 = tpu.memref_slice %arg11[%dma_wait3A_254, %dma_wait3A_255, %dma_wait3A_256] : memref<2x128x128xf32, #tpu.memory_space<vmem>> -> memref<1x128x128xf32, #tpu.memory_space<vmem>>
      %dma_wait3A_258 = tpu.memref_squeeze %dma_wait3A_257 : memref<1x128x128xf32, #tpu.memory_space<vmem>> -> memref<128x128xf32, #tpu.memory_space<vmem>>
      %dma_wait3A_259 = arith.constant 0 : i32
      %dma_wait3A_260 = arith.constant 0 : i32
      %dma_wait3A_261 = tpu.memref_slice %arg2[%dma_wait3A_259, %dma_wait3A_260] : memref<10240x128xf32, #tpu.memory_space<hbm>> -> memref<10240x128xf32, #tpu.memory_space<hbm>>
      tpu.wait_indirect_dma semaphore(%arg14 : memref<!tpu.dma_semaphore, #tpu.memory_space<semaphore_mem>>) src(%dma_wait3A_261 : memref<10240x128xf32, #tpu.memory_space<hbm>>) dst(%dma_wait3A_258 : memref<128x128xf32, #tpu.memory_space<vmem>>)
      %run_scoped3A_262 = arith.constant 1 : i32
      "tpu.region"() ({
        %run_scoped3A_263 = tpu.sem_alloc : memref<!tpu.dma_semaphore, #tpu.memory_space<semaphore_mem>>
        %dma_start3A_264 = arith.constant 0 : i32
        %dma_start3A_265 = arith.constant 0 : i32
        %dma_start3A_266 = tpu.memref_slice %arg11[%run_scoped3A_262, %dma_start3A_264, %dma_start3A_265] : memref<2x128x128xf32, #tpu.memory_space<vmem>> -> memref<1x128x128xf32, #tpu.memory_space<vmem>>
        %dma_start3A_267 = tpu.memref_squeeze %dma_start3A_266 : memref<1x128x128xf32, #tpu.memory_space<vmem>> -> memref<128x128xf32, #tpu.memory_space<vmem>>
        %dma_start3A_268 = arith.constant 0 : i32
        %dma_start3A_269 = arith.constant 0 : i32
        %dma_start3A_270 = tpu.memref_slice %arg12[%dma_start3A_268, %dma_start3A_269] : memref<10240x128xf32, #tpu.memory_space<vmem_shared>> -> memref<10240x128xf32, #tpu.memory_space<vmem_shared>>
        tpu.enqueue_indirect_dma source(%dma_start3A_267 : memref<128x128xf32, #tpu.memory_space<vmem>>) target(%dma_start3A_270 : memref<10240x128xf32, #tpu.memory_space<vmem_shared>>) offsets(%arg10 : memref<128xi32, #tpu.memory_space<vmem>>) semaphore(%run_scoped3A_263 : memref<!tpu.dma_semaphore, #tpu.memory_space<semaphore_mem>>) {add = true}
        %dma_wait3A_271 = arith.constant 0 : i32
        %dma_wait3A_272 = arith.constant 0 : i32
        %dma_wait3A_273 = tpu.memref_slice %arg11[%run_scoped3A_262, %dma_wait3A_271, %dma_wait3A_272] : memref<2x128x128xf32, #tpu.memory_space<vmem>> -> memref<1x128x128xf32, #tpu.memory_space<vmem>>
        %dma_wait3A_274 = tpu.memref_squeeze %dma_wait3A_273 : memref<1x128x128xf32, #tpu.memory_space<vmem>> -> memref<128x128xf32, #tpu.memory_space<vmem>>
        %dma_wait3A_275 = arith.constant 0 : i32
        %dma_wait3A_276 = arith.constant 0 : i32
        %dma_wait3A_277 = tpu.memref_slice %arg12[%dma_wait3A_275, %dma_wait3A_276] : memref<10240x128xf32, #tpu.memory_space<vmem_shared>> -> memref<10240x128xf32, #tpu.memory_space<vmem_shared>>
        tpu.wait_indirect_dma semaphore(%run_scoped3A_263 : memref<!tpu.dma_semaphore, #tpu.memory_space<semaphore_mem>>) src(%dma_wait3A_274 : memref<128x128xf32, #tpu.memory_space<vmem>>) dst(%dma_wait3A_277 : memref<10240x128xf32, #tpu.memory_space<vmem_shared>>)
        tpu.yield
      }) : () -> ()
    }
    %scan3A_122 = arith.constant 40 : i32
    %barrier3A_123 = arith.constant 0 : index
    tpu.barrier barrier_id(%barrier3A_123)
    "tpu.region"() ({
      %run_scoped3A = tpu.sem_alloc : memref<!tpu.dma_semaphore, #tpu.memory_space<semaphore_mem>>
      %dma_start3A_124 = arith.constant 0 : i32
      %dma_start3A_125 = tpu.memref_slice %arg5[%arg0, %mul3A_2, %dma_start3A_124] : memref<2x10240x128xf32, #tpu.memory_space<hbm>> -> memref<1x640x128xf32, #tpu.memory_space<hbm>>
      %dma_start3A_126 = tpu.memref_squeeze %dma_start3A_125 : memref<1x640x128xf32, #tpu.memory_space<hbm>> -> memref<640x128xf32, #tpu.memory_space<hbm>>
      %dma_start3A_127 = arith.constant 0 : i32
      %dma_start3A_128 = tpu.memref_slice %arg12[%mul3A_2, %dma_start3A_127] : memref<10240x128xf32, #tpu.memory_space<vmem_shared>> -> memref<640x128xf32, #tpu.memory_space<vmem_shared>>
      tpu.enqueue_dma source(%dma_start3A_128 : memref<640x128xf32, #tpu.memory_space<vmem_shared>>) target(%dma_start3A_126 : memref<640x128xf32, #tpu.memory_space<hbm>>) target_semaphore(%run_scoped3A : memref<!tpu.dma_semaphore, #tpu.memory_space<semaphore_mem>>)
      %dma_wait3A = arith.constant 0 : i32
      %dma_wait3A_129 = tpu.memref_slice %arg5[%arg0, %mul3A_2, %dma_wait3A] : memref<2x10240x128xf32, #tpu.memory_space<hbm>> -> memref<1x640x128xf32, #tpu.memory_space<hbm>>
      %dma_wait3A_130 = tpu.memref_squeeze %dma_wait3A_129 : memref<1x640x128xf32, #tpu.memory_space<hbm>> -> memref<640x128xf32, #tpu.memory_space<hbm>>
      %dma_wait3A_131 = arith.constant 0 : i32
      %dma_wait3A_132 = tpu.memref_slice %arg12[%mul3A_2, %dma_wait3A_131] : memref<10240x128xf32, #tpu.memory_space<vmem_shared>> -> memref<640x128xf32, #tpu.memory_space<vmem_shared>>
      tpu.wait_dma2 semaphore(%run_scoped3A : memref<!tpu.dma_semaphore, #tpu.memory_space<semaphore_mem>>) src(%dma_wait3A_132 : memref<640x128xf32, #tpu.memory_space<vmem_shared>>) dst(%dma_wait3A_130 : memref<640x128xf32, #tpu.memory_space<hbm>>)
      tpu.yield
    }) : () -> ()
    return
  }
}

module attributes {stable_mosaic.version = 14 : i64} {
  func.func @_mm1_body(%arg0: i32, %arg1: memref<1000x128xf32, #tpu.memory_space<vmem>>, %arg2: memref<128x128xf32, #tpu.memory_space<vmem>>, %arg3: memref<1000x128xf32, #tpu.memory_space<vmem>>) attributes {dimension_semantics = [#tpu.dimension_semantics<arbitrary>], iteration_bounds = array<i64: 10>, scalar_prefetch = 0 : i64, scratch_operands = 0 : i64, tpu.core_type = #tpu.core_type<tc>, window_params = [{transform_indices = @transform_0, window_bounds = array<i64: 1000, 128>}, {pipeline_mode = #tpu.pipeline_mode<synchronous>, transform_indices = @transform_1, window_bounds = array<i64: 128, 128>}, {transform_indices = @transform_2, window_bounds = array<i64: 1000, 128>}]} {
    %get3A = arith.constant 0 : index
    %get3A_0 = arith.constant 0 : index
    %get3A_1 = vector.load %arg1[%get3A, %get3A_0] : memref<1000x128xf32, #tpu.memory_space<vmem>>, vector<1000x128xf32>
    %get3A_2 = arith.constant 0 : index
    %get3A_3 = arith.constant 0 : index
    %get3A_4 = vector.load %arg2[%get3A_2, %get3A_3] : memref<128x128xf32, #tpu.memory_space<vmem>>, vector<128x128xf32>
    %dot_general3A = arith.constant dense<0.000000e+00> : vector<1000x128xf32>
    %dot_general3A_5 = tpu.matmul %get3A_1, %get3A_4, %dot_general3A {dimension_numbers = #tpu.dot_dimension_numbers<[1], [0], [0], [1], [0, 0, 1, 1], [], []>, transpose_lhs_hint = false} : vector<1000x128xf32>, vector<128x128xf32>, vector<1000x128xf32> -> vector<1000x128xf32>
    %swap3A = arith.constant 0 : index
    %swap3A_6 = arith.constant 0 : index
    %swap3A_7 = vector.load %arg3[%swap3A, %swap3A_6] : memref<1000x128xf32, #tpu.memory_space<vmem>>, vector<1000x128xf32>
    tpu.vector_store %arg3[%swap3A, %swap3A_6], %dot_general3A_5 {strides = array<i32>} : memref<1000x128xf32, #tpu.memory_space<vmem>>, vector<1000x128xf32>,
    return
  }
  func.func @transform_0(%arg0: i32) -> (i32, i32) {
    %c0_i32 = arith.constant 0 : i32
    %c0_i32_0 = arith.constant 0 : i32
    return %arg0, %c0_i32 : i32, i32
  }
  func.func @transform_1(%arg0: i32) -> (i32, i32) {
    %c0_i32 = arith.constant 0 : i32
    %c0_i32_0 = arith.constant 0 : i32
    %c0_i32_1 = arith.constant 0 : i32
    return %c0_i32, %c0_i32_0 : i32, i32
  }
  func.func @transform_2(%arg0: i32) -> (i32, i32) {
    %c0_i32 = arith.constant 0 : i32
    %c0_i32_0 = arith.constant 0 : i32
    return %arg0, %c0_i32 : i32, i32
  }
}

module attributes {stable_mosaic.version = 14 : i64} {
  func.func @_tc1_body(%arg0: i32, %arg1: memref<1000x128xf32, #tpu.memory_space<vmem>>, %arg2: memref<2x1000x1xf32, #tpu.memory_space<vmem>>, %arg3: memref<2x1000x1xf32, #tpu.memory_space<vmem>>, %arg4: memref<1000x128xf32, #tpu.memory_space<vmem>>, %arg5: memref<1000x1xf32, #tpu.memory_space<vmem>>, %arg6: memref<1000x1xf32, #tpu.memory_space<vmem>>) attributes {dimension_semantics = [#tpu.dimension_semantics<arbitrary>], iteration_bounds = array<i64: 10>, scalar_prefetch = 0 : i64, scratch_operands = 0 : i64, tpu.core_type = #tpu.core_type<tc>, window_params = [{transform_indices = @transform_0, window_bounds = array<i64: 1000, 128>}, {transform_indices = @transform_1, window_bounds = array<i64: 2, 1000, 1>}, {transform_indices = @transform_2, window_bounds = array<i64: 2, 1000, 1>}, {transform_indices = @transform_3, window_bounds = array<i64: 1000, 128>}, {transform_indices = @transform_4, window_bounds = array<i64: 1000, 1>}, {transform_indices = @transform_5, window_bounds = array<i64: 1000, 1>}]} {
    %get3A = arith.constant 0 : index
    %get3A_0 = arith.constant 0 : index
    %get3A_1 = arith.constant 0 : index
    %get3A_2 = vector.load %arg2[%get3A, %get3A_0, %get3A_1] : memref<2x1000x1xf32, #tpu.memory_space<vmem>>, vector<1x1000x1xf32>
    %get3A_3 = vector.shape_cast %get3A_2 : vector<1x1000x1xf32> to vector<1000x1xf32>
    %get3A_4 = arith.constant 1 : index
    %get3A_5 = arith.constant 0 : index
    %get3A_6 = arith.constant 0 : index
    %get3A_7 = vector.load %arg2[%get3A_4, %get3A_5, %get3A_6] : memref<2x1000x1xf32, #tpu.memory_space<vmem>>, vector<1x1000x1xf32>
    %get3A_8 = vector.shape_cast %get3A_7 : vector<1x1000x1xf32> to vector<1000x1xf32>
    %add3A = arith.addf %get3A_3, %get3A_8 : vector<1000x1xf32>
    %gt3A = arith.constant 0.000000e+00 : f32
    %gt3A_9 = vector.broadcast %gt3A : f32 to vector<1000x1xf32>
    %gt3A_10 = arith.cmpf ogt, %add3A, %gt3A_9 : vector<1000x1xf32>
    %max3A = arith.constant 1.000000e+00 : f32
    %max3A_11 = vector.broadcast %max3A : f32 to vector<1000x1xf32>
    %max3A_12 = arith.maximumf %add3A, %max3A_11 : vector<1000x1xf32>
    %rsqrt3A = math.rsqrt %max3A_12 : vector<1000x1xf32>
    %jit3A = arith.constant 0.000000e+00 : f32
    %broadcast_in_dim3A = vector.broadcast %jit3A : f32 to vector<1000x1xf32>
    %select_n3A = arith.select %gt3A_10, %rsqrt3A, %broadcast_in_dim3A : vector<1000x1xi1>, vector<1000x1xf32>
    %get3A_13 = arith.constant 0 : index
    %get3A_14 = arith.constant 0 : index
    %get3A_15 = arith.constant 0 : index
    %get3A_16 = vector.load %arg3[%get3A_13, %get3A_14, %get3A_15] : memref<2x1000x1xf32, #tpu.memory_space<vmem>>, vector<1x1000x1xf32>
    %get3A_17 = vector.shape_cast %get3A_16 : vector<1x1000x1xf32> to vector<1000x1xf32>
    %get3A_18 = arith.constant 1 : index
    %get3A_19 = arith.constant 0 : index
    %get3A_20 = arith.constant 0 : index
    %get3A_21 = vector.load %arg3[%get3A_18, %get3A_19, %get3A_20] : memref<2x1000x1xf32, #tpu.memory_space<vmem>>, vector<1x1000x1xf32>
    %get3A_22 = vector.shape_cast %get3A_21 : vector<1x1000x1xf32> to vector<1000x1xf32>
    %add3A_23 = arith.addf %get3A_17, %get3A_22 : vector<1000x1xf32>
    %gt3A_24 = arith.constant 0.000000e+00 : f32
    %gt3A_25 = vector.broadcast %gt3A_24 : f32 to vector<1000x1xf32>
    %gt3A_26 = arith.cmpf ogt, %add3A_23, %gt3A_25 : vector<1000x1xf32>
    %max3A_27 = arith.constant 1.000000e+00 : f32
    %max3A_28 = vector.broadcast %max3A_27 : f32 to vector<1000x1xf32>
    %max3A_29 = arith.maximumf %add3A_23, %max3A_28 : vector<1000x1xf32>
    %rsqrt3A_30 = math.rsqrt %max3A_29 : vector<1000x1xf32>
    %jit3A_31 = arith.constant 0.000000e+00 : f32
    %broadcast_in_dim3A_32 = vector.broadcast %jit3A_31 : f32 to vector<1000x1xf32>
    %select_n3A_33 = arith.select %gt3A_26, %rsqrt3A_30, %broadcast_in_dim3A_32 : vector<1000x1xi1>, vector<1000x1xf32>
    %swap3A = arith.constant 0 : index
    %swap3A_34 = arith.constant 0 : index
    %swap3A_35 = vector.load %arg5[%swap3A, %swap3A_34] : memref<1000x1xf32, #tpu.memory_space<vmem>>, vector<1000x1xf32>
    tpu.vector_store %arg5[%swap3A, %swap3A_34], %select_n3A {strides = array<i32>} : memref<1000x1xf32, #tpu.memory_space<vmem>>, vector<1000x1xf32>,
    %swap3A_36 = arith.constant 0 : index
    %swap3A_37 = arith.constant 0 : index
    %swap3A_38 = vector.load %arg6[%swap3A_36, %swap3A_37] : memref<1000x1xf32, #tpu.memory_space<vmem>>, vector<1000x1xf32>
    tpu.vector_store %arg6[%swap3A_36, %swap3A_37], %select_n3A_33 {strides = array<i32>} : memref<1000x1xf32, #tpu.memory_space<vmem>>, vector<1000x1xf32>,
    %get3A_39 = arith.constant 0 : index
    %get3A_40 = arith.constant 0 : index
    %get3A_41 = vector.load %arg1[%get3A_39, %get3A_40] : memref<1000x128xf32, #tpu.memory_space<vmem>>, vector<1000x128xf32>
    %mul3A = vector.broadcast %select_n3A : vector<1000x1xf32> to vector<1000x128xf32>
    %mul3A_42 = arith.mulf %get3A_41, %mul3A : vector<1000x128xf32>
    %swap3A_43 = arith.constant 0 : index
    %swap3A_44 = arith.constant 0 : index
    %swap3A_45 = vector.load %arg4[%swap3A_43, %swap3A_44] : memref<1000x128xf32, #tpu.memory_space<vmem>>, vector<1000x128xf32>
    tpu.vector_store %arg4[%swap3A_43, %swap3A_44], %mul3A_42 {strides = array<i32>} : memref<1000x128xf32, #tpu.memory_space<vmem>>, vector<1000x128xf32>,
    return
  }
  func.func @transform_0(%arg0: i32) -> (i32, i32) {
    %c0_i32 = arith.constant 0 : i32
    %c0_i32_0 = arith.constant 0 : i32
    return %arg0, %c0_i32 : i32, i32
  }
  func.func @transform_1(%arg0: i32) -> (i32, i32, i32) {
    %c0_i32 = arith.constant 0 : i32
    %c0_i32_0 = arith.constant 0 : i32
    %c0_i32_1 = arith.constant 0 : i32
    return %c0_i32, %arg0, %c0_i32_0 : i32, i32, i32
  }
  func.func @transform_2(%arg0: i32) -> (i32, i32, i32) {
    %c0_i32 = arith.constant 0 : i32
    %c0_i32_0 = arith.constant 0 : i32
    %c0_i32_1 = arith.constant 0 : i32
    return %c0_i32, %arg0, %c0_i32_0 : i32, i32, i32
  }
  func.func @transform_3(%arg0: i32) -> (i32, i32) {
    %c0_i32 = arith.constant 0 : i32
    %c0_i32_0 = arith.constant 0 : i32
    return %arg0, %c0_i32 : i32, i32
  }
  func.func @transform_4(%arg0: i32) -> (i32, i32) {
    %c0_i32 = arith.constant 0 : i32
    %c0_i32_0 = arith.constant 0 : i32
    return %arg0, %c0_i32 : i32, i32
  }
  func.func @transform_5(%arg0: i32) -> (i32, i32) {
    %c0_i32 = arith.constant 0 : i32
    %c0_i32_0 = arith.constant 0 : i32
    return %arg0, %c0_i32 : i32, i32
  }
}

module attributes {stable_mosaic.version = 14 : i64} {
  func.func @_tc2_body(%arg0: i32, %arg1: memref<2x1000x128xf32, #tpu.memory_space<vmem>>, %arg2: memref<1000x1xf32, #tpu.memory_space<vmem>>, %arg3: memref<1000x1xf32, #tpu.memory_space<vmem>>, %arg4: memref<1x128xf32, #tpu.memory_space<vmem>>, %arg5: memref<128x64xf32, #tpu.memory_space<vmem>>, %arg6: memref<1000x64xf32, #tpu.memory_space<vmem>>) attributes {dimension_semantics = [#tpu.dimension_semantics<arbitrary>], iteration_bounds = array<i64: 10>, scalar_prefetch = 0 : i64, scratch_operands = 0 : i64, tpu.core_type = #tpu.core_type<tc>, window_params = [{transform_indices = @transform_0, window_bounds = array<i64: 2, 1000, 128>}, {transform_indices = @transform_1, window_bounds = array<i64: 1000, 1>}, {transform_indices = @transform_2, window_bounds = array<i64: 1000, 1>}, {pipeline_mode = #tpu.pipeline_mode<synchronous>, transform_indices = @transform_3, window_bounds = array<i64: 1, 128>}, {pipeline_mode = #tpu.pipeline_mode<synchronous>, transform_indices = @transform_4, window_bounds = array<i64: 128, 64>}, {transform_indices = @transform_5, window_bounds = array<i64: 1000, 64>}]} {
    %get3A = arith.constant 0 : index
    %get3A_0 = arith.constant 0 : index
    %get3A_1 = arith.constant 0 : index
    %get3A_2 = vector.load %arg1[%get3A, %get3A_0, %get3A_1] : memref<2x1000x128xf32, #tpu.memory_space<vmem>>, vector<1x1000x128xf32>
    %get3A_3 = vector.shape_cast %get3A_2 : vector<1x1000x128xf32> to vector<1000x128xf32>
    %get3A_4 = arith.constant 1 : index
    %get3A_5 = arith.constant 0 : index
    %get3A_6 = arith.constant 0 : index
    %get3A_7 = vector.load %arg1[%get3A_4, %get3A_5, %get3A_6] : memref<2x1000x128xf32, #tpu.memory_space<vmem>>, vector<1x1000x128xf32>
    %get3A_8 = vector.shape_cast %get3A_7 : vector<1x1000x128xf32> to vector<1000x128xf32>
    %add3A = arith.addf %get3A_3, %get3A_8 : vector<1000x128xf32>
    %get3A_9 = arith.constant 0 : index
    %get3A_10 = arith.constant 0 : index
    %get3A_11 = vector.load %arg2[%get3A_9, %get3A_10] : memref<1000x1xf32, #tpu.memory_space<vmem>>, vector<1000x1xf32>
    %get3A_12 = arith.constant 0 : index
    %get3A_13 = arith.constant 0 : index
    %get3A_14 = vector.load %arg3[%get3A_12, %get3A_13] : memref<1000x1xf32, #tpu.memory_space<vmem>>, vector<1000x1xf32>
    %mul3A = vector.broadcast %get3A_11 : vector<1000x1xf32> to vector<1000x128xf32>
    %mul3A_15 = arith.mulf %add3A, %mul3A : vector<1000x128xf32>
    %get3A_16 = arith.constant 0 : index
    %get3A_17 = arith.constant 0 : index
    %get3A_18 = vector.load %arg4[%get3A_16, %get3A_17] : memref<1x128xf32, #tpu.memory_space<vmem>>, vector<1x128xf32>
    %add3A_19 = vector.broadcast %get3A_18 : vector<1x128xf32> to vector<1000x128xf32>
    %add3A_20 = arith.addf %mul3A_15, %add3A_19 : vector<1000x128xf32>
    %max3A = arith.constant 0.000000e+00 : f32
    %max3A_21 = vector.broadcast %max3A : f32 to vector<1000x128xf32>
    %max3A_22 = arith.maximumf %add3A_20, %max3A_21 : vector<1000x128xf32>
    %mul3A_23 = vector.broadcast %get3A_14 : vector<1000x1xf32> to vector<1000x128xf32>
    %mul3A_24 = arith.mulf %max3A_22, %mul3A_23 : vector<1000x128xf32>
    %get3A_25 = arith.constant 0 : index
    %get3A_26 = arith.constant 0 : index
    %get3A_27 = vector.load %arg5[%get3A_25, %get3A_26] : memref<128x64xf32, #tpu.memory_space<vmem>>, vector<128x64xf32>
    %dot_general3A = arith.constant dense<0.000000e+00> : vector<1000x64xf32>
    %dot_general3A_28 = tpu.matmul %mul3A_24, %get3A_27, %dot_general3A {dimension_numbers = #tpu.dot_dimension_numbers<[1], [0], [0], [1], [0, 0, 1, 1], [], []>, transpose_lhs_hint = false} : vector<1000x128xf32>, vector<128x64xf32>, vector<1000x64xf32> -> vector<1000x64xf32>
    %swap3A = arith.constant 0 : index
    %swap3A_29 = arith.constant 0 : index
    %swap3A_30 = vector.load %arg6[%swap3A, %swap3A_29] : memref<1000x64xf32, #tpu.memory_space<vmem>>, vector<1000x64xf32>
    tpu.vector_store %arg6[%swap3A, %swap3A_29], %dot_general3A_28 {strides = array<i32>} : memref<1000x64xf32, #tpu.memory_space<vmem>>, vector<1000x64xf32>,
    return
  }
  func.func @transform_0(%arg0: i32) -> (i32, i32, i32) {
    %c0_i32 = arith.constant 0 : i32
    %c0_i32_0 = arith.constant 0 : i32
    %c0_i32_1 = arith.constant 0 : i32
    return %c0_i32, %arg0, %c0_i32_0 : i32, i32, i32
  }
  func.func @transform_1(%arg0: i32) -> (i32, i32) {
    %c0_i32 = arith.constant 0 : i32
    %c0_i32_0 = arith.constant 0 : i32
    return %arg0, %c0_i32 : i32, i32
  }
  func.func @transform_2(%arg0: i32) -> (i32, i32) {
    %c0_i32 = arith.constant 0 : i32
    %c0_i32_0 = arith.constant 0 : i32
    return %arg0, %c0_i32 : i32, i32
  }
  func.func @transform_3(%arg0: i32) -> (i32, i32) {
    %c0_i32 = arith.constant 0 : i32
    %c0_i32_0 = arith.constant 0 : i32
    %c0_i32_1 = arith.constant 0 : i32
    return %c0_i32, %c0_i32_0 : i32, i32
  }
  func.func @transform_4(%arg0: i32) -> (i32, i32) {
    %c0_i32 = arith.constant 0 : i32
    %c0_i32_0 = arith.constant 0 : i32
    %c0_i32_1 = arith.constant 0 : i32
    return %c0_i32, %c0_i32_0 : i32, i32
  }
  func.func @transform_5(%arg0: i32) -> (i32, i32) {
    %c0_i32 = arith.constant 0 : i32
    %c0_i32_0 = arith.constant 0 : i32
    return %arg0, %c0_i32 : i32, i32
  }
}

module attributes {stable_mosaic.version = 14 : i64} {
  func.func @_tc3_body(%arg0: i32, %arg1: memref<2x1000x64xf32, #tpu.memory_space<vmem>>, %arg2: memref<1000x1xf32, #tpu.memory_space<vmem>>, %arg3: memref<1x64xf32, #tpu.memory_space<vmem>>, %arg4: memref<1000x64xf32, #tpu.memory_space<vmem>>) attributes {dimension_semantics = [#tpu.dimension_semantics<arbitrary>], iteration_bounds = array<i64: 10>, scalar_prefetch = 0 : i64, scratch_operands = 0 : i64, tpu.core_type = #tpu.core_type<tc>, window_params = [{transform_indices = @transform_0, window_bounds = array<i64: 2, 1000, 64>}, {transform_indices = @transform_1, window_bounds = array<i64: 1000, 1>}, {pipeline_mode = #tpu.pipeline_mode<synchronous>, transform_indices = @transform_2, window_bounds = array<i64: 1, 64>}, {transform_indices = @transform_3, window_bounds = array<i64: 1000, 64>}]} {
    %get3A = arith.constant 0 : index
    %get3A_0 = arith.constant 0 : index
    %get3A_1 = arith.constant 0 : index
    %get3A_2 = vector.load %arg1[%get3A, %get3A_0, %get3A_1] : memref<2x1000x64xf32, #tpu.memory_space<vmem>>, vector<1x1000x64xf32>
    %get3A_3 = vector.shape_cast %get3A_2 : vector<1x1000x64xf32> to vector<1000x64xf32>
    %get3A_4 = arith.constant 1 : index
    %get3A_5 = arith.constant 0 : index
    %get3A_6 = arith.constant 0 : index
    %get3A_7 = vector.load %arg1[%get3A_4, %get3A_5, %get3A_6] : memref<2x1000x64xf32, #tpu.memory_space<vmem>>, vector<1x1000x64xf32>
    %get3A_8 = vector.shape_cast %get3A_7 : vector<1x1000x64xf32> to vector<1000x64xf32>
    %add3A = arith.addf %get3A_3, %get3A_8 : vector<1000x64xf32>
    %get3A_9 = arith.constant 0 : index
    %get3A_10 = arith.constant 0 : index
    %get3A_11 = vector.load %arg2[%get3A_9, %get3A_10] : memref<1000x1xf32, #tpu.memory_space<vmem>>, vector<1000x1xf32>
    %mul3A = vector.broadcast %get3A_11 : vector<1000x1xf32> to vector<1000x64xf32>
    %mul3A_12 = arith.mulf %add3A, %mul3A : vector<1000x64xf32>
    %get3A_13 = arith.constant 0 : index
    %get3A_14 = arith.constant 0 : index
    %get3A_15 = vector.load %arg3[%get3A_13, %get3A_14] : memref<1x64xf32, #tpu.memory_space<vmem>>, vector<1x64xf32>
    %add3A_16 = vector.broadcast %get3A_15 : vector<1x64xf32> to vector<1000x64xf32>
    %add3A_17 = arith.addf %mul3A_12, %add3A_16 : vector<1000x64xf32>
    %max3A = arith.constant 0.000000e+00 : f32
    %max3A_18 = vector.broadcast %max3A : f32 to vector<1000x64xf32>
    %max3A_19 = arith.maximumf %add3A_17, %max3A_18 : vector<1000x64xf32>
    %reduce_max3A = arith.constant dense<0xFF800000> : vector<1000xf32>
    %reduce_max3A_20 = vector.multi_reduction <maximumf>, %max3A_19, %reduce_max3A [1] : vector<1000x64xf32> to vector<1000xf32>
    %broadcast_in_dim3A = vector.shape_cast %reduce_max3A_20 : vector<1000xf32> to vector<1000x1xf32>
    %sub3A = vector.broadcast %broadcast_in_dim3A : vector<1000x1xf32> to vector<1000x64xf32>
    %sub3A_21 = arith.subf %max3A_19, %sub3A : vector<1000x64xf32>
    %exp3A = math.exp %sub3A_21 : vector<1000x64xf32>
    %reduce_sum3A = arith.constant dense<0.000000e+00> : vector<1000xf32>
    %reduce_sum3A_22 = vector.multi_reduction <add>, %exp3A, %reduce_sum3A [1] : vector<1000x64xf32> to vector<1000xf32>
    %broadcast_in_dim3A_23 = vector.shape_cast %reduce_sum3A_22 : vector<1000xf32> to vector<1000x1xf32>
    %sub3A_24 = vector.broadcast %broadcast_in_dim3A : vector<1000x1xf32> to vector<1000x64xf32>
    %sub3A_25 = arith.subf %max3A_19, %sub3A_24 : vector<1000x64xf32>
    %log3A = math.log %broadcast_in_dim3A_23 : vector<1000x1xf32>
    %sub3A_26 = vector.broadcast %log3A : vector<1000x1xf32> to vector<1000x64xf32>
    %sub3A_27 = arith.subf %sub3A_25, %sub3A_26 : vector<1000x64xf32>
    %swap3A = arith.constant 0 : index
    %swap3A_28 = arith.constant 0 : index
    %swap3A_29 = vector.load %arg4[%swap3A, %swap3A_28] : memref<1000x64xf32, #tpu.memory_space<vmem>>, vector<1000x64xf32>
    tpu.vector_store %arg4[%swap3A, %swap3A_28], %sub3A_27 {strides = array<i32>} : memref<1000x64xf32, #tpu.memory_space<vmem>>, vector<1000x64xf32>,
    return
  }
  func.func @transform_0(%arg0: i32) -> (i32, i32, i32) {
    %c0_i32 = arith.constant 0 : i32
    %c0_i32_0 = arith.constant 0 : i32
    %c0_i32_1 = arith.constant 0 : i32
    return %c0_i32, %arg0, %c0_i32_0 : i32, i32, i32
  }
  func.func @transform_1(%arg0: i32) -> (i32, i32) {
    %c0_i32 = arith.constant 0 : i32
    %c0_i32_0 = arith.constant 0 : i32
    return %arg0, %c0_i32 : i32, i32
  }
  func.func @transform_2(%arg0: i32) -> (i32, i32) {
    %c0_i32 = arith.constant 0 : i32
    %c0_i32_0 = arith.constant 0 : i32
    %c0_i32_1 = arith.constant 0 : i32
    return %c0_i32, %c0_i32_0 : i32, i32
  }
  func.func @transform_3(%arg0: i32) -> (i32, i32) {
    %c0_i32 = arith.constant 0 : i32
    %c0_i32_0 = arith.constant 0 : i32
    return %arg0, %c0_i32 : i32, i32
  }
}

</mosaic_0001>

<sc_bundles>
// kernel: kernel.12.cloned.1.call-start
scs
__scs_entry_jumppad:
0x0: {  	(pc) =	sbr.rel $0x88, $3  }
0x1: {  	(tag) =	ssettag $0x0;
	lr =	simm.s32 $0x1  }
0x2: {  	[smem:$0x3F9B] =	sst lr;
	_ =	strace $0xD0000000  }
0x3: {  	_ = 	snop  }
0x4: {  	_ = 	snop  }
0x5: {  	_ = 	snop  }
0x6: {  	_ = 	snop  }
0x7: {  	_ = 	snop  }
__scs_overlays_trampoline_lowered:
0x8: {  	[smem:$0x3FAA] =	sst s0  }
0x9: {  	[smem:$0x3FAB] =	sst s1  }
0xa: {  	[smem:$0x3FAC] =	sst s2  }
0xb: {  	[smem:$0x3FAD] =	sst s3  }
0xc: {  	[smem:$0x3FAE] =	sst s4  }
0xd: {  	[smem:$0x3FAF] =	sst s5  }
0xe: {  	[smem:$0x3FB0] =	sst s6  }
0xf: {  	[smem:$0x3FB1] =	sst s7  }
0x10: {  	[smem:$0x3FB2] =	sst s8  }
0x11: {  	[smem:$0x3FB3] =	sst s9;
	s0 =	simm.s32 @!p0 $0x0  }
0x12: {  	s1 =	sld [smem:$0x3F99];
	s0 =	simm.s32 @p0 $0x1  }
0x13: {  	[smem:$0x3FB4] =	sst s0;
	s0 =	simm.s32 @!p1 $0x0  }
0x14: {  	s2 =	sld [smem:$0x3F98];
	s0 =	simm.s32 @p1 $0x1  }
0x15: {  	[smem:$0x3FB5] =	sst s0;
	s0 =	simm.s32 @!p2 $0x0  }
0x16: {  	s3 =	sld [smem:$0x3FDB];
	s0 =	simm.s32 @p2 $0x1  }
0x17: {  	s4 =	simm.s32 $0x1BF5;
	[smem:$0x3FB7] =	sst s0  }
0x18: {  	s0 =	sld [smem:$0x3F9A];
	_ =	swait.ge [sflag:s4], $0x0  }
0x19: {  	s7 =	sld [smem:$0x3F9B]  }
0x1a: {  	s8 =	sadd.s32 $0xFFFFE003, lr  }
0x1b: {  	s9 =	sadd.s32 $0xFFFFFEF7, lr;
	s5 =	simm.s32 $0xFFFFFFFF;
	p2 =	slt.u32 s8, $0xFFFFF086  }
0x1c: {  	p1 =	slt.u32 s9, $0xF7A;
	s5 =	simm.s32 @!p2 $0x0  }
0x1d: {  	s5 =	simm.s32 @p1 $0x1;
	p0 =	seq.s32 s7, s2  }
0x1e: {  	s7 =	smul.u32 @!p0 $0xF7A, s2;
	p2 =	seq.s32 @!p0 s5, $0x0  }
0x1f: {  	s9 =	smul.u32 $0xF7A, s1;
	s8 =	simm.s32 @!p0 $0x1BF5;
	p2 =	por !p2, p0  }
0x20: {  	[sflag:s8] =	ssyncset.s32 @!p0 $0xFFFFF086;
	s6 =	sadd.s32 @!p0 s3, s7;
	s7 =	simm.s32 @!p0 $0x108  }
0x21: {  	s3 =	sadd.s32 s3, s9;
	s6 =	sadd.s32 @!p0 $0x88, s6;
	s7 =	simm.s32 @p2 $0x1082  }
0x22: {  	[simem:s7], [sflag:s8] =	dma.local @!p0 [hbm:s6], $0xF7A  }
0x23: {  	s9 =	sor.u32 $0xD0000000, s2;
	s6 =	simm.s32 $0x108;
	_ =	swait.ge @!p0 [sflag:s8], $0x0  }
0x24: {  	s3 =	sadd.s32 $0x88, s3;
	s6 =	simm.s32 @!p1 $0x1082;
	[sflag:s4] =	ssyncset.s32 $0xFFFFF086  }
0x25: {  	[simem:s6], [sflag:s4] =	dma.local [hbm:s3], $0xF7A  }
0x26: {  	[smem:$0x3F9B] =	sst s1;
	(tag) =	ssettag s2;
	_ =	strace s9  }
0x27: {  	s1 =	sld [smem:$0x3FAB]  }
0x28: {  	s2 =	sld [smem:$0x3FAC]  }
0x29: {  	s4 =	sld [smem:$0x3FAE]  }
0x2a: {  	p0 =	seq.s32 s5, $0x0;
	s5 =	sld [smem:$0x3FAF]  }
0x2b: {  	s6 =	sld [smem:$0x3FB0]  }
0x2c: {  	s7 =	sld [smem:$0x3FB1]  }
0x2d: {  	s3 =	simm.s32 $0x108;
	s8 =	sld [smem:$0x3FB2]  }
0x2e: {  	s3 =	simm.s32 @!p0 $0x1082;
	s9 =	sld [smem:$0x3FB3]  }
0x2f: {  	lr =	sadd.s32 s0, s3;
	s0 =	sld [smem:$0x3FAA]  }
0x30: {  	s3 =	sld [smem:$0x3FAD]  }
0x31: {  	[smem:$0x3FB6] =	sst s10  }
0x32: {  	s10 =	sld [smem:$0x3FB4];
	_ =	sdelay $0x3  }
0x33: {  	p0 =	seq.s32 s10, $0x1;
	s10 =	sld [smem:$0x3FB6];
	_ =	sdelay $0x3  }
0x34: {  	[smem:$0x3FB6] =	sst s10  }
0x35: {  	s10 =	sld [smem:$0x3FB5];
	_ =	sdelay $0x3  }
0x36: {  	p1 =	seq.s32 s10, $0x1;
	s10 =	sld [smem:$0x3FB6];
	_ =	sdelay $0x3  }
0x37: {  	[smem:$0x3FB6] =	sst s10  }
0x38: {  	s10 =	sld [smem:$0x3FB7]  }
0x39: {  	_ = 	snop;
	(pc) =	sbr.ind lr, $3  }
0x3a: {  	_ = 	snop  }
0x3b: {  	_ = 	snop  }
0x3c: {  	p2 =	seq.s32 s10, $0x1;
	s10 =	sld [smem:$0x3FB6]  }
0x3d: {  	_ =	shalt  }
0x3e: {  	_ =	shalt  }
0x3f: {  	_ =	shalt  }
0x40: {  	_ =	shalt  }
0x41: {  	_ =	shalt  }
0x42: {  	_ =	shalt  }
0x43: {  	_ =	shalt  }
0x44: {  	_ =	shalt  }
0x45: {  	_ =	shalt  }
0x46: {  	_ =	shalt  }
0x47: {  	_ =	shalt  }
0x48: {  	_ =	shalt  }
0x49: {  	_ =	shalt  }
0x4a: {  	_ =	shalt  }
0x4b: {  	_ =	shalt  }
0x4c: {  	_ =	shalt  }
0x4d: {  	_ =	shalt  }
0x4e: {  	_ =	shalt  }
0x4f: {  	_ =	shalt  }
0x50: {  	_ =	shalt  }
0x51: {  	_ =	shalt  }
0x52: {  	_ =	shalt  }
0x53: {  	_ =	shalt  }
0x54: {  	_ =	shalt  }
0x55: {  	_ =	shalt  }
0x56: {  	_ =	shalt  }
0x57: {  	_ =	shalt  }
0x58: {  	_ =	shalt  }
0x59: {  	_ =	shalt  }
0x5a: {  	_ =	shalt  }
0x5b: {  	_ =	shalt  }
0x5c: {  	_ =	shalt  }
0x5d: {  	_ =	shalt  }
0x5e: {  	_ =	shalt  }
0x5f: {  	_ =	shalt  }
0x60: {  	_ =	shalt  }
0x61: {  	_ =	shalt  }
0x62: {  	_ =	shalt  }
0x63: {  	_ =	shalt  }
0x64: {  	_ =	shalt  }
0x65: {  	_ =	shalt  }
0x66: {  	_ =	shalt  }
0x67: {  	_ =	shalt  }
0x68: {  	_ =	shalt  }
0x69: {  	_ =	shalt  }
0x6a: {  	_ =	shalt  }
0x6b: {  	_ =	shalt  }
0x6c: {  	_ =	shalt  }
0x6d: {  	_ =	shalt  }
0x6e: {  	_ =	shalt  }
0x6f: {  	_ =	shalt  }
0x70: {  	_ =	shalt  }
0x71: {  	_ =	shalt  }
0x72: {  	_ =	shalt  }
0x73: {  	_ =	shalt  }
0x74: {  	_ =	shalt  }
0x75: {  	_ =	shalt  }
0x76: {  	_ =	shalt  }
0x77: {  	_ =	shalt  }
0x78: {  	_ =	shalt  }
0x79: {  	_ =	shalt  }
0x7a: {  	_ =	shalt  }
0x7b: {  	_ =	shalt  }
0x7c: {  	_ =	shalt  }
0x7d: {  	_ =	shalt  }
0x7e: {  	_ =	shalt  }
0x7f: {  	_ =	shalt  }
0x80: {  	_ =	shalt  }
0x81: {  	_ =	shalt  }
0x82: {  	_ =	shalt  }
0x83: {  	_ =	shalt  }
0x84: {  	_ =	shalt  }
0x85: {  	_ =	shalt  }
0x86: {  	_ =	shalt  }
0x87: {  	_ =	shalt  }
.Lfunc_end0:
.L_simem_size_0:
called_computation.1_lowered:
.L_overlay_start_0:
0x88: {  	s2 =	sld [smem:$0x3FD9]  }
0x89: {  	s3 =	sld [smem:$0x3FFE];
	_ =	sdelay $0x1  }
0x8a: {  	s1 =	srdreg.scid  }
0x8b: {  	s0 =	sand.u32 $0x1, s1  }
0x8c: {  	s16 =	sshll.u32 s0, $0xA;
	s2 =	sadd.s32 s3, s2  }
0x8d: {  	s2 =	sadd.s32 s2, s16  }
0x8e: {  	[smem:$0x3FC2] =	sst s2  }
0x8f: {  	_ = 	snop  }
0x90: {  	(tm) =	ssettm $0x1  }
0x91: {  	s17 =	sld [smem:$0x3FFB];
	_ =	sdelay $0x3  }
0x92: {  	_ =	strace s17  }
0x93: {  	s2 =	sld [smem:$0x3FFC];
	_ =	sdelay $0x3  }
0x94: {  	_ =	strace s2  }
0x95: {  	s2 =	sld [smem:$0x3FFD];
	_ =	sdelay $0x3  }
0x96: {  	_ =	strace s2  }
0x97: {  	_ =	strace $0x8FFFFFFF  }
0x98: {  	s18 =	sld [smem:$0x3FDB];
	_ =	sdelay $0x1  }
0x99: {  	s19 =	simm.s32 $_scs_section_size  }
0x9a: {  	s4 =	simm.s32 $_size__tile_overlayer_lowered;
	s5 =	simm.s32 $_tile_overlayer_lowered  }
0x9b: {  	s22 =	simm.s32 $0x1BFF;
	s21 =	sshll.u32 s5, $0x1;
	s2 =	sadd.s32 s19, s18  }
0x9c: {  	s6 =	simm.s32 $0x0;
	s20 =	sshll.u32 s4, $0x1;
	s4 =	sadd.s32 s21, s2  }
0x9d: {  	[timem:s6], [sflag:s22] =	dma.local [hbm:s4], s20  }
0x9e: {  	_ =	swait.ge [sflag:s22], s20  }
0x9f: {  	s3 =	ssub.s32 $0x0, s20;
	[sflag:s22] =	ssyncset.done $0x0  }
0xa0: {  	[sflag:s22] =	ssyncadd.s32 s3;
	_ =	sdelay $0x1  }
0xa1: {  	s23 =	simm.s32 $0x1B8B  }
0xa2: {  	_ =	swait.ge [sflag:s23], $0x1  }
0xa3: {  	[sflag:s23] =	ssyncset.done $0x0  }
0xa4: {  	s25 =	simm.s32 $0x1B8E;
	s24 =	sld [smem:$0x3FFE];
	[sflag:s23] =	ssyncadd.s32 $0xFFFFFFFF  }
0xa5: {  	s26 =	simm.s32 $execute0_lowered;
	[smem:$0x3FD2] =	sst s25  }
0xa6: {  	s4 =	sshll.u32 s26, $0x1;
	_ =	strace $0x80000049;
	[dreg:$0x1] =	wrdreg $0xFFFFFFFF  }
0xa7: {  	s28 =	simm.s32 $_size_execute0_lowered;
	s2 =	sadd.s32 s2, s4;
	[dreg:$0x0] =	wrdreg $0x0  }
0xa8: {  	s4 =	sshll.u32 s28, $0x1;
	[dreg:$0x2] =	wrdreg s2  }
0xa9: {  	[dreg:$0x3] =	wrdreg s4  }
0xaa: {  	[dreg:$0x4] =	wrdreg $0xC0  }
0xab: {  	_ =	task [dreg:s6], $0x5FFFF  }
0xac: {  	[dreg:$0x1] =	wrdreg $0xFFFFFFFF  }
0xad: {  	[dreg:$0x0] =	wrdreg $0x60  }
0xae: {  	[dreg:$0x2] =	wrdreg s24  }
0xaf: {  	[dreg:$0x3] =	wrdreg $0xAA000  }
0xb0: {  	[dreg:$0x4] =	wrdreg $0x9  }
0xb1: {  	_ =	task.clear_ibuf [dreg:s6], $0x5FFFF;
	_ =	strace $0x90000049  }
0xb2: {  	s29 =	simm.s32 $0x9;
	_ =	strace $0x8000004B  }
0xb3: {  	_ =	swait.ge [sflag:s29], $0x1  }
0xb4: {  	[sflag:s29] =	ssyncadd.s32 $0xFFFFFFFF  }
0xb5: {  	_ =	strace $0x9000004B  }
0xb6: {  	_ =	sfence  }
0xb7: {  	s30 =	sld [smem:$0x0];
	_ =	sdelay $0x2  }
0xb8: {  	s31 =	sshll.u32 s1, $0xD;
	s1 =	sshrl.u32 s1, $0x2  }
0xb9: {  	s3 =	sand.u32 $0x4000, s31;
	s1 =	sadd.s32 s1, s30  }
0xba: {  	s0 =	sor.u32 s3, s0;
	s1 =	sshll.u32 s1, $0x11  }
0xbb: {  	s0 =	sor.u32 s1, s0  }
0xbc: {  	s0 =	sadd.s32 $0x8F2B, s0  }
0xbd: {  	[sflag:s0] =	ssyncadd.remote.s32 $0x1  }
0xbe: {  	_ =	sfence.sel $0xFFFF  }
0xbf: {  	[dreg:$0x0] =	wrdreg $0xFFFFFFFF;
	(pc) =	sbr.abs _section_cstart, $3  }
0xc0: {  	[dreg:$0x1] =	wrdreg $0xFFFFFFFF  }
0xc1: {  	_ =	task.clear_ibuf [dreg:s6], $0x2FFFF;
	_ =	strace $0x9FFFFFFF  }
0xc2: {  	(tm) =	ssettm $0x7FFFFFFF  }
0xc3: {  	_ =	shalt  }
tec
execute0_lowered:
.L_overlay_start_1:
0x0: {  	(tag) =	ssettag $0x1  }
0x1: {  	s6 =	rddreg [dreg:$0x0]  }
0x2: {  	s0 =	srdreg.scid;
	s2 =	rddreg [dreg:$0x1];
	s3 =	simm.s32 $0x0  }
0x3: {  	s13 =	simm.s32 $0x2800;
	s14 =	simm.s32 $0x2A00;
	s15 =	simm.s32 $0x2880  }
0x4: {  	s16 =	simm.s32 $0x6A00;
	s17 =	simm.s32 $0x1;
	s18 =	simm.s32 $0x2900  }
0x5: {  	s19 =	simm.s32 $0x2;
	s20 =	simm.s32 $0x2980;
	s21 =	simm.s32 $0x0  }
0x6: {  	s5 =	sand.u32 $0x1, s0;
	s0 =	stileid.u32;
	[smem:$0x7FF] =	sst s3  }
0x7: {  	s4 =	sadd.s32 $0xBC00, s6;
	s1 =	sshll.u32 s5, $0x4;
	s8 =	smul.u32 $0x14000, s0  }
0x8: {  	s9 =	smul.u32 $0x140000, s5;
	s5 =	ssub.s32 $0x2, s5;
	s1 =	sor.u32 s0, s1  }
0x9: {  	s31 =	sshll.u32 s0, $0x6;
	s11 =	sshrl.u32 s5, $0x1;
	s7 =	smul.u32 $0x500, s1  }
0xa: {  	s1 =	rddreg [dreg:$0x2];
	_ =	strace $0x8000004A;
	s10 =	sshrl.u32 s8, $0x3  }
0xb: {  	s9 =	sadd.s32 s8, s9;
	s11 =	ssub.s32 s5, s11;
	s12 =	sadd.s32 s8, s2  }
0xc: {  	s10 =	sadd.s32 s10, s6;
	s9 =	sshrl.u32 s9, $0x3;
	s8 =	smax.u32 s11, $0x1  }
0xd: {  	s11 =	sshrl.u32 s12, $0x3;
	s12 =	simm.s32 $0x80;
	s7 =	sadd.s32 s7, s6  }
0xe: {  	s9 =	sadd.s32 s9, s6;
	s6 =	sadd.s32 $0x33C00, s10;
	s10 =	sor.u32 $0x1C03, s31  }
0xf: {  	s5 =	sadd.s32 $0x1C00, s7;
	s7 =	sadd.s32 $0x5BC00, s9;
	s9 =	simm.s32 $0x3  }
.LBB2_1:
0x10: {  	[tilespmem:s3], [sflag:$0x3] =	stream.linear.gather [hbm4b:s5+s3], $0x2800, $0x38;
	[tilespmem:$0x1EA00] =	vst v63  }
0x11: {  	_ =	swait.ge [sflag:s9], $0x2800  }
0x12: {  	[sflag:s9] =	ssyncset.done $0x0  }
0x13: {  	[sflag:s9] =	ssyncadd.s32 $0xFFFFD800  }
0x14: {  	[spmem:s11], [sflag:s10] =	dma.local [hbm:s6], $0x2800  }
0x15: {  	_ =	swait.ge [sflag:s9], $0x2800  }
0x16: {  	[sflag:s9] =	ssyncset.done $0x0  }
0x17: {  	[sflag:s9] =	ssyncadd.s32 $0xFFFFD800  }
0x18: {  	[bflag:$0x0] =	sbarrier.arrive $0xFFFF  }
0x19: {  	v0 =	vld [tilespmem:$0x0];
	_ =	sdelay $0x1  }
0x1a: {  	v1 =	vld [tilespmem:$0x10];
	_ =	sdelay $0x1  }
0x1b: {  	v2 =	vld [tilespmem:$0x20]  }
0x1c: {  	v3 =	vand.u32 $0x3FFF, v0  }
0x1d: {  	v0 =	vshra.s32 v0, $0xE;
	[tilespmem:$0x2800] =	vst v3;
	v3 =	vld [tilespmem:$0x30]  }
0x1e: {  	[tilespmem:$0x2900] =	vst v0;
	v0 =	vand.u32 $0x3FFF, v1  }
0x1f: {  	[tilespmem:$0x2810] =	vst v0;
	v0 =	vshra.s32 v1, $0xE;
	v1 =	vld [tilespmem:$0x40]  }
0x20: {  	[tilespmem:$0x2910] =	vst v0;
	v0 =	vand.u32 $0x3FFF, v2  }
0x21: {  	[tilespmem:$0x2820] =	vst v0;
	v0 =	vshra.s32 v2, $0xE;
	v2 =	vld [tilespmem:$0x50]  }
0x22: {  	[tilespmem:$0x2920] =	vst v0;
	v0 =	vand.u32 $0x3FFF, v3  }
0x23: {  	[tilespmem:$0x2830] =	vst v0;
	v0 =	vshra.s32 v3, $0xE;
	v3 =	vld [tilespmem:$0x60]  }
0x24: {  	[tilespmem:$0x2930] =	vst v0;
	v0 =	vand.u32 $0x3FFF, v1  }
0x25: {  	[tilespmem:$0x2840] =	vst v0;
	v0 =	vshra.s32 v1, $0xE;
	v1 =	vld [tilespmem:$0x70]  }
0x26: {  	[tilespmem:$0x2940] =	vst v0;
	v0 =	vand.u32 $0x3FFF, v2  }
0x27: {  	[tilespmem:$0x2850] =	vst v0;
	v0 =	vshra.s32 v2, $0xE  }
0x28: {  	[tilespmem:$0x2950] =	vst v0;
	v0 =	vand.u32 $0x3FFF, v3  }
0x29: {  	[tilespmem:$0x2860] =	vst v0;
	v0 =	vshra.s32 v3, $0xE  }
0x2a: {  	[tilespmem:$0x2960] =	vst v0;
	v0 =	vand.u32 $0x3FFF, v1  }
0x2b: {  	[tilespmem:$0x2870] =	vst v0;
	v0 =	vshra.s32 v1, $0xE  }
0x2c: {  	s22 =	simm.s32 $0x0;
	[tilespmem:$0x2970] =	vst v0  }
0x2d: {  	[tilespmem:s14], [sflag:$0x1] =	stream.indirect.gather [hbm4b:s4+s12], $0x80, s13, s12, $0xb8;
	[tilespmem:$0x1EA00] =	vst v63  }
0x2e: {  	v0 =	vld [tilespmem:s22+$0x80];
	_ =	sdelay $0x4  }
0x2f: {  	v1 =	vand.u32 $0x3FFF, v0  }
0x30: {  	v0 =	vshra.s32 v0, $0xE;
	[tilespmem:$0x2880] =	vst v1  }
0x31: {  	[tilespmem:$0x2980] =	vst v0  }
0x32: {  	v0 =	vld [tilespmem:s22+$0x90];
	_ =	sdelay $0x4  }
0x33: {  	v1 =	vand.u32 $0x3FFF, v0  }
0x34: {  	v0 =	vshra.s32 v0, $0xE;
	[tilespmem:$0x2890] =	vst v1  }
0x35: {  	[tilespmem:$0x2990] =	vst v0  }
0x36: {  	v0 =	vld [tilespmem:s22+$0xA0];
	_ =	sdelay $0x4  }
0x37: {  	v1 =	vand.u32 $0x3FFF, v0  }
0x38: {  	v0 =	vshra.s32 v0, $0xE;
	[tilespmem:$0x28A0] =	vst v1  }
0x39: {  	[tilespmem:$0x29A0] =	vst v0  }
0x3a: {  	v0 =	vld [tilespmem:s22+$0xB0];
	_ =	sdelay $0x4  }
0x3b: {  	v1 =	vand.u32 $0x3FFF, v0  }
0x3c: {  	v0 =	vshra.s32 v0, $0xE;
	[tilespmem:$0x28B0] =	vst v1  }
0x3d: {  	[tilespmem:$0x29B0] =	vst v0  }
0x3e: {  	v0 =	vld [tilespmem:s22+$0xC0];
	_ =	sdelay $0x4  }
0x3f: {  	v1 =	vand.u32 $0x3FFF, v0  }
0x40: {  	v0 =	vshra.s32 v0, $0xE;
	[tilespmem:$0x28C0] =	vst v1  }
0x41: {  	[tilespmem:$0x29C0] =	vst v0  }
0x42: {  	v0 =	vld [tilespmem:s22+$0xD0];
	_ =	sdelay $0x4  }
0x43: {  	v1 =	vand.u32 $0x3FFF, v0  }
0x44: {  	v0 =	vshra.s32 v0, $0xE;
	[tilespmem:$0x28D0] =	vst v1  }
0x45: {  	[tilespmem:$0x29D0] =	vst v0  }
0x46: {  	v0 =	vld [tilespmem:s22+$0xE0];
	_ =	sdelay $0x4  }
0x47: {  	v1 =	vand.u32 $0x3FFF, v0  }
0x48: {  	v0 =	vshra.s32 v0, $0xE;
	[tilespmem:$0x28E0] =	vst v1  }
0x49: {  	[tilespmem:$0x29E0] =	vst v0  }
0x4a: {  	v0 =	vld [tilespmem:s22+$0xF0];
	_ =	sdelay $0x4  }
0x4b: {  	v1 =	vand.u32 $0x3FFF, v0  }
0x4c: {  	v0 =	vshra.s32 v0, $0xE;
	[tilespmem:$0x28F0] =	vst v1  }
0x4d: {  	[tilespmem:$0x29F0] =	vst v0  }
0x4e: {  	[tilespmem:s16], [sflag:$0x2] =	stream.indirect.gather [hbm4b:s4+s12], $0x80, s15, s12, $0xb8;
	[tilespmem:$0x1EA00] =	vst v63  }
0x4f: {  	_ =	swait.ge [sflag:s17], $0x4000  }
0x50: {  	[sflag:s17] =	ssyncset.done $0x0  }
0x51: {  	[sflag:s17] =	ssyncadd.s32 $0xFFFFC000  }
0x52: {  	[spmem:s2] =	stream.indirect.scatter.add.f32 [tilespmem:s14], [sflag:$0x3], $0x80, s18, s12, $0xb8;
	[tilespmem:$0x1EA00] =	vst v63  }
0x53: {  	_ =	swait.ge [sflag:s9], $0x4000  }
0x54: {  	p1 =	por $0x0, $0x0;
	[sflag:s9] =	ssyncset.done $0x0  }
0x55: {  	s23 =	simm.s32 @!p1 $0x0;
	[sflag:s9] =	ssyncadd.s32 $0xFFFFC000  }
0x56: {  	v0 =	vld @!p1 [tilespmem:s23+$0x100];
	_ =	sdelay $0x4  }
0x57: {  	v1 =	vand.u32 @!p1 $0x3FFF, v0  }
0x58: {  	v0 =	vshra.s32 @!p1 v0, $0xE;
	[tilespmem:$0x2800] =	vst @!p1 v1  }
0x59: {  	[tilespmem:$0x2900] =	vst @!p1 v0  }
0x5a: {  	v0 =	vld @!p1 [tilespmem:s23+$0x110];
	_ =	sdelay $0x4  }
0x5b: {  	v1 =	vand.u32 @!p1 $0x3FFF, v0  }
0x5c: {  	v0 =	vshra.s32 @!p1 v0, $0xE;
	[tilespmem:$0x2810] =	vst @!p1 v1  }
0x5d: {  	[tilespmem:$0x2910] =	vst @!p1 v0  }
0x5e: {  	v0 =	vld @!p1 [tilespmem:s23+$0x120];
	_ =	sdelay $0x4  }
0x5f: {  	v1 =	vand.u32 @!p1 $0x3FFF, v0  }
0x60: {  	v0 =	vshra.s32 @!p1 v0, $0xE;
	[tilespmem:$0x2820] =	vst @!p1 v1  }
0x61: {  	[tilespmem:$0x2920] =	vst @!p1 v0  }
0x62: {  	v0 =	vld @!p1 [tilespmem:s23+$0x130];
	_ =	sdelay $0x4  }
0x63: {  	v1 =	vand.u32 @!p1 $0x3FFF, v0  }
0x64: {  	v0 =	vshra.s32 @!p1 v0, $0xE;
	[tilespmem:$0x2830] =	vst @!p1 v1  }
0x65: {  	[tilespmem:$0x2930] =	vst @!p1 v0  }
0x66: {  	v0 =	vld @!p1 [tilespmem:s23+$0x140];
	_ =	sdelay $0x4  }
0x67: {  	v1 =	vand.u32 @!p1 $0x3FFF, v0  }
0x68: {  	v0 =	vshra.s32 @!p1 v0, $0xE;
	[tilespmem:$0x2840] =	vst @!p1 v1  }
0x69: {  	[tilespmem:$0x2940] =	vst @!p1 v0  }
0x6a: {  	v0 =	vld @!p1 [tilespmem:s23+$0x150];
	_ =	sdelay $0x4  }
0x6b: {  	v1 =	vand.u32 @!p1 $0x3FFF, v0  }
0x6c: {  	v0 =	vshra.s32 @!p1 v0, $0xE;
	[tilespmem:$0x2850] =	vst @!p1 v1  }
0x6d: {  	[tilespmem:$0x2950] =	vst @!p1 v0  }
0x6e: {  	v0 =	vld @!p1 [tilespmem:s23+$0x160];
	_ =	sdelay $0x4  }
0x6f: {  	s25 =	simm.s32 @!p1 $0x80;
	v1 =	vand.u32 @!p1 $0x3FFF, v0  }
0x70: {  	s26 =	simm.s32 @!p1 $0x2800;
	s28 =	simm.s32 @!p1 $0x2A00;
	s22 =	simm.s32 $0x400;
	v0 =	vshra.s32 @!p1 v0, $0xE;
	[tilespmem:$0x2860] =	vst @!p1 v1  }
.LBB2_2:
0x71: {  	[tilespmem:$0x2960] =	vst @!p1 v0;
	s24 =	smov.u32 s22;
	s22 =	sadd.s32 $0x400, s22  }
0x72: {  	p0 =	sne.s32 s22, $0xA000;
	v0 =	vld @!p1 [tilespmem:s23+$0x170];
	_ =	sdelay $0x4  }
0x73: {  	v1 =	vand.u32 @!p1 $0x3FFF, v0;
	v0 =	vshra.s32 @!p1 v0, $0xE  }
0x74: {  	[tilespmem:$0x2870] =	vst @!p1 v1  }
0x75: {  	[tilespmem:$0x2970] =	vst @!p1 v0  }
0x76: {  	[tilespmem:s28], [sflag:$0x1] =	stream.indirect.gather @!p1 [hbm4b:s4+s25], $0x80, s26, s25, $0xb8;
	[tilespmem:$0x1EA00] =	vst v63  }
0x77: {  	_ =	swait.ge [sflag:s19], $0x4000  }
0x78: {  	[sflag:s19] =	ssyncset.done $0x0  }
0x79: {  	[sflag:s19] =	ssyncadd.s32 $0xFFFFC000  }
0x7a: {  	[spmem:s2] =	stream.indirect.scatter.add.f32 [tilespmem:s16], [sflag:$0x3], $0x80, s20, s12, $0xb8;
	[tilespmem:$0x1EA00] =	vst v63  }
0x7b: {  	_ =	swait.ge [sflag:s9], $0x4000  }
0x7c: {  	[sflag:s9] =	ssyncset.done $0x0  }
0x7d: {  	s23 =	sshra.s32 s24, $0x2;
	[sflag:s9] =	ssyncadd.s32 $0xFFFFC000  }
0x7e: {  	v0 =	vld [tilespmem:s23+$0x80];
	_ =	sdelay $0x4  }
0x7f: {  	v1 =	vand.u32 $0x3FFF, v0;
	v0 =	vshra.s32 v0, $0xE  }
0x80: {  	[tilespmem:$0x2880] =	vst v1  }
0x81: {  	[tilespmem:$0x2980] =	vst v0  }
0x82: {  	v0 =	vld [tilespmem:s23+$0x90];
	_ =	sdelay $0x4  }
0x83: {  	v1 =	vand.u32 $0x3FFF, v0;
	v0 =	vshra.s32 v0, $0xE  }
0x84: {  	[tilespmem:$0x2890] =	vst v1  }
0x85: {  	[tilespmem:$0x2990] =	vst v0  }
0x86: {  	v0 =	vld [tilespmem:s23+$0xA0];
	_ =	sdelay $0x4  }
0x87: {  	v1 =	vand.u32 $0x3FFF, v0;
	v0 =	vshra.s32 v0, $0xE  }
0x88: {  	[tilespmem:$0x28A0] =	vst v1  }
0x89: {  	[tilespmem:$0x29A0] =	vst v0  }
0x8a: {  	v0 =	vld [tilespmem:s23+$0xB0];
	_ =	sdelay $0x4  }
0x8b: {  	v1 =	vand.u32 $0x3FFF, v0;
	v0 =	vshra.s32 v0, $0xE  }
0x8c: {  	[tilespmem:$0x28B0] =	vst v1  }
0x8d: {  	[tilespmem:$0x29B0] =	vst v0  }
0x8e: {  	v0 =	vld [tilespmem:s23+$0xC0];
	_ =	sdelay $0x4  }
0x8f: {  	v1 =	vand.u32 $0x3FFF, v0;
	v0 =	vshra.s32 v0, $0xE  }
0x90: {  	[tilespmem:$0x28C0] =	vst v1  }
0x91: {  	[tilespmem:$0x29C0] =	vst v0  }
0x92: {  	v0 =	vld [tilespmem:s23+$0xD0];
	_ =	sdelay $0x4  }
0x93: {  	v1 =	vand.u32 $0x3FFF, v0;
	v0 =	vshra.s32 v0, $0xE  }
0x94: {  	[tilespmem:$0x28D0] =	vst v1  }
0x95: {  	[tilespmem:$0x29D0] =	vst v0  }
0x96: {  	v0 =	vld [tilespmem:s23+$0xE0];
	_ =	sdelay $0x4  }
0x97: {  	v1 =	vand.u32 $0x3FFF, v0;
	v0 =	vshra.s32 v0, $0xE  }
0x98: {  	[tilespmem:$0x28E0] =	vst v1  }
0x99: {  	[tilespmem:$0x29E0] =	vst v0  }
0x9a: {  	v0 =	vld [tilespmem:s23+$0xF0];
	_ =	sdelay $0x4  }
0x9b: {  	v1 =	vand.u32 $0x3FFF, v0;
	v0 =	vshra.s32 v0, $0xE  }
0x9c: {  	p1 =	seq.s32 s24, $0x9C00;
	[tilespmem:$0x28F0] =	vst v1  }
0x9d: {  	s23 =	sshra.s32 @!p1 s24, $0x2;
	[tilespmem:$0x29F0] =	vst v0  }
0x9e: {  	[tilespmem:s16], [sflag:$0x2] =	stream.indirect.gather [hbm4b:s4+s12], $0x80, s15, s12, $0xb8;
	[tilespmem:$0x1EA00] =	vst v63  }
0x9f: {  	_ =	swait.ge [sflag:s17], $0x4000  }
0xa0: {  	[sflag:s17] =	ssyncset.done $0x0  }
0xa1: {  	[sflag:s17] =	ssyncadd.s32 $0xFFFFC000  }
0xa2: {  	[spmem:s2] =	stream.indirect.scatter.add.f32 [tilespmem:s14], [sflag:$0x3], $0x80, s18, s12, $0xb8;
	[tilespmem:$0x1EA00] =	vst v63  }
0xa3: {  	_ =	swait.ge [sflag:s9], $0x4000  }
0xa4: {  	[sflag:s9] =	ssyncset.done $0x0  }
0xa5: {  	[sflag:s9] =	ssyncadd.s32 $0xFFFFC000  }
0xa6: {  	v0 =	vld @!p1 [tilespmem:s23+$0x100];
	_ =	sdelay $0x4  }
0xa7: {  	v1 =	vand.u32 @!p1 $0x3FFF, v0;
	v0 =	vshra.s32 @!p1 v0, $0xE  }
0xa8: {  	[tilespmem:$0x2800] =	vst @!p1 v1  }
0xa9: {  	[tilespmem:$0x2900] =	vst @!p1 v0  }
0xaa: {  	v0 =	vld @!p1 [tilespmem:s23+$0x110];
	_ =	sdelay $0x4  }
0xab: {  	v1 =	vand.u32 @!p1 $0x3FFF, v0;
	v0 =	vshra.s32 @!p1 v0, $0xE  }
0xac: {  	[tilespmem:$0x2810] =	vst @!p1 v1  }
0xad: {  	[tilespmem:$0x2910] =	vst @!p1 v0  }
0xae: {  	v0 =	vld @!p1 [tilespmem:s23+$0x120];
	_ =	sdelay $0x4  }
0xaf: {  	v1 =	vand.u32 @!p1 $0x3FFF, v0;
	v0 =	vshra.s32 @!p1 v0, $0xE  }
0xb0: {  	[tilespmem:$0x2820] =	vst @!p1 v1  }
0xb1: {  	[tilespmem:$0x2920] =	vst @!p1 v0  }
0xb2: {  	v0 =	vld @!p1 [tilespmem:s23+$0x130];
	_ =	sdelay $0x4  }
0xb3: {  	v1 =	vand.u32 @!p1 $0x3FFF, v0;
	v0 =	vshra.s32 @!p1 v0, $0xE  }
0xb4: {  	[tilespmem:$0x2830] =	vst @!p1 v1  }
0xb5: {  	[tilespmem:$0x2930] =	vst @!p1 v0  }
0xb6: {  	v0 =	vld @!p1 [tilespmem:s23+$0x140];
	_ =	sdelay $0x4  }
0xb7: {  	v1 =	vand.u32 @!p1 $0x3FFF, v0;
	v0 =	vshra.s32 @!p1 v0, $0xE  }
0xb8: {  	[tilespmem:$0x2840] =	vst @!p1 v1  }
0xb9: {  	[tilespmem:$0x2940] =	vst @!p1 v0  }
0xba: {  	v0 =	vld @!p1 [tilespmem:s23+$0x150];
	_ =	sdelay $0x4  }
0xbb: {  	v1 =	vand.u32 @!p1 $0x3FFF, v0;
	v0 =	vshra.s32 @!p1 v0, $0xE  }
0xbc: {  	[tilespmem:$0x2850] =	vst @!p1 v1  }
0xbd: {  	s25 =	simm.s32 @!p1 $0x80;
	s26 =	simm.s32 @!p1 $0x2800;
	s28 =	simm.s32 @!p1 $0x2A00;
	[tilespmem:$0x2950] =	vst @!p1 v0  }
0xbe: {  	v0 =	vld @!p1 [tilespmem:s23+$0x160];
	_ =	sdelay $0x1  }
.Ltmp0:
0xbf: {  	(pc) =	sbr.rel @p0 .LBB2_2-.Ltmp0, $3  }
0xc0: {  	_ =	sdelay $0x1  }
0xc1: {  	v1 =	vand.u32 @!p1 $0x3FFF, v0;
	v0 =	vshra.s32 @!p1 v0, $0xE  }
0xc2: {  	[tilespmem:$0x2860] =	vst @!p1 v1  }
0xc3: {  	[tilespmem:$0x2960] =	vst @!p1 v0  }
0xc4: {  	v0 =	vld @!p1 [tilespmem:s23+$0x170];
	_ =	sdelay $0x4  }
0xc5: {  	v1 =	vand.u32 @!p1 $0x3FFF, v0  }
0xc6: {  	v0 =	vshra.s32 @!p1 v0, $0xE;
	[tilespmem:$0x2870] =	vst @!p1 v1  }
0xc7: {  	[tilespmem:$0x2970] =	vst @!p1 v0  }
0xc8: {  	[tilespmem:s28], [sflag:$0x1] =	stream.indirect.gather @!p1 [hbm4b:s4+s25], $0x80, s26, s25, $0xb8;
	[tilespmem:$0x1EA00] =	vst v63  }
0xc9: {  	_ =	swait.ge [sflag:s19], $0x4000  }
0xca: {  	[sflag:s19] =	ssyncset.done $0x0  }
0xcb: {  	[sflag:s19] =	ssyncadd.s32 $0xFFFFC000  }
0xcc: {  	[spmem:s2] =	stream.indirect.scatter.add.f32 [tilespmem:s16], [sflag:$0x3], $0x80, s20, s12, $0xb8;
	[tilespmem:$0x1EA00] =	vst v63  }
0xcd: {  	_ =	swait.ge [sflag:s9], $0x4000  }
0xce: {  	s21 =	sadd.s32 $0x1, s21;
	[sflag:s9] =	ssyncset.done $0x0  }
0xcf: {  	p0 =	sne.s32 s21, s8;
	[sflag:s9] =	ssyncadd.s32 $0xFFFFC000  }
.Ltmp1:
0xd0: {  	[bflag:$0x0] =	sbarrier.arrive $0xFFFF;
	(pc) =	sbr.rel @p0 .LBB2_1-.Ltmp1, $4  }
0xd1: {  	[hbm:s7], [sflag:s10] =	dma.local [spmem:s11], $0x2800  }
0xd2: {  	_ =	swait.ge [sflag:s9], $0x2800  }
0xd3: {  	[sflag:s9] =	ssyncset.done $0x0  }
0xd4: {  	[sflag:s9] =	ssyncadd.s32 $0xFFFFD800  }
0xd5: {  	_ =	sfence.sel $0x180000  }
0xd6: {  	[bflag:$0x0] =	sbarrier.arrive $0xFFFF  }
0xd7: {  	p0 =	sne.s32 s0, $0x0;
	_ =	strace $0x9000004A  }
0xd8: {  	s0 =	sadd.s32 @!p0 $0x100000, s1;
	[bflag:$0x2] =	sbarrier.arrive $0xFFFF  }
0xd9: {  	[sflag:s0] =	ssyncadd.tile.s32 @!p0 $0x1;
	_ =	shalt  }
.Lfunc_end2:
_tile_overlayer_lowered:
.L_overlay_start_2:
0xda: {  	(tag) =	ssettag $0x2  }
0xdb: {  	s0 =	rddreg [dreg:$0x0];
	s2 =	stileid.u32  }
0xdc: {  	s1 =	rddreg [dreg:$0x1];
	p0 =	sne.s32 s2, $0x0  }
0xdd: {  	s3 =	rddreg [dreg:$0x2];
	[bflag:$0x3] =	sbarrier.arrive $0xFFFF;
	s2 =	simm.s32 @!p0 $0x1C03  }
0xde: {  	[timem:s3], [sflag:s2] =	dma.local @!p0 [hbm:s0], s1  }
0xdf: {  	s0 =	simm.s32 @!p0 $0x3  }
0xe0: {  	_ =	swait.ge @!p0 [sflag:s0], s1  }
0xe1: {  	s1 =	ssub.s32 @!p0 $0x0, s1;
	[sflag:s0] =	ssyncset.done @!p0 $0x0  }
0xe2: {  	[sflag:s0] =	ssyncadd.s32 @!p0 s1  }
0xe3: {  	[bflag:$0x3] =	sbarrier.arrive $0xFFFF  }
0xe4: {  	_ =	shalt  }

// kernel: kernel.15.cloned.1.call-start
scs
__scs_entry_jumppad:
0x0: {  	(pc) =	sbr.rel $0x88, $3  }
0x1: {  	(tag) =	ssettag $0x0;
	lr =	simm.s32 $0x1  }
0x2: {  	[smem:$0x3F9B] =	sst lr;
	_ =	strace $0xD0000000  }
0x3: {  	_ = 	snop  }
0x4: {  	_ = 	snop  }
0x5: {  	_ = 	snop  }
0x6: {  	_ = 	snop  }
0x7: {  	_ = 	snop  }
__scs_overlays_trampoline_lowered:
0x8: {  	[smem:$0x3FAA] =	sst s0  }
0x9: {  	[smem:$0x3FAB] =	sst s1  }
0xa: {  	[smem:$0x3FAC] =	sst s2  }
0xb: {  	[smem:$0x3FAD] =	sst s3  }
0xc: {  	[smem:$0x3FAE] =	sst s4  }
0xd: {  	[smem:$0x3FAF] =	sst s5  }
0xe: {  	[smem:$0x3FB0] =	sst s6  }
0xf: {  	[smem:$0x3FB1] =	sst s7  }
0x10: {  	[smem:$0x3FB2] =	sst s8  }
0x11: {  	[smem:$0x3FB3] =	sst s9;
	s0 =	simm.s32 @!p0 $0x0  }
0x12: {  	s1 =	sld [smem:$0x3F99];
	s0 =	simm.s32 @p0 $0x1  }
0x13: {  	[smem:$0x3FB4] =	sst s0;
	s0 =	simm.s32 @!p1 $0x0  }
0x14: {  	s2 =	sld [smem:$0x3F98];
	s0 =	simm.s32 @p1 $0x1  }
0x15: {  	[smem:$0x3FB5] =	sst s0;
	s0 =	simm.s32 @!p2 $0x0  }
0x16: {  	s3 =	sld [smem:$0x3FDB];
	s0 =	simm.s32 @p2 $0x1  }
0x17: {  	s4 =	simm.s32 $0x1BF5;
	[smem:$0x3FB7] =	sst s0  }
0x18: {  	s0 =	sld [smem:$0x3F9A];
	_ =	swait.ge [sflag:s4], $0x0  }
0x19: {  	s7 =	sld [smem:$0x3F9B]  }
0x1a: {  	s8 =	sadd.s32 $0xFFFFE003, lr  }
0x1b: {  	s9 =	sadd.s32 $0xFFFFFEF7, lr;
	s5 =	simm.s32 $0xFFFFFFFF;
	p2 =	slt.u32 s8, $0xFFFFF086  }
0x1c: {  	p1 =	slt.u32 s9, $0xF7A;
	s5 =	simm.s32 @!p2 $0x0  }
0x1d: {  	s5 =	simm.s32 @p1 $0x1;
	p0 =	seq.s32 s7, s2  }
0x1e: {  	s7 =	smul.u32 @!p0 $0xF7A, s2;
	p2 =	seq.s32 @!p0 s5, $0x0  }
0x1f: {  	s9 =	smul.u32 $0xF7A, s1;
	s8 =	simm.s32 @!p0 $0x1BF5;
	p2 =	por !p2, p0  }
0x20: {  	[sflag:s8] =	ssyncset.s32 @!p0 $0xFFFFF086;
	s6 =	sadd.s32 @!p0 s3, s7;
	s7 =	simm.s32 @!p0 $0x108  }
0x21: {  	s3 =	sadd.s32 s3, s9;
	s6 =	sadd.s32 @!p0 $0x88, s6;
	s7 =	simm.s32 @p2 $0x1082  }
0x22: {  	[simem:s7], [sflag:s8] =	dma.local @!p0 [hbm:s6], $0xF7A  }
0x23: {  	s9 =	sor.u32 $0xD0000000, s2;
	s6 =	simm.s32 $0x108;
	_ =	swait.ge @!p0 [sflag:s8], $0x0  }
0x24: {  	s3 =	sadd.s32 $0x88, s3;
	s6 =	simm.s32 @!p1 $0x1082;
	[sflag:s4] =	ssyncset.s32 $0xFFFFF086  }
0x25: {  	[simem:s6], [sflag:s4] =	dma.local [hbm:s3], $0xF7A  }
0x26: {  	[smem:$0x3F9B] =	sst s1;
	(tag) =	ssettag s2;
	_ =	strace s9  }
0x27: {  	s1 =	sld [smem:$0x3FAB]  }
0x28: {  	s2 =	sld [smem:$0x3FAC]  }
0x29: {  	s4 =	sld [smem:$0x3FAE]  }
0x2a: {  	p0 =	seq.s32 s5, $0x0;
	s5 =	sld [smem:$0x3FAF]  }
0x2b: {  	s6 =	sld [smem:$0x3FB0]  }
0x2c: {  	s7 =	sld [smem:$0x3FB1]  }
0x2d: {  	s3 =	simm.s32 $0x108;
	s8 =	sld [smem:$0x3FB2]  }
0x2e: {  	s3 =	simm.s32 @!p0 $0x1082;
	s9 =	sld [smem:$0x3FB3]  }
0x2f: {  	lr =	sadd.s32 s0, s3;
	s0 =	sld [smem:$0x3FAA]  }
0x30: {  	s3 =	sld [smem:$0x3FAD]  }
0x31: {  	[smem:$0x3FB6] =	sst s10  }
0x32: {  	s10 =	sld [smem:$0x3FB4];
	_ =	sdelay $0x3  }
0x33: {  	p0 =	seq.s32 s10, $0x1;
	s10 =	sld [smem:$0x3FB6];
	_ =	sdelay $0x3  }
0x34: {  	[smem:$0x3FB6] =	sst s10  }
0x35: {  	s10 =	sld [smem:$0x3FB5];
	_ =	sdelay $0x3  }
0x36: {  	p1 =	seq.s32 s10, $0x1;
	s10 =	sld [smem:$0x3FB6];
	_ =	sdelay $0x3  }
0x37: {  	[smem:$0x3FB6] =	sst s10  }
0x38: {  	s10 =	sld [smem:$0x3FB7]  }
0x39: {  	_ = 	snop;
	(pc) =	sbr.ind lr, $3  }
0x3a: {  	_ = 	snop  }
0x3b: {  	_ = 	snop  }
0x3c: {  	p2 =	seq.s32 s10, $0x1;
	s10 =	sld [smem:$0x3FB6]  }
0x3d: {  	_ =	shalt  }
0x3e: {  	_ =	shalt  }
0x3f: {  	_ =	shalt  }
0x40: {  	_ =	shalt  }
0x41: {  	_ =	shalt  }
0x42: {  	_ =	shalt  }
0x43: {  	_ =	shalt  }
0x44: {  	_ =	shalt  }
0x45: {  	_ =	shalt  }
0x46: {  	_ =	shalt  }
0x47: {  	_ =	shalt  }
0x48: {  	_ =	shalt  }
0x49: {  	_ =	shalt  }
0x4a: {  	_ =	shalt  }
0x4b: {  	_ =	shalt  }
0x4c: {  	_ =	shalt  }
0x4d: {  	_ =	shalt  }
0x4e: {  	_ =	shalt  }
0x4f: {  	_ =	shalt  }
0x50: {  	_ =	shalt  }
0x51: {  	_ =	shalt  }
0x52: {  	_ =	shalt  }
0x53: {  	_ =	shalt  }
0x54: {  	_ =	shalt  }
0x55: {  	_ =	shalt  }
0x56: {  	_ =	shalt  }
0x57: {  	_ =	shalt  }
0x58: {  	_ =	shalt  }
0x59: {  	_ =	shalt  }
0x5a: {  	_ =	shalt  }
0x5b: {  	_ =	shalt  }
0x5c: {  	_ =	shalt  }
0x5d: {  	_ =	shalt  }
0x5e: {  	_ =	shalt  }
0x5f: {  	_ =	shalt  }
0x60: {  	_ =	shalt  }
0x61: {  	_ =	shalt  }
0x62: {  	_ =	shalt  }
0x63: {  	_ =	shalt  }
0x64: {  	_ =	shalt  }
0x65: {  	_ =	shalt  }
0x66: {  	_ =	shalt  }
0x67: {  	_ =	shalt  }
0x68: {  	_ =	shalt  }
0x69: {  	_ =	shalt  }
0x6a: {  	_ =	shalt  }
0x6b: {  	_ =	shalt  }
0x6c: {  	_ =	shalt  }
0x6d: {  	_ =	shalt  }
0x6e: {  	_ =	shalt  }
0x6f: {  	_ =	shalt  }
0x70: {  	_ =	shalt  }
0x71: {  	_ =	shalt  }
0x72: {  	_ =	shalt  }
0x73: {  	_ =	shalt  }
0x74: {  	_ =	shalt  }
0x75: {  	_ =	shalt  }
0x76: {  	_ =	shalt  }
0x77: {  	_ =	shalt  }
0x78: {  	_ =	shalt  }
0x79: {  	_ =	shalt  }
0x7a: {  	_ =	shalt  }
0x7b: {  	_ =	shalt  }
0x7c: {  	_ =	shalt  }
0x7d: {  	_ =	shalt  }
0x7e: {  	_ =	shalt  }
0x7f: {  	_ =	shalt  }
0x80: {  	_ =	shalt  }
0x81: {  	_ =	shalt  }
0x82: {  	_ =	shalt  }
0x83: {  	_ =	shalt  }
0x84: {  	_ =	shalt  }
0x85: {  	_ =	shalt  }
0x86: {  	_ =	shalt  }
0x87: {  	_ =	shalt  }
.Lfunc_end0:
.L_simem_size_0:
called_computation.2_lowered:
.L_overlay_start_0:
0x88: {  	s2 =	sld [smem:$0x3FD9]  }
0x89: {  	s3 =	sld [smem:$0x3FFE];
	_ =	sdelay $0x1  }
0x8a: {  	s1 =	srdreg.scid  }
0x8b: {  	s0 =	sand.u32 $0x1, s1  }
0x8c: {  	s16 =	sshll.u32 s0, $0xA;
	s2 =	sadd.s32 s3, s2  }
0x8d: {  	s2 =	sadd.s32 s2, s16  }
0x8e: {  	[smem:$0x3FC2] =	sst s2  }
0x8f: {  	_ = 	snop  }
0x90: {  	(tm) =	ssettm $0x1  }
0x91: {  	s17 =	sld [smem:$0x3FFB];
	_ =	sdelay $0x3  }
0x92: {  	_ =	strace s17  }
0x93: {  	s2 =	sld [smem:$0x3FFC];
	_ =	sdelay $0x3  }
0x94: {  	_ =	strace s2  }
0x95: {  	s2 =	sld [smem:$0x3FFD];
	_ =	sdelay $0x3  }
0x96: {  	_ =	strace s2  }
0x97: {  	_ =	strace $0x8FFFFFFF  }
0x98: {  	s18 =	sld [smem:$0x3FDB];
	_ =	sdelay $0x1  }
0x99: {  	s19 =	simm.s32 $_scs_section_size  }
0x9a: {  	s4 =	simm.s32 $_size__tile_overlayer_lowered;
	s5 =	simm.s32 $_tile_overlayer_lowered  }
0x9b: {  	s22 =	simm.s32 $0x1BFF;
	s21 =	sshll.u32 s5, $0x1;
	s2 =	sadd.s32 s19, s18  }
0x9c: {  	s6 =	simm.s32 $0x0;
	s20 =	sshll.u32 s4, $0x1;
	s4 =	sadd.s32 s21, s2  }
0x9d: {  	[timem:s6], [sflag:s22] =	dma.local [hbm:s4], s20  }
0x9e: {  	_ =	swait.ge [sflag:s22], s20  }
0x9f: {  	s3 =	ssub.s32 $0x0, s20;
	[sflag:s22] =	ssyncset.done $0x0  }
0xa0: {  	[sflag:s22] =	ssyncadd.s32 s3;
	_ =	sdelay $0x1  }
0xa1: {  	s23 =	simm.s32 $0x1B8B  }
0xa2: {  	_ =	swait.ge [sflag:s23], $0x1  }
0xa3: {  	[sflag:s23] =	ssyncset.done $0x0  }
0xa4: {  	s25 =	simm.s32 $0x1B8E;
	s24 =	sld [smem:$0x3FFE];
	[sflag:s23] =	ssyncadd.s32 $0xFFFFFFFF  }
0xa5: {  	s26 =	simm.s32 $execute0_lowered;
	[smem:$0x3FD2] =	sst s25  }
0xa6: {  	s4 =	sshll.u32 s26, $0x1;
	_ =	strace $0x8000004C;
	[dreg:$0x1] =	wrdreg $0xFFFFFFFF  }
0xa7: {  	s28 =	simm.s32 $_size_execute0_lowered;
	s2 =	sadd.s32 s2, s4;
	[dreg:$0x0] =	wrdreg $0x0  }
0xa8: {  	s4 =	sshll.u32 s28, $0x1;
	[dreg:$0x2] =	wrdreg s2  }
0xa9: {  	[dreg:$0x3] =	wrdreg s4  }
0xaa: {  	[dreg:$0x4] =	wrdreg $0xC0  }
0xab: {  	_ =	task [dreg:s6], $0x5FFFF  }
0xac: {  	[dreg:$0x1] =	wrdreg $0xFFFFFFFF  }
0xad: {  	[dreg:$0x0] =	wrdreg $0x60  }
0xae: {  	[dreg:$0x2] =	wrdreg s24  }
0xaf: {  	[dreg:$0x3] =	wrdreg $0x6A000  }
0xb0: {  	[dreg:$0x4] =	wrdreg $0x9  }
0xb1: {  	_ =	task.clear_ibuf [dreg:s6], $0x5FFFF;
	_ =	strace $0x9000004C  }
0xb2: {  	s29 =	simm.s32 $0x9;
	_ =	strace $0x8000004E  }
0xb3: {  	_ =	swait.ge [sflag:s29], $0x1  }
0xb4: {  	[sflag:s29] =	ssyncadd.s32 $0xFFFFFFFF  }
0xb5: {  	_ =	strace $0x9000004E  }
0xb6: {  	_ =	sfence  }
0xb7: {  	s30 =	sld [smem:$0x0];
	_ =	sdelay $0x2  }
0xb8: {  	s31 =	sshll.u32 s1, $0xD;
	s1 =	sshrl.u32 s1, $0x2  }
0xb9: {  	s3 =	sand.u32 $0x4000, s31;
	s1 =	sadd.s32 s1, s30  }
0xba: {  	s0 =	sor.u32 s3, s0;
	s1 =	sshll.u32 s1, $0x11  }
0xbb: {  	s0 =	sor.u32 s1, s0  }
0xbc: {  	s0 =	sadd.s32 $0x8F2B, s0  }
0xbd: {  	[sflag:s0] =	ssyncadd.remote.s32 $0x1  }
0xbe: {  	_ =	sfence.sel $0xFFFF  }
0xbf: {  	[dreg:$0x0] =	wrdreg $0xFFFFFFFF;
	(pc) =	sbr.abs _section_cstart, $3  }
0xc0: {  	[dreg:$0x1] =	wrdreg $0xFFFFFFFF  }
0xc1: {  	_ =	task.clear_ibuf [dreg:s6], $0x2FFFF;
	_ =	strace $0x9FFFFFFF  }
0xc2: {  	(tm) =	ssettm $0x7FFFFFFF  }
0xc3: {  	_ =	shalt  }
tec
execute0_lowered:
.L_overlay_start_1:
0x0: {  	(tag) =	ssettag $0x1  }
0x1: {  	s6 =	rddreg [dreg:$0x0]  }
0x2: {  	s0 =	srdreg.scid;
	s2 =	rddreg [dreg:$0x1];
	s3 =	simm.s32 $0x0  }
0x3: {  	s13 =	simm.s32 $0x2800;
	s14 =	simm.s32 $0x2A00;
	s15 =	simm.s32 $0x2880  }
0x4: {  	s16 =	simm.s32 $0x4A00;
	s17 =	simm.s32 $0x1;
	s18 =	simm.s32 $0x2900  }
0x5: {  	s19 =	simm.s32 $0x2;
	s20 =	simm.s32 $0x2980;
	s21 =	simm.s32 $0x0  }
0x6: {  	s5 =	sand.u32 $0x1, s0;
	s0 =	stileid.u32;
	[smem:$0x7FF] =	sst s3  }
0x7: {  	s4 =	sadd.s32 $0xBC00, s6;
	s1 =	sshll.u32 s5, $0x4;
	s8 =	smul.u32 $0xA000, s0  }
0x8: {  	s9 =	smul.u32 $0xA0000, s5;
	s5 =	ssub.s32 $0x2, s5;
	s1 =	sor.u32 s0, s1  }
0x9: {  	s31 =	sshll.u32 s0, $0x6;
	s11 =	sshrl.u32 s5, $0x1;
	s7 =	smul.u32 $0x500, s1  }
0xa: {  	s1 =	rddreg [dreg:$0x2];
	_ =	strace $0x8000004D;
	s10 =	sshrl.u32 s8, $0x3  }
0xb: {  	s9 =	sadd.s32 s8, s9;
	s11 =	ssub.s32 s5, s11;
	s12 =	sadd.s32 s8, s2  }
0xc: {  	s10 =	sadd.s32 s10, s6;
	s9 =	sshrl.u32 s9, $0x3;
	s8 =	smax.u32 s11, $0x1  }
0xd: {  	s11 =	sshrl.u32 s12, $0x3;
	s12 =	simm.s32 $0x80;
	s7 =	sadd.s32 s7, s6  }
0xe: {  	s9 =	sadd.s32 s9, s6;
	s6 =	sadd.s32 $0x1FC00, s10;
	s10 =	sor.u32 $0x1C03, s31  }
0xf: {  	s5 =	sadd.s32 $0x1C00, s7;
	s7 =	sadd.s32 $0x33C00, s9;
	s9 =	simm.s32 $0x3  }
.LBB2_1:
0x10: {  	[tilespmem:s3], [sflag:$0x3] =	stream.linear.gather [hbm4b:s5+s3], $0x2800, $0x38;
	[tilespmem:$0x10A00] =	vst v63  }
0x11: {  	_ =	swait.ge [sflag:s9], $0x2800  }
0x12: {  	[sflag:s9] =	ssyncset.done $0x0  }
0x13: {  	[sflag:s9] =	ssyncadd.s32 $0xFFFFD800  }
0x14: {  	[spmem:s11], [sflag:s10] =	dma.local [hbm:s6], $0x1400  }
0x15: {  	_ =	swait.ge [sflag:s9], $0x1400  }
0x16: {  	[sflag:s9] =	ssyncset.done $0x0  }
0x17: {  	[sflag:s9] =	ssyncadd.s32 $0xFFFFEC00  }
0x18: {  	[bflag:$0x0] =	sbarrier.arrive $0xFFFF  }
0x19: {  	v0 =	vld [tilespmem:$0x0];
	_ =	sdelay $0x1  }
0x1a: {  	v1 =	vld [tilespmem:$0x10];
	_ =	sdelay $0x1  }
0x1b: {  	v2 =	vld [tilespmem:$0x20]  }
0x1c: {  	v3 =	vand.u32 $0x3FFF, v0  }
0x1d: {  	v0 =	vshra.s32 v0, $0xE;
	[tilespmem:$0x2800] =	vst v3;
	v3 =	vld [tilespmem:$0x30]  }
0x1e: {  	[tilespmem:$0x2900] =	vst v0;
	v0 =	vand.u32 $0x3FFF, v1  }
0x1f: {  	[tilespmem:$0x2810] =	vst v0;
	v0 =	vshra.s32 v1, $0xE;
	v1 =	vld [tilespmem:$0x40]  }
0x20: {  	[tilespmem:$0x2910] =	vst v0;
	v0 =	vand.u32 $0x3FFF, v2  }
0x21: {  	[tilespmem:$0x2820] =	vst v0;
	v0 =	vshra.s32 v2, $0xE;
	v2 =	vld [tilespmem:$0x50]  }
0x22: {  	[tilespmem:$0x2920] =	vst v0;
	v0 =	vand.u32 $0x3FFF, v3  }
0x23: {  	[tilespmem:$0x2830] =	vst v0;
	v0 =	vshra.s32 v3, $0xE;
	v3 =	vld [tilespmem:$0x60]  }
0x24: {  	[tilespmem:$0x2930] =	vst v0;
	v0 =	vand.u32 $0x3FFF, v1  }
0x25: {  	[tilespmem:$0x2840] =	vst v0;
	v0 =	vshra.s32 v1, $0xE;
	v1 =	vld [tilespmem:$0x70]  }
0x26: {  	[tilespmem:$0x2940] =	vst v0;
	v0 =	vand.u32 $0x3FFF, v2  }
0x27: {  	[tilespmem:$0x2850] =	vst v0;
	v0 =	vshra.s32 v2, $0xE  }
0x28: {  	[tilespmem:$0x2950] =	vst v0;
	v0 =	vand.u32 $0x3FFF, v3  }
0x29: {  	[tilespmem:$0x2860] =	vst v0;
	v0 =	vshra.s32 v3, $0xE  }
0x2a: {  	[tilespmem:$0x2960] =	vst v0;
	v0 =	vand.u32 $0x3FFF, v1  }
0x2b: {  	[tilespmem:$0x2870] =	vst v0;
	v0 =	vshra.s32 v1, $0xE  }
0x2c: {  	s22 =	simm.s32 $0x0;
	[tilespmem:$0x2970] =	vst v0  }
0x2d: {  	[tilespmem:s14], [sflag:$0x1] =	stream.indirect.gather [hbm4b:s4+s12], $0x40, s13, s12, $0xb8;
	[tilespmem:$0x10A00] =	vst v63  }
0x2e: {  	v0 =	vld [tilespmem:s22+$0x80];
	_ =	sdelay $0x4  }
0x2f: {  	v1 =	vand.u32 $0x3FFF, v0  }
0x30: {  	v0 =	vshra.s32 v0, $0xE;
	[tilespmem:$0x2880] =	vst v1  }
0x31: {  	[tilespmem:$0x2980] =	vst v0  }
0x32: {  	v0 =	vld [tilespmem:s22+$0x90];
	_ =	sdelay $0x4  }
0x33: {  	v1 =	vand.u32 $0x3FFF, v0  }
0x34: {  	v0 =	vshra.s32 v0, $0xE;
	[tilespmem:$0x2890] =	vst v1  }
0x35: {  	[tilespmem:$0x2990] =	vst v0  }
0x36: {  	v0 =	vld [tilespmem:s22+$0xA0];
	_ =	sdelay $0x4  }
0x37: {  	v1 =	vand.u32 $0x3FFF, v0  }
0x38: {  	v0 =	vshra.s32 v0, $0xE;
	[tilespmem:$0x28A0] =	vst v1  }
0x39: {  	[tilespmem:$0x29A0] =	vst v0  }
0x3a: {  	v0 =	vld [tilespmem:s22+$0xB0];
	_ =	sdelay $0x4  }
0x3b: {  	v1 =	vand.u32 $0x3FFF, v0  }
0x3c: {  	v0 =	vshra.s32 v0, $0xE;
	[tilespmem:$0x28B0] =	vst v1  }
0x3d: {  	[tilespmem:$0x29B0] =	vst v0  }
0x3e: {  	v0 =	vld [tilespmem:s22+$0xC0];
	_ =	sdelay $0x4  }
0x3f: {  	v1 =	vand.u32 $0x3FFF, v0  }
0x40: {  	v0 =	vshra.s32 v0, $0xE;
	[tilespmem:$0x28C0] =	vst v1  }
0x41: {  	[tilespmem:$0x29C0] =	vst v0  }
0x42: {  	v0 =	vld [tilespmem:s22+$0xD0];
	_ =	sdelay $0x4  }
0x43: {  	v1 =	vand.u32 $0x3FFF, v0  }
0x44: {  	v0 =	vshra.s32 v0, $0xE;
	[tilespmem:$0x28D0] =	vst v1  }
0x45: {  	[tilespmem:$0x29D0] =	vst v0  }
0x46: {  	v0 =	vld [tilespmem:s22+$0xE0];
	_ =	sdelay $0x4  }
0x47: {  	v1 =	vand.u32 $0x3FFF, v0  }
0x48: {  	v0 =	vshra.s32 v0, $0xE;
	[tilespmem:$0x28E0] =	vst v1  }
0x49: {  	[tilespmem:$0x29E0] =	vst v0  }
0x4a: {  	v0 =	vld [tilespmem:s22+$0xF0];
	_ =	sdelay $0x4  }
0x4b: {  	v1 =	vand.u32 $0x3FFF, v0  }
0x4c: {  	v0 =	vshra.s32 v0, $0xE;
	[tilespmem:$0x28F0] =	vst v1  }
0x4d: {  	[tilespmem:$0x29F0] =	vst v0  }
0x4e: {  	[tilespmem:s16], [sflag:$0x2] =	stream.indirect.gather [hbm4b:s4+s12], $0x40, s15, s12, $0xb8;
	[tilespmem:$0x10A00] =	vst v63  }
0x4f: {  	_ =	swait.ge [sflag:s17], $0x2000  }
0x50: {  	[sflag:s17] =	ssyncset.done $0x0  }
0x51: {  	[sflag:s17] =	ssyncadd.s32 $0xFFFFE000  }
0x52: {  	[spmem:s2] =	stream.indirect.scatter.add.f32 [tilespmem:s14], [sflag:$0x3], $0x40, s18, s12, $0xb8;
	[tilespmem:$0x10A00] =	vst v63  }
0x53: {  	_ =	swait.ge [sflag:s9], $0x2000  }
0x54: {  	p1 =	por $0x0, $0x0;
	[sflag:s9] =	ssyncset.done $0x0  }
0x55: {  	s23 =	simm.s32 @!p1 $0x0;
	[sflag:s9] =	ssyncadd.s32 $0xFFFFE000  }
0x56: {  	v0 =	vld @!p1 [tilespmem:s23+$0x100];
	_ =	sdelay $0x4  }
0x57: {  	v1 =	vand.u32 @!p1 $0x3FFF, v0  }
0x58: {  	v0 =	vshra.s32 @!p1 v0, $0xE;
	[tilespmem:$0x2800] =	vst @!p1 v1  }
0x59: {  	[tilespmem:$0x2900] =	vst @!p1 v0  }
0x5a: {  	v0 =	vld @!p1 [tilespmem:s23+$0x110];
	_ =	sdelay $0x4  }
0x5b: {  	v1 =	vand.u32 @!p1 $0x3FFF, v0  }
0x5c: {  	v0 =	vshra.s32 @!p1 v0, $0xE;
	[tilespmem:$0x2810] =	vst @!p1 v1  }
0x5d: {  	[tilespmem:$0x2910] =	vst @!p1 v0  }
0x5e: {  	v0 =	vld @!p1 [tilespmem:s23+$0x120];
	_ =	sdelay $0x4  }
0x5f: {  	v1 =	vand.u32 @!p1 $0x3FFF, v0  }
0x60: {  	v0 =	vshra.s32 @!p1 v0, $0xE;
	[tilespmem:$0x2820] =	vst @!p1 v1  }
0x61: {  	[tilespmem:$0x2920] =	vst @!p1 v0  }
0x62: {  	v0 =	vld @!p1 [tilespmem:s23+$0x130];
	_ =	sdelay $0x4  }
0x63: {  	v1 =	vand.u32 @!p1 $0x3FFF, v0  }
0x64: {  	v0 =	vshra.s32 @!p1 v0, $0xE;
	[tilespmem:$0x2830] =	vst @!p1 v1  }
0x65: {  	[tilespmem:$0x2930] =	vst @!p1 v0  }
0x66: {  	v0 =	vld @!p1 [tilespmem:s23+$0x140];
	_ =	sdelay $0x4  }
0x67: {  	v1 =	vand.u32 @!p1 $0x3FFF, v0  }
0x68: {  	v0 =	vshra.s32 @!p1 v0, $0xE;
	[tilespmem:$0x2840] =	vst @!p1 v1  }
0x69: {  	[tilespmem:$0x2940] =	vst @!p1 v0  }
0x6a: {  	v0 =	vld @!p1 [tilespmem:s23+$0x150];
	_ =	sdelay $0x4  }
0x6b: {  	v1 =	vand.u32 @!p1 $0x3FFF, v0  }
0x6c: {  	v0 =	vshra.s32 @!p1 v0, $0xE;
	[tilespmem:$0x2850] =	vst @!p1 v1  }
0x6d: {  	[tilespmem:$0x2950] =	vst @!p1 v0  }
0x6e: {  	v0 =	vld @!p1 [tilespmem:s23+$0x160];
	_ =	sdelay $0x4  }
0x6f: {  	s25 =	simm.s32 @!p1 $0x80;
	v1 =	vand.u32 @!p1 $0x3FFF, v0  }
0x70: {  	s26 =	simm.s32 @!p1 $0x2800;
	s28 =	simm.s32 @!p1 $0x2A00;
	s22 =	simm.s32 $0x400;
	v0 =	vshra.s32 @!p1 v0, $0xE;
	[tilespmem:$0x2860] =	vst @!p1 v1  }
.LBB2_2:
0x71: {  	[tilespmem:$0x2960] =	vst @!p1 v0;
	s24 =	smov.u32 s22;
	s22 =	sadd.s32 $0x400, s22  }
0x72: {  	p0 =	sne.s32 s22, $0xA000;
	v0 =	vld @!p1 [tilespmem:s23+$0x170];
	_ =	sdelay $0x4  }
0x73: {  	v1 =	vand.u32 @!p1 $0x3FFF, v0;
	v0 =	vshra.s32 @!p1 v0, $0xE  }
0x74: {  	[tilespmem:$0x2870] =	vst @!p1 v1  }
0x75: {  	[tilespmem:$0x2970] =	vst @!p1 v0  }
0x76: {  	[tilespmem:s28], [sflag:$0x1] =	stream.indirect.gather @!p1 [hbm4b:s4+s25], $0x40, s26, s25, $0xb8;
	[tilespmem:$0x10A00] =	vst v63  }
0x77: {  	_ =	swait.ge [sflag:s19], $0x2000  }
0x78: {  	[sflag:s19] =	ssyncset.done $0x0  }
0x79: {  	[sflag:s19] =	ssyncadd.s32 $0xFFFFE000  }
0x7a: {  	[spmem:s2] =	stream.indirect.scatter.add.f32 [tilespmem:s16], [sflag:$0x3], $0x40, s20, s12, $0xb8;
	[tilespmem:$0x10A00] =	vst v63  }
0x7b: {  	_ =	swait.ge [sflag:s9], $0x2000  }
0x7c: {  	[sflag:s9] =	ssyncset.done $0x0  }
0x7d: {  	s23 =	sshra.s32 s24, $0x2;
	[sflag:s9] =	ssyncadd.s32 $0xFFFFE000  }
0x7e: {  	v0 =	vld [tilespmem:s23+$0x80];
	_ =	sdelay $0x4  }
0x7f: {  	v1 =	vand.u32 $0x3FFF, v0;
	v0 =	vshra.s32 v0, $0xE  }
0x80: {  	[tilespmem:$0x2880] =	vst v1  }
0x81: {  	[tilespmem:$0x2980] =	vst v0  }
0x82: {  	v0 =	vld [tilespmem:s23+$0x90];
	_ =	sdelay $0x4  }
0x83: {  	v1 =	vand.u32 $0x3FFF, v0;
	v0 =	vshra.s32 v0, $0xE  }
0x84: {  	[tilespmem:$0x2890] =	vst v1  }
0x85: {  	[tilespmem:$0x2990] =	vst v0  }
0x86: {  	v0 =	vld [tilespmem:s23+$0xA0];
	_ =	sdelay $0x4  }
0x87: {  	v1 =	vand.u32 $0x3FFF, v0;
	v0 =	vshra.s32 v0, $0xE  }
0x88: {  	[tilespmem:$0x28A0] =	vst v1  }
0x89: {  	[tilespmem:$0x29A0] =	vst v0  }
0x8a: {  	v0 =	vld [tilespmem:s23+$0xB0];
	_ =	sdelay $0x4  }
0x8b: {  	v1 =	vand.u32 $0x3FFF, v0;
	v0 =	vshra.s32 v0, $0xE  }
0x8c: {  	[tilespmem:$0x28B0] =	vst v1  }
0x8d: {  	[tilespmem:$0x29B0] =	vst v0  }
0x8e: {  	v0 =	vld [tilespmem:s23+$0xC0];
	_ =	sdelay $0x4  }
0x8f: {  	v1 =	vand.u32 $0x3FFF, v0;
	v0 =	vshra.s32 v0, $0xE  }
0x90: {  	[tilespmem:$0x28C0] =	vst v1  }
0x91: {  	[tilespmem:$0x29C0] =	vst v0  }
0x92: {  	v0 =	vld [tilespmem:s23+$0xD0];
	_ =	sdelay $0x4  }
0x93: {  	v1 =	vand.u32 $0x3FFF, v0;
	v0 =	vshra.s32 v0, $0xE  }
0x94: {  	[tilespmem:$0x28D0] =	vst v1  }
0x95: {  	[tilespmem:$0x29D0] =	vst v0  }
0x96: {  	v0 =	vld [tilespmem:s23+$0xE0];
	_ =	sdelay $0x4  }
0x97: {  	v1 =	vand.u32 $0x3FFF, v0;
	v0 =	vshra.s32 v0, $0xE  }
0x98: {  	[tilespmem:$0x28E0] =	vst v1  }
0x99: {  	[tilespmem:$0x29E0] =	vst v0  }
0x9a: {  	v0 =	vld [tilespmem:s23+$0xF0];
	_ =	sdelay $0x4  }
0x9b: {  	v1 =	vand.u32 $0x3FFF, v0;
	v0 =	vshra.s32 v0, $0xE  }
0x9c: {  	p1 =	seq.s32 s24, $0x9C00;
	[tilespmem:$0x28F0] =	vst v1  }
0x9d: {  	s23 =	sshra.s32 @!p1 s24, $0x2;
	[tilespmem:$0x29F0] =	vst v0  }
0x9e: {  	[tilespmem:s16], [sflag:$0x2] =	stream.indirect.gather [hbm4b:s4+s12], $0x40, s15, s12, $0xb8;
	[tilespmem:$0x10A00] =	vst v63  }
0x9f: {  	_ =	swait.ge [sflag:s17], $0x2000  }
0xa0: {  	[sflag:s17] =	ssyncset.done $0x0  }
0xa1: {  	[sflag:s17] =	ssyncadd.s32 $0xFFFFE000  }
0xa2: {  	[spmem:s2] =	stream.indirect.scatter.add.f32 [tilespmem:s14], [sflag:$0x3], $0x40, s18, s12, $0xb8;
	[tilespmem:$0x10A00] =	vst v63  }
0xa3: {  	_ =	swait.ge [sflag:s9], $0x2000  }
0xa4: {  	[sflag:s9] =	ssyncset.done $0x0  }
0xa5: {  	[sflag:s9] =	ssyncadd.s32 $0xFFFFE000  }
0xa6: {  	v0 =	vld @!p1 [tilespmem:s23+$0x100];
	_ =	sdelay $0x4  }
0xa7: {  	v1 =	vand.u32 @!p1 $0x3FFF, v0;
	v0 =	vshra.s32 @!p1 v0, $0xE  }
0xa8: {  	[tilespmem:$0x2800] =	vst @!p1 v1  }
0xa9: {  	[tilespmem:$0x2900] =	vst @!p1 v0  }
0xaa: {  	v0 =	vld @!p1 [tilespmem:s23+$0x110];
	_ =	sdelay $0x4  }
0xab: {  	v1 =	vand.u32 @!p1 $0x3FFF, v0;
	v0 =	vshra.s32 @!p1 v0, $0xE  }
0xac: {  	[tilespmem:$0x2810] =	vst @!p1 v1  }
0xad: {  	[tilespmem:$0x2910] =	vst @!p1 v0  }
0xae: {  	v0 =	vld @!p1 [tilespmem:s23+$0x120];
	_ =	sdelay $0x4  }
0xaf: {  	v1 =	vand.u32 @!p1 $0x3FFF, v0;
	v0 =	vshra.s32 @!p1 v0, $0xE  }
0xb0: {  	[tilespmem:$0x2820] =	vst @!p1 v1  }
0xb1: {  	[tilespmem:$0x2920] =	vst @!p1 v0  }
0xb2: {  	v0 =	vld @!p1 [tilespmem:s23+$0x130];
	_ =	sdelay $0x4  }
0xb3: {  	v1 =	vand.u32 @!p1 $0x3FFF, v0;
	v0 =	vshra.s32 @!p1 v0, $0xE  }
0xb4: {  	[tilespmem:$0x2830] =	vst @!p1 v1  }
0xb5: {  	[tilespmem:$0x2930] =	vst @!p1 v0  }
0xb6: {  	v0 =	vld @!p1 [tilespmem:s23+$0x140];
	_ =	sdelay $0x4  }
0xb7: {  	v1 =	vand.u32 @!p1 $0x3FFF, v0;
	v0 =	vshra.s32 @!p1 v0, $0xE  }
0xb8: {  	[tilespmem:$0x2840] =	vst @!p1 v1  }
0xb9: {  	[tilespmem:$0x2940] =	vst @!p1 v0  }
0xba: {  	v0 =	vld @!p1 [tilespmem:s23+$0x150];
	_ =	sdelay $0x4  }
0xbb: {  	v1 =	vand.u32 @!p1 $0x3FFF, v0;
	v0 =	vshra.s32 @!p1 v0, $0xE  }
0xbc: {  	[tilespmem:$0x2850] =	vst @!p1 v1  }
0xbd: {  	s25 =	simm.s32 @!p1 $0x80;
	s26 =	simm.s32 @!p1 $0x2800;
	s28 =	simm.s32 @!p1 $0x2A00;
	[tilespmem:$0x2950] =	vst @!p1 v0  }
0xbe: {  	v0 =	vld @!p1 [tilespmem:s23+$0x160];
	_ =	sdelay $0x1  }
.Ltmp0:
0xbf: {  	(pc) =	sbr.rel @p0 .LBB2_2-.Ltmp0, $3  }
0xc0: {  	_ =	sdelay $0x1  }
0xc1: {  	v1 =	vand.u32 @!p1 $0x3FFF, v0;
	v0 =	vshra.s32 @!p1 v0, $0xE  }
0xc2: {  	[tilespmem:$0x2860] =	vst @!p1 v1  }
0xc3: {  	[tilespmem:$0x2960] =	vst @!p1 v0  }
0xc4: {  	v0 =	vld @!p1 [tilespmem:s23+$0x170];
	_ =	sdelay $0x4  }
0xc5: {  	v1 =	vand.u32 @!p1 $0x3FFF, v0  }
0xc6: {  	v0 =	vshra.s32 @!p1 v0, $0xE;
	[tilespmem:$0x2870] =	vst @!p1 v1  }
0xc7: {  	[tilespmem:$0x2970] =	vst @!p1 v0  }
0xc8: {  	[tilespmem:s28], [sflag:$0x1] =	stream.indirect.gather @!p1 [hbm4b:s4+s25], $0x40, s26, s25, $0xb8;
	[tilespmem:$0x10A00] =	vst v63  }
0xc9: {  	_ =	swait.ge [sflag:s19], $0x2000  }
0xca: {  	[sflag:s19] =	ssyncset.done $0x0  }
0xcb: {  	[sflag:s19] =	ssyncadd.s32 $0xFFFFE000  }
0xcc: {  	[spmem:s2] =	stream.indirect.scatter.add.f32 [tilespmem:s16], [sflag:$0x3], $0x40, s20, s12, $0xb8;
	[tilespmem:$0x10A00] =	vst v63  }
0xcd: {  	_ =	swait.ge [sflag:s9], $0x2000  }
0xce: {  	s21 =	sadd.s32 $0x1, s21;
	[sflag:s9] =	ssyncset.done $0x0  }
0xcf: {  	p0 =	sne.s32 s21, s8;
	[sflag:s9] =	ssyncadd.s32 $0xFFFFE000  }
.Ltmp1:
0xd0: {  	[bflag:$0x0] =	sbarrier.arrive $0xFFFF;
	(pc) =	sbr.rel @p0 .LBB2_1-.Ltmp1, $4  }
0xd1: {  	[hbm:s7], [sflag:s10] =	dma.local [spmem:s11], $0x1400  }
0xd2: {  	_ =	swait.ge [sflag:s9], $0x1400  }
0xd3: {  	[sflag:s9] =	ssyncset.done $0x0  }
0xd4: {  	[sflag:s9] =	ssyncadd.s32 $0xFFFFEC00  }
0xd5: {  	_ =	sfence.sel $0x180000  }
0xd6: {  	[bflag:$0x0] =	sbarrier.arrive $0xFFFF  }
0xd7: {  	p0 =	sne.s32 s0, $0x0;
	_ =	strace $0x9000004D  }
0xd8: {  	s0 =	sadd.s32 @!p0 $0x100000, s1;
	[bflag:$0x2] =	sbarrier.arrive $0xFFFF  }
0xd9: {  	[sflag:s0] =	ssyncadd.tile.s32 @!p0 $0x1;
	_ =	shalt  }
.Lfunc_end2:
_tile_overlayer_lowered:
.L_overlay_start_2:
0xda: {  	(tag) =	ssettag $0x2  }
0xdb: {  	s0 =	rddreg [dreg:$0x0];
	s2 =	stileid.u32  }
0xdc: {  	s1 =	rddreg [dreg:$0x1];
	p0 =	sne.s32 s2, $0x0  }
0xdd: {  	s3 =	rddreg [dreg:$0x2];
	[bflag:$0x3] =	sbarrier.arrive $0xFFFF;
	s2 =	simm.s32 @!p0 $0x1C03  }
0xde: {  	[timem:s3], [sflag:s2] =	dma.local @!p0 [hbm:s0], s1  }
0xdf: {  	s0 =	simm.s32 @!p0 $0x3  }
0xe0: {  	_ =	swait.ge @!p0 [sflag:s0], s1  }
0xe1: {  	s1 =	ssub.s32 @!p0 $0x0, s1;
	[sflag:s0] =	ssyncset.done @!p0 $0x0  }
0xe2: {  	[sflag:s0] =	ssyncadd.s32 @!p0 s1  }
0xe3: {  	[bflag:$0x3] =	sbarrier.arrive $0xFFFF  }
0xe4: {  	_ =	shalt  }

// kernel: kernel.9.cloned.1.call-start
scs
__scs_entry_jumppad:
0x0: {  	(pc) =	sbr.rel $0x88, $3  }
0x1: {  	(tag) =	ssettag $0x0;
	lr =	simm.s32 $0x1  }
0x2: {  	[smem:$0x3F9B] =	sst lr;
	_ =	strace $0xD0000000  }
0x3: {  	_ = 	snop  }
0x4: {  	_ = 	snop  }
0x5: {  	_ = 	snop  }
0x6: {  	_ = 	snop  }
0x7: {  	_ = 	snop  }
__scs_overlays_trampoline_lowered:
0x8: {  	[smem:$0x3FAA] =	sst s0  }
0x9: {  	[smem:$0x3FAB] =	sst s1  }
0xa: {  	[smem:$0x3FAC] =	sst s2  }
0xb: {  	[smem:$0x3FAD] =	sst s3  }
0xc: {  	[smem:$0x3FAE] =	sst s4  }
0xd: {  	[smem:$0x3FAF] =	sst s5  }
0xe: {  	[smem:$0x3FB0] =	sst s6  }
0xf: {  	[smem:$0x3FB1] =	sst s7  }
0x10: {  	[smem:$0x3FB2] =	sst s8  }
0x11: {  	[smem:$0x3FB3] =	sst s9;
	s0 =	simm.s32 @!p0 $0x0  }
0x12: {  	s1 =	sld [smem:$0x3F99];
	s0 =	simm.s32 @p0 $0x1  }
0x13: {  	[smem:$0x3FB4] =	sst s0;
	s0 =	simm.s32 @!p1 $0x0  }
0x14: {  	s2 =	sld [smem:$0x3F98];
	s0 =	simm.s32 @p1 $0x1  }
0x15: {  	[smem:$0x3FB5] =	sst s0;
	s0 =	simm.s32 @!p2 $0x0  }
0x16: {  	s3 =	sld [smem:$0x3FDB];
	s0 =	simm.s32 @p2 $0x1  }
0x17: {  	s4 =	simm.s32 $0x1BF5;
	[smem:$0x3FB7] =	sst s0  }
0x18: {  	s0 =	sld [smem:$0x3F9A];
	_ =	swait.ge [sflag:s4], $0x0  }
0x19: {  	s7 =	sld [smem:$0x3F9B]  }
0x1a: {  	s8 =	sadd.s32 $0xFFFFE003, lr  }
0x1b: {  	s9 =	sadd.s32 $0xFFFFFEF7, lr;
	s5 =	simm.s32 $0xFFFFFFFF;
	p2 =	slt.u32 s8, $0xFFFFF086  }
0x1c: {  	p1 =	slt.u32 s9, $0xF7A;
	s5 =	simm.s32 @!p2 $0x0  }
0x1d: {  	s5 =	simm.s32 @p1 $0x1;
	p0 =	seq.s32 s7, s2  }
0x1e: {  	s7 =	smul.u32 @!p0 $0xF7A, s2;
	p2 =	seq.s32 @!p0 s5, $0x0  }
0x1f: {  	s9 =	smul.u32 $0xF7A, s1;
	s8 =	simm.s32 @!p0 $0x1BF5;
	p2 =	por !p2, p0  }
0x20: {  	[sflag:s8] =	ssyncset.s32 @!p0 $0xFFFFF086;
	s6 =	sadd.s32 @!p0 s3, s7;
	s7 =	simm.s32 @!p0 $0x108  }
0x21: {  	s3 =	sadd.s32 s3, s9;
	s6 =	sadd.s32 @!p0 $0x88, s6;
	s7 =	simm.s32 @p2 $0x1082  }
0x22: {  	[simem:s7], [sflag:s8] =	dma.local @!p0 [hbm:s6], $0xF7A  }
0x23: {  	s9 =	sor.u32 $0xD0000000, s2;
	s6 =	simm.s32 $0x108;
	_ =	swait.ge @!p0 [sflag:s8], $0x0  }
0x24: {  	s3 =	sadd.s32 $0x88, s3;
	s6 =	simm.s32 @!p1 $0x1082;
	[sflag:s4] =	ssyncset.s32 $0xFFFFF086  }
0x25: {  	[simem:s6], [sflag:s4] =	dma.local [hbm:s3], $0xF7A  }
0x26: {  	[smem:$0x3F9B] =	sst s1;
	(tag) =	ssettag s2;
	_ =	strace s9  }
0x27: {  	s1 =	sld [smem:$0x3FAB]  }
0x28: {  	s2 =	sld [smem:$0x3FAC]  }
0x29: {  	s4 =	sld [smem:$0x3FAE]  }
0x2a: {  	p0 =	seq.s32 s5, $0x0;
	s5 =	sld [smem:$0x3FAF]  }
0x2b: {  	s6 =	sld [smem:$0x3FB0]  }
0x2c: {  	s7 =	sld [smem:$0x3FB1]  }
0x2d: {  	s3 =	simm.s32 $0x108;
	s8 =	sld [smem:$0x3FB2]  }
0x2e: {  	s3 =	simm.s32 @!p0 $0x1082;
	s9 =	sld [smem:$0x3FB3]  }
0x2f: {  	lr =	sadd.s32 s0, s3;
	s0 =	sld [smem:$0x3FAA]  }
0x30: {  	s3 =	sld [smem:$0x3FAD]  }
0x31: {  	[smem:$0x3FB6] =	sst s10  }
0x32: {  	s10 =	sld [smem:$0x3FB4];
	_ =	sdelay $0x3  }
0x33: {  	p0 =	seq.s32 s10, $0x1;
	s10 =	sld [smem:$0x3FB6];
	_ =	sdelay $0x3  }
0x34: {  	[smem:$0x3FB6] =	sst s10  }
0x35: {  	s10 =	sld [smem:$0x3FB5];
	_ =	sdelay $0x3  }
0x36: {  	p1 =	seq.s32 s10, $0x1;
	s10 =	sld [smem:$0x3FB6];
	_ =	sdelay $0x3  }
0x37: {  	[smem:$0x3FB6] =	sst s10  }
0x38: {  	s10 =	sld [smem:$0x3FB7]  }
0x39: {  	_ = 	snop;
	(pc) =	sbr.ind lr, $3  }
0x3a: {  	_ = 	snop  }
0x3b: {  	_ = 	snop  }
0x3c: {  	p2 =	seq.s32 s10, $0x1;
	s10 =	sld [smem:$0x3FB6]  }
0x3d: {  	_ =	shalt  }
0x3e: {  	_ =	shalt  }
0x3f: {  	_ =	shalt  }
0x40: {  	_ =	shalt  }
0x41: {  	_ =	shalt  }
0x42: {  	_ =	shalt  }
0x43: {  	_ =	shalt  }
0x44: {  	_ =	shalt  }
0x45: {  	_ =	shalt  }
0x46: {  	_ =	shalt  }
0x47: {  	_ =	shalt  }
0x48: {  	_ =	shalt  }
0x49: {  	_ =	shalt  }
0x4a: {  	_ =	shalt  }
0x4b: {  	_ =	shalt  }
0x4c: {  	_ =	shalt  }
0x4d: {  	_ =	shalt  }
0x4e: {  	_ =	shalt  }
0x4f: {  	_ =	shalt  }
0x50: {  	_ =	shalt  }
0x51: {  	_ =	shalt  }
0x52: {  	_ =	shalt  }
0x53: {  	_ =	shalt  }
0x54: {  	_ =	shalt  }
0x55: {  	_ =	shalt  }
0x56: {  	_ =	shalt  }
0x57: {  	_ =	shalt  }
0x58: {  	_ =	shalt  }
0x59: {  	_ =	shalt  }
0x5a: {  	_ =	shalt  }
0x5b: {  	_ =	shalt  }
0x5c: {  	_ =	shalt  }
0x5d: {  	_ =	shalt  }
0x5e: {  	_ =	shalt  }
0x5f: {  	_ =	shalt  }
0x60: {  	_ =	shalt  }
0x61: {  	_ =	shalt  }
0x62: {  	_ =	shalt  }
0x63: {  	_ =	shalt  }
0x64: {  	_ =	shalt  }
0x65: {  	_ =	shalt  }
0x66: {  	_ =	shalt  }
0x67: {  	_ =	shalt  }
0x68: {  	_ =	shalt  }
0x69: {  	_ =	shalt  }
0x6a: {  	_ =	shalt  }
0x6b: {  	_ =	shalt  }
0x6c: {  	_ =	shalt  }
0x6d: {  	_ =	shalt  }
0x6e: {  	_ =	shalt  }
0x6f: {  	_ =	shalt  }
0x70: {  	_ =	shalt  }
0x71: {  	_ =	shalt  }
0x72: {  	_ =	shalt  }
0x73: {  	_ =	shalt  }
0x74: {  	_ =	shalt  }
0x75: {  	_ =	shalt  }
0x76: {  	_ =	shalt  }
0x77: {  	_ =	shalt  }
0x78: {  	_ =	shalt  }
0x79: {  	_ =	shalt  }
0x7a: {  	_ =	shalt  }
0x7b: {  	_ =	shalt  }
0x7c: {  	_ =	shalt  }
0x7d: {  	_ =	shalt  }
0x7e: {  	_ =	shalt  }
0x7f: {  	_ =	shalt  }
0x80: {  	_ =	shalt  }
0x81: {  	_ =	shalt  }
0x82: {  	_ =	shalt  }
0x83: {  	_ =	shalt  }
0x84: {  	_ =	shalt  }
0x85: {  	_ =	shalt  }
0x86: {  	_ =	shalt  }
0x87: {  	_ =	shalt  }
.Lfunc_end0:
.L_simem_size_0:
called_computation_lowered:
.L_overlay_start_0:
0x88: {  	s2 =	sld [smem:$0x3FD9]  }
0x89: {  	s3 =	sld [smem:$0x3FFE];
	_ =	sdelay $0x1  }
0x8a: {  	s1 =	srdreg.scid  }
0x8b: {  	s0 =	sand.u32 $0x1, s1  }
0x8c: {  	s17 =	sshll.u32 s0, $0xA;
	s2 =	sadd.s32 s3, s2  }
0x8d: {  	s2 =	sadd.s32 s2, s17  }
0x8e: {  	[smem:$0x3FC2] =	sst s2  }
0x8f: {  	_ = 	snop  }
0x90: {  	s2 =	sld [smem:$0x3FD0];
	(tm) =	ssettm $0x1  }
0x91: {  	s18 =	sld [smem:$0x3FFB];
	_ =	sdelay $0x3  }
0x92: {  	_ =	strace s18  }
0x93: {  	s3 =	sld [smem:$0x3FFC];
	_ =	sdelay $0x3  }
0x94: {  	_ =	strace s3  }
0x95: {  	s3 =	sld [smem:$0x3FFD];
	_ =	sdelay $0x3  }
0x96: {  	_ =	strace s3  }
0x97: {  	_ =	strace $0x8FFFFFFF  }
0x98: {  	s19 =	sld [smem:$0x3FDB];
	_ =	sdelay $0x1  }
0x99: {  	s4 =	simm.s32 $_scs_section_size  }
0x9a: {  	s5 =	simm.s32 $_size__tile_overlayer_lowered;
	s6 =	simm.s32 $_tile_overlayer_lowered  }
0x9b: {  	s22 =	simm.s32 $0x1BFF;
	s21 =	sshll.u32 s6, $0x1;
	s3 =	sadd.s32 s4, s19  }
0x9c: {  	s7 =	simm.s32 $0x0;
	s20 =	sshll.u32 s5, $0x1;
	s5 =	sadd.s32 s21, s3  }
0x9d: {  	[timem:s7], [sflag:s22] =	dma.local [hbm:s5], s20  }
0x9e: {  	_ =	swait.ge [sflag:s22], s20  }
0x9f: {  	s4 =	ssub.s32 $0x0, s20;
	[sflag:s22] =	ssyncset.done $0x0  }
0xa0: {  	[sflag:s22] =	ssyncadd.s32 s4;
	_ =	sdelay $0x1  }
0xa1: {  	s23 =	simm.s32 $0x1B8B  }
0xa2: {  	_ =	swait.ge [sflag:s23], $0x1  }
0xa3: {  	[sflag:s23] =	ssyncset.done $0x0  }
0xa4: {  	s25 =	simm.s32 $0x1B8E;
	s24 =	sld [smem:$0x3FFE];
	[sflag:s23] =	ssyncadd.s32 $0xFFFFFFFF  }
0xa5: {  	s26 =	simm.s32 $execute0_lowered;
	[smem:$0x3FD2] =	sst s25  }
0xa6: {  	s5 =	sshll.u32 s26, $0x1;
	_ =	strace $0x80000046;
	[dreg:$0x1] =	wrdreg $0xFFFFFFFF  }
0xa7: {  	s28 =	simm.s32 $_size_execute0_lowered;
	s3 =	sadd.s32 s3, s5;
	[dreg:$0x0] =	wrdreg $0x0  }
0xa8: {  	s5 =	sshll.u32 s28, $0x1;
	[dreg:$0x2] =	wrdreg s3  }
0xa9: {  	[dreg:$0x3] =	wrdreg s5  }
0xaa: {  	[dreg:$0x4] =	wrdreg $0xC0  }
0xab: {  	_ =	task [dreg:s7], $0x5FFFF  }
0xac: {  	[dreg:$0x1] =	wrdreg $0xFFFFFFFF  }
0xad: {  	[dreg:$0x0] =	wrdreg $0x60  }
0xae: {  	[dreg:$0x2] =	wrdreg s2  }
0xaf: {  	[dreg:$0x3] =	wrdreg s24  }
0xb0: {  	[dreg:$0x4] =	wrdreg $0xCD000  }
0xb1: {  	[dreg:$0x5] =	wrdreg $0x9  }
0xb2: {  	_ =	task.clear_ibuf [dreg:s7], $0x6FFFF;
	_ =	strace $0x90000046  }
0xb3: {  	s29 =	simm.s32 $0x9;
	_ =	strace $0x80000048  }
0xb4: {  	_ =	swait.ge [sflag:s29], $0x1  }
0xb5: {  	[sflag:s29] =	ssyncadd.s32 $0xFFFFFFFF  }
0xb6: {  	_ =	strace $0x90000048  }
0xb7: {  	_ =	sfence  }
0xb8: {  	s30 =	sld [smem:$0x0];
	_ =	sdelay $0x2  }
0xb9: {  	s31 =	sshll.u32 s1, $0xD;
	s1 =	sshrl.u32 s1, $0x2  }
0xba: {  	s3 =	sand.u32 $0x4000, s31;
	s1 =	sadd.s32 s1, s30  }
0xbb: {  	s0 =	sor.u32 s3, s0;
	s1 =	sshll.u32 s1, $0x11  }
0xbc: {  	s0 =	sor.u32 s1, s0  }
0xbd: {  	s0 =	sadd.s32 $0x8F2B, s0  }
0xbe: {  	[sflag:s0] =	ssyncadd.remote.s32 $0x1  }
0xbf: {  	_ =	sfence.sel $0xFFFF  }
0xc0: {  	[dreg:$0x0] =	wrdreg $0xFFFFFFFF;
	(pc) =	sbr.abs _section_cstart, $3  }
0xc1: {  	[dreg:$0x1] =	wrdreg $0xFFFFFFFF  }
0xc2: {  	_ =	task.clear_ibuf [dreg:s7], $0x2FFFF;
	_ =	strace $0x9FFFFFFF  }
0xc3: {  	(tm) =	ssettm $0x7FFFFFFF  }
tec
execute0_lowered:
.L_overlay_start_1:
0x0: {  	(tag) =	ssettag $0x1  }
0x1: {  	s4 =	rddreg [dreg:$0x0]  }
0x2: {  	s5 =	rddreg [dreg:$0x1]  }
0x3: {  	s6 =	rddreg [dreg:$0x2]  }
0x4: {  	s0 =	rddreg [dreg:$0x3];
	s3 =	srdreg.scid  }
0x5: {  	s2 =	simm.s32 $0x0;
	s1 =	stileid.u32;
	s14 =	simm.s32 $0x7D00  }
0x6: {  	s15 =	simm.s32 $0x100;
	s16 =	simm.s32 $0x7800;
	s17 =	simm.s32 $0x0  }
0x7: {  	s7 =	sand.u32 $0x1, s3;
	[smem:$0x7FF] =	sst s2;
	s8 =	smul.u32 $0xA00, s1  }
0x8: {  	s26 =	sshrl.u32 s1, $0x3;
	s11 =	sshll.u32 s1, $0x7;
	s12 =	smul.u32 $0xA000, s1  }
0x9: {  	s3 =	sshll.u32 s7, $0x4;
	_ =	strace $0x80000047;
	s9 =	sshll.u32 s7, $0x7  }
0xa: {  	s7 =	ssub.s32 $0x2, s7;
	s11 =	sand.u32 $0x380, s11;
	s10 =	sor.u32 s1, s3  }
0xb: {  	s3 =	sadd.s32 $0xBC00, s5;
	s8 =	sor.u32 s9, s8;
	s28 =	sshrl.u32 s7, $0x1  }
0xc: {  	s31 =	sshrl.u32 s12, $0x2;
	s25 =	sshrl.u32 s10, $0x3;
	s10 =	smul.u32 $0xA0000, s26  }
0xd: {  	s12 =	simm.s32 $0x400;
	s8 =	sshrl.u32 s8, $0x3;
	s13 =	ssub.s32 s7, s28  }
0xe: {  	s9 =	smul.u32 $0x14000, s25;
	s8 =	sadd.s32 s8, s5;
	s10 =	sshrl.u32 s10, $0x2  }
0xf: {  	s7 =	sadd.s32 $0xC600, s8;
	s8 =	smax.u32 s13, $0x1;
	s13 =	simm.s32 $0x28000  }
0x10: {  	s9 =	sor.u32 s11, s9;
	s30 =	sadd.s32 s10, s6;
	s6 =	sadd.s32 s31, s6  }
0x11: {  	s10 =	simm.s32 $0x1;
	s29 =	sshrl.u32 s9, $0x3;
	s5 =	sadd.s32 s11, s30  }
0x12: {  	v0 =	vimm.f32 $1.000000000e+00;
	s9 =	simm.s32 $0x2800;
	s11 =	simm.s32 $0x80;
	s4 =	sadd.s32 s4, s29  }
.LBB2_1:
0x13: {  	[tilespmem:s9], [sflag:$0x1] =	stream.linear.gather [hbm4b:s3+s2], $0x5000, $0x38;
	[tilespmem:$0x11D00] =	vst v63  }
0x14: {  	_ =	swait.ge [sflag:s10], $0x5000  }
0x15: {  	[sflag:s10] =	ssyncset.done $0x0  }
0x16: {  	[sflag:s10] =	ssyncadd.s32 $0xFFFFB000  }
0x17: {  	[tilespmem:s2], [sflag:$0x1] =	stream.strided.gather [hbm4b:s4+s11], $0x2800, s12, s11, $0x38;
	[tilespmem:$0x11D00] =	vst v63  }
0x18: {  	_ =	swait.ge [sflag:s10], $0x2800  }
0x19: {  	[sflag:s10] =	ssyncset.done $0x0  }
0x1a: {  	s18 =	simm.s32 $0x0;
	[sflag:s10] =	ssyncadd.s32 $0xFFFFD800  }
0x1b: {  	v1 =	vld [tilespmem:s18+$0x0];
	_ =	sdelay $0x4  }
0x1c: {  	v2 =	vand.u32 $0x3FFF, v1  }
0x1d: {  	v1 =	vshra.s32 v1, $0xE  }
0x1e: {  	v1 =	vadd.s32 $0x2800, v1;
	_ =	sdelay $0x2  }
0x1f: {  	s19 =	simm.s32 $0x80;
	s18 =	simm.s32 $0x40;
	[tilespmem:v2+s9+$0x0] =	vst.idx.add.f32.msk $0xffff, v0  }
.LBB2_2:
0x20: {  	p0 =	sne.s32 s19, $0x9FC0  }
0x21: {  	s20 =	sshra.s32 s18, $0x2;
	[tilespmem:v1+s9+$0x0] =	vst.idx.add.f32.msk $0xffff, v0;
	s18 =	smov.u32 s19;
	s19 =	sadd.s32 $0x40, s19  }
0x22: {  	v1 =	vld [tilespmem:s20+$0x0];
	_ =	sdelay $0x4  }
0x23: {  	v2 =	vand.u32 $0x3FFF, v1;
	v1 =	vshra.s32 v1, $0xE  }
.Ltmp0:
0x24: {  	v1 =	vadd.s32 $0x2800, v1;
	(pc) =	sbr.rel @p0 .LBB2_2-.Ltmp0, $2  }
0x25: {  	_ =	sdelay $0x2  }
0x26: {  	[tilespmem:v2+s9+$0x0] =	vst.idx.add.f32.msk $0xffff, v0  }
0x27: {  	_ =	sdelay $0x3  }
0x28: {  	s18 =	sshra.s32 s18, $0x2;
	[tilespmem:v1+s9+$0x0] =	vst.idx.add.f32.msk $0xffff, v0  }
0x29: {  	v1 =	vld [tilespmem:s18+$0x0];
	_ =	sdelay $0x4  }
0x2a: {  	v2 =	vand.u32 $0x3FFF, v1;
	v1 =	vshra.s32 v1, $0xE  }
0x2b: {  	v1 =	vadd.s32 $0x2800, v1;
	_ =	sdelay $0x3  }
0x2c: {  	[tilespmem:v2+s9+$0x0] =	vst.idx.add.f32.msk $0xffff, v0  }
0x2d: {  	[tilespmem:v1+s9+$0x0] =	vst.idx.add.f32.msk $0xffff, v0  }
0x2e: {  	[spmem:s5] =	stream.strided.scatter [tilespmem:s9], [sflag:$0x1], $0x5000, s12, s11, $0x38;
	[tilespmem:$0x11D00] =	vst v63  }
0x2f: {  	_ =	swait.ge [sflag:s10], $0x5000  }
0x30: {  	[sflag:s10] =	ssyncset.done $0x0  }
0x31: {  	[sflag:s10] =	ssyncadd.s32 $0xFFFFB000  }
0x32: {  	[bflag:$0x0] =	sbarrier.arrive $0xFFFF  }
0x33: {  	[tilespmem:s14], [sflag:$0x1] =	stream.strided.gather [spmem:s6], $0x5000, s13, s9, $0x38;
	[tilespmem:$0x11D00] =	vst v63  }
0x34: {  	s30 =	simm.s32 $0x0;
	_ =	swait.ge [sflag:s10], $0x5000  }
0x35: {  	s19 =	sand.u32 $0x70, s30;
	s18 =	sand.u32 $0x3C00, s30;
	[sflag:s10] =	ssyncset.done $0x0  }
0x36: {  	s18 =	sor.u32 s19, s18;
	[sflag:s10] =	ssyncadd.s32 $0xFFFFB000  }
0x37: {  	v1 =	vld [tilespmem:s18+$0x7D80]  }
0x38: {  	v2 =	vld [tilespmem:s18+$0x7D00];
	_ =	sdelay $0x1  }
0x39: {  	v3 =	vld [tilespmem:s18+$0x7E00];
	_ =	sdelay $0x1  }
0x3a: {  	v4 =	vld [tilespmem:s18+$0x7E80]  }
0x3b: {  	v1 =	vadd.f32 v1, v2  }
0x3c: {  	v2 =	vld [tilespmem:s18+$0x7F00]  }
0x3d: {  	v1 =	vadd.f32 v3, v1  }
0x3e: {  	v3 =	vld [tilespmem:s18+$0x7F80]  }
0x3f: {  	v1 =	vadd.f32 v4, v1  }
0x40: {  	v60 =	vld [tilespmem:s18+$0x8000]  }
0x41: {  	v1 =	vadd.f32 v2, v1  }
0x42: {  	v2 =	vld [tilespmem:s18+$0x8080]  }
0x43: {  	v1 =	vadd.f32 v3, v1  }
0x44: {  	v3 =	vld [tilespmem:s18+$0xA500]  }
0x45: {  	v1 =	vadd.f32 v60, v1  }
0x46: {  	v61 =	vld [tilespmem:s18+$0xA580]  }
0x47: {  	v1 =	vadd.f32 v2, v1  }
0x48: {  	v2 =	vld [tilespmem:s18+$0xA600]  }
0x49: {  	v1 =	vadd.f32 v3, v1  }
0x4a: {  	v3 =	vld [tilespmem:s18+$0xA680]  }
0x4b: {  	v1 =	vadd.f32 v61, v1  }
0x4c: {  	v62 =	vld [tilespmem:s18+$0xA700]  }
0x4d: {  	v1 =	vadd.f32 v2, v1  }
0x4e: {  	v2 =	vld [tilespmem:s18+$0xA780]  }
0x4f: {  	v1 =	vadd.f32 v3, v1  }
0x50: {  	v3 =	vld [tilespmem:s18+$0xA800]  }
0x51: {  	v1 =	vadd.f32 v62, v1  }
0x52: {  	v63 =	vld [tilespmem:s18+$0xA880]  }
0x53: {  	v1 =	vadd.f32 v2, v1;
	_ =	sdelay $0x1  }
0x54: {  	v1 =	vadd.f32 v3, v1;
	_ =	sdelay $0x1  }
0x55: {  	s31 =	simm.s32 $0x10;
	s20 =	simm.s32 $0x80;
	v1 =	vadd.f32 v63, v1  }
0x56: {  	s21 =	sand.u32 $0x3C00, s20;
	s19 =	sand.u32 $0x70, s31;
	s18 =	simm.s32 $0x7800  }
0x57: {  	s19 =	sor.u32 s19, s21;
	s21 =	simm.s32 $0x20;
	[tilespmem:s18+$0x0] =	vst v1  }
.LBB2_4:
0x58: {  	p0 =	sne.s32 s21, $0x4F0;
	v1 =	vld [tilespmem:s19+$0x7D80]  }
0x59: {  	v2 =	vld [tilespmem:s19+$0x7D00];
	_ =	sdelay $0x1  }
0x5a: {  	v3 =	vld [tilespmem:s19+$0x7E00];
	_ =	sdelay $0x1  }
0x5b: {  	v4 =	vld [tilespmem:s19+$0x7E80]  }
0x5c: {  	v1 =	vadd.f32 v1, v2  }
0x5d: {  	v2 =	vld [tilespmem:s19+$0x7F00]  }
0x5e: {  	v1 =	vadd.f32 v3, v1  }
0x5f: {  	v3 =	vld [tilespmem:s19+$0x7F80]  }
0x60: {  	v1 =	vadd.f32 v4, v1  }
0x61: {  	v4 =	vld [tilespmem:s19+$0x8000]  }
0x62: {  	v1 =	vadd.f32 v2, v1  }
0x63: {  	v2 =	vld [tilespmem:s19+$0x8080]  }
0x64: {  	v1 =	vadd.f32 v3, v1  }
0x65: {  	v3 =	vld [tilespmem:s19+$0xA500]  }
0x66: {  	v1 =	vadd.f32 v4, v1  }
0x67: {  	v4 =	vld [tilespmem:s19+$0xA580]  }
0x68: {  	v1 =	vadd.f32 v2, v1  }
0x69: {  	v2 =	vld [tilespmem:s19+$0xA600]  }
0x6a: {  	v1 =	vadd.f32 v3, v1  }
0x6b: {  	v3 =	vld [tilespmem:s19+$0xA680]  }
0x6c: {  	v1 =	vadd.f32 v4, v1  }
0x6d: {  	v4 =	vld [tilespmem:s19+$0xA700]  }
0x6e: {  	v1 =	vadd.f32 v2, v1  }
0x6f: {  	v2 =	vld [tilespmem:s19+$0xA780]  }
0x70: {  	v1 =	vadd.f32 v3, v1  }
0x71: {  	v3 =	vld [tilespmem:s19+$0xA800]  }
0x72: {  	v1 =	vadd.f32 v4, v1  }
0x73: {  	v4 =	vld [tilespmem:s19+$0xA880]  }
0x74: {  	v1 =	vadd.f32 v2, v1;
	_ =	sdelay $0x1  }
.Ltmp1:
0x75: {  	v1 =	vadd.f32 v3, v1;
	(pc) =	sbr.rel @p0 .LBB2_4-.Ltmp1, $4  }
0x76: {  	_ = 	snop  }
0x77: {  	s20 =	sadd.s32 $0x80, s20;
	v1 =	vadd.f32 v4, v1  }
0x78: {  	s18 =	sadd.s32 $0x10, s18;
	s22 =	sand.u32 $0x3C00, s20;
	s19 =	sand.u32 $0x70, s21  }
0x79: {  	s21 =	sadd.s32 $0x10, s21;
	s19 =	sor.u32 s19, s22;
	[tilespmem:s18+$0x0] =	vst v1  }
0x7a: {  	v1 =	vld [tilespmem:s19+$0x7D80]  }
0x7b: {  	v2 =	vld [tilespmem:s19+$0x7D00];
	_ =	sdelay $0x1  }
0x7c: {  	v3 =	vld [tilespmem:s19+$0x7E00];
	_ =	sdelay $0x1  }
0x7d: {  	v4 =	vld [tilespmem:s19+$0x7E80]  }
0x7e: {  	v1 =	vadd.f32 v1, v2  }
0x7f: {  	v2 =	vld [tilespmem:s19+$0x7F00]  }
0x80: {  	v1 =	vadd.f32 v3, v1  }
0x81: {  	v3 =	vld [tilespmem:s19+$0x7F80]  }
0x82: {  	v1 =	vadd.f32 v4, v1  }
0x83: {  	v60 =	vld [tilespmem:s19+$0x8000]  }
0x84: {  	v1 =	vadd.f32 v2, v1  }
0x85: {  	v2 =	vld [tilespmem:s19+$0x8080]  }
0x86: {  	v1 =	vadd.f32 v3, v1  }
0x87: {  	v3 =	vld [tilespmem:s19+$0xA500]  }
0x88: {  	v1 =	vadd.f32 v60, v1  }
0x89: {  	v61 =	vld [tilespmem:s19+$0xA580]  }
0x8a: {  	v1 =	vadd.f32 v2, v1  }
0x8b: {  	v2 =	vld [tilespmem:s19+$0xA600]  }
0x8c: {  	v1 =	vadd.f32 v3, v1  }
0x8d: {  	v3 =	vld [tilespmem:s19+$0xA680]  }
0x8e: {  	v1 =	vadd.f32 v61, v1  }
0x8f: {  	v62 =	vld [tilespmem:s19+$0xA700]  }
0x90: {  	v1 =	vadd.f32 v2, v1  }
0x91: {  	v2 =	vld [tilespmem:s19+$0xA780]  }
0x92: {  	v1 =	vadd.f32 v3, v1  }
0x93: {  	v3 =	vld [tilespmem:s19+$0xA800]  }
0x94: {  	v1 =	vadd.f32 v62, v1  }
0x95: {  	v63 =	vld [tilespmem:s19+$0xA880]  }
0x96: {  	v1 =	vadd.f32 v2, v1;
	_ =	sdelay $0x1  }
0x97: {  	v1 =	vadd.f32 v3, v1;
	_ =	sdelay $0x1  }
0x98: {  	s17 =	sadd.s32 $0x1, s17;
	v1 =	vadd.f32 v63, v1  }
0x99: {  	s18 =	sadd.s32 $0x10, s18;
	p0 =	sne.s32 s17, s8  }
.Ltmp2:
0x9a: {  	[tilespmem:s18+$0x0] =	vst v1;
	(pc) =	sbr.rel @p0 .LBB2_1-.Ltmp2, $4  }
0x9b: {  	[hbm4b:s7+s11] =	stream.strided.scatter [tilespmem:s16], [sflag:$0x1], $0x500, s15, s11, $0x38;
	[tilespmem:$0x11D00] =	vst v63  }
0x9c: {  	_ =	swait.ge [sflag:s10], $0x500  }
0x9d: {  	[sflag:s10] =	ssyncset.done $0x0  }
0x9e: {  	[sflag:s10] =	ssyncadd.s32 $0xFFFFFB00  }
0x9f: {  	_ =	sfence.sel $0x180000  }
0xa0: {  	[bflag:$0x0] =	sbarrier.arrive $0xFFFF  }
0xa1: {  	p0 =	sne.s32 s1, $0x0;
	_ =	strace $0x90000047  }
0xa2: {  	s0 =	sadd.s32 @!p0 $0x100000, s0;
	[bflag:$0x2] =	sbarrier.arrive $0xFFFF  }
0xa3: {  	[sflag:s0] =	ssyncadd.tile.s32 @!p0 $0x1;
	_ =	shalt  }
.Lfunc_end2:
_tile_overlayer_lowered:
.L_overlay_start_2:
0xa4: {  	(tag) =	ssettag $0x2  }
0xa5: {  	s0 =	rddreg [dreg:$0x0];
	s2 =	stileid.u32  }
0xa6: {  	s1 =	rddreg [dreg:$0x1];
	p0 =	sne.s32 s2, $0x0  }
0xa7: {  	s3 =	rddreg [dreg:$0x2];
	[bflag:$0x3] =	sbarrier.arrive $0xFFFF;
	s2 =	simm.s32 @!p0 $0x1C01  }
0xa8: {  	[timem:s3], [sflag:s2] =	dma.local @!p0 [hbm:s0], s1  }
0xa9: {  	s0 =	simm.s32 @!p0 $0x1  }
0xaa: {  	_ =	swait.ge @!p0 [sflag:s0], s1  }
0xab: {  	s1 =	ssub.s32 @!p0 $0x0, s1;
	[sflag:s0] =	ssyncset.done @!p0 $0x0  }
0xac: {  	[sflag:s0] =	ssyncadd.s32 @!p0 s1  }
0xad: {  	[bflag:$0x3] =	sbarrier.arrive $0xFFFF  }
0xae: {  	_ =	shalt  }

</sc_bundles>
